<compile_context>
chip_gen: v7x
topology: tpu7x:2x2x1
jax: 0.10.2.dev20260603
libtpu: 0.0.44.dev20260713+nightly
codegen_flags: <defaults>
</compile_context>

<pallas_src>
import functools

import jax
import jax.numpy as jnp
from jax import lax
from jax.experimental import pallas as pl
from jax.experimental.pallas import tpu as pltpu
from jax.experimental.pallas import tpu_sc as plsc

N = 10000
D = 128
E = 320000
EH = E // 2
NCORE = 2
NSUB = 16
EPT = EH // NSUB
CHUNK = 128
BCH = EPT // CHUNK
TAIL = EPT - BCH * CHUNK
EPTP = (BCH + 2) * CHUNK
NP = 10240
NPT = NP // NSUB
GRP = 39
NGRP = BCH // GRP


def _rsqrt_newton(d):
    seed = jnp.where(d < 64.0, 1.0 / 8.0,
                     jnp.where(d < 4096.0, 1.0 / 64.0, 1.0 / 512.0))
    y = seed.astype(jnp.float32)
    for _ in range(11):
        y = y * (1.5 - 0.5 * d * y * y)
    return jnp.where(d > 0.5, y, 0.0)


@functools.partial(
    pl.kernel,
    mesh=plsc.VectorSubcoreMesh(core_axis_name="c", subcore_axis_name="s"),
    out_type=jax.ShapeDtypeStruct((NCORE, NP), jnp.float32),
    compiler_params=pltpu.CompilerParams(needs_layout_passes=False),
    scratch_types=[
        pltpu.VMEM((2, EPTP), jnp.int32),
        pltpu.VMEM((EPT,), jnp.int32),
        pltpu.VMEM((EPT,), jnp.int32),
        pltpu.VMEM((EPT,), jnp.float32),
        pltpu.VMEM((NP,), jnp.float32),
        pltpu.VMEM((NPT,), jnp.float32),
        pltpu.VMEM((NPT,), jnp.float32),
        pltpu.VMEM_SHARED((NP,), jnp.float32),
        pltpu.VMEM_SHARED((NP,), jnp.float32),
        pltpu.VMEM_SHARED((NP,), jnp.float32),
        pltpu.SemaphoreType.DMA,
        pltpu.SemaphoreType.DMA,
    ],
)
def _sc_coeffs(ei_hbm, out_hbm, rowcol_buf, row_buf, col_buf, vals_buf,
               dinv_full, slice_buf, dinv_slice, sp_deg, sp_t, sp_dinv,
               sem_in, sem_scat):
    cid = lax.axis_index("c")
    sid = lax.axis_index("s")
    nbase = sid * NPT
    ebase = cid * EH + sid * EPT
    abase = pl.multiple_of(
        jnp.minimum(ebase - (ebase % CHUNK), E - EPTP), CHUNK)
    ph = pl.multiple_of(ebase - abase, 16)

    pltpu.async_copy(ei_hbm.at[pl.ds(0, 2), pl.ds(abase, EPTP)], rowcol_buf,
                     sem_in)

    zeros = jnp.zeros((16,), jnp.float32)
    ones = jnp.ones((16,), jnp.float32)

    def zbody(i, c):
        for j in range(8):
            slice_buf[pl.ds(i * 128 + j * 16, 16)] = zeros
        return c
    lax.fori_loop(0, NPT // 128, zbody, 0)
    pltpu.sync_copy(slice_buf, sp_deg.at[pl.ds(nbase, NPT)])
    pltpu.sync_copy(slice_buf, sp_t.at[pl.ds(nbase, NPT)])

    def obody(i, c):
        for j in range(8):
            vals_buf[pl.ds(i * 128 + j * 16, 16)] = ones
        return c
    lax.fori_loop(0, EPT // 128, obody, 0)
    for j in range(TAIL // 16):
        vals_buf[pl.ds(BCH * CHUNK + j * 16, 16)] = ones

    pltpu.make_async_copy(ei_hbm.at[pl.ds(0, 2), pl.ds(abase, EPTP)],
                          rowcol_buf, sem_in).wait()

    def rbody(i, c):
        for j in range(5):
            row_buf[pl.ds(i * 80 + j * 16, 16)] = rowcol_buf[
                0, pl.ds(ph + i * 80 + j * 16, 16)]
            col_buf[pl.ds(i * 80 + j * 16, 16)] = rowcol_buf[
                1, pl.ds(ph + i * 80 + j * 16, 16)]
        return c
    lax.fori_loop(0, EPT // 80, rbody, 0)

    plsc.subcore_barrier()

    def _scatter_all(target):
        def grp_body(g, c):
            def start_body(j, c2):
                k = g * GRP + j
                pltpu.async_copy(vals_buf.at[pl.ds(k * CHUNK, CHUNK)],
                                 target.at[row_buf.at[pl.ds(k * CHUNK, CHUNK)]],
                                 sem_scat, add=True)
                return c2
            lax.fori_loop(0, GRP, start_body, 0)

            def drain_body(j, c2):
                k = g * GRP + j
                pltpu.make_async_copy(
                    vals_buf.at[pl.ds(k * CHUNK, CHUNK)],
                    target.at[row_buf.at[pl.ds(k * CHUNK, CHUNK)]],
                    sem_scat).wait()
                return c2
            lax.fori_loop(0, GRP, drain_body, 0)
            return c
        lax.fori_loop(0, NGRP, grp_body, 0)

        pltpu.sync_copy(vals_buf.at[pl.ds(BCH * CHUNK, TAIL)],
                        target.at[row_buf.at[pl.ds(BCH * CHUNK, TAIL)]],
                        add=True)

    _scatter_all(sp_deg)

    plsc.subcore_barrier()

    pltpu.sync_copy(sp_deg.at[pl.ds(nbase, NPT)], slice_buf)

    def dbody(i, c):
        for j in range(2):
            d = slice_buf[pl.ds(i * 32 + j * 16, 16)]
            dinv_slice[pl.ds(i * 32 + j * 16, 16)] = _rsqrt_newton(d)
        return c
    lax.fori_loop(0, NPT // 32, dbody, 0)
    pltpu.sync_copy(dinv_slice, sp_dinv.at[pl.ds(nbase, NPT)])

    plsc.subcore_barrier()

    pltpu.sync_copy(sp_dinv, dinv_full)

    def gbody(i, c):
        for j in range(5):
            cidx = col_buf[pl.ds(i * 80 + j * 16, 16)]
            vals_buf[pl.ds(i * 80 + j * 16, 16)] = plsc.load_gather(
                dinv_full, [cidx])
        return c
    lax.fori_loop(0, EPT // 80, gbody, 0)

    _scatter_all(sp_t)

    plsc.subcore_barrier()

    pltpu.sync_copy(sp_t.at[pl.ds(nbase, NPT)], slice_buf)

    def fbody(i, c):
        for j in range(8):
            t = slice_buf[pl.ds(i * 128 + j * 16, 16)]
            dv = dinv_slice[pl.ds(i * 128 + j * 16, 16)]
            slice_buf[pl.ds(i * 128 + j * 16, 16)] = t * dv
        return c
    lax.fori_loop(0, NPT // 128, fbody, 0)
    pltpu.sync_copy(slice_buf, out_hbm.at[cid, pl.ds(nbase, NPT)])


def _mm_body(x_ref, win_ref, wout_ref, wloop_ref, a_in_ref, a_out_ref,
             a_loop_ref):
    x = x_ref[...]
    a_in_ref[...] = jnp.dot(
        x, win_ref[...], preferred_element_type=jnp.float32).astype(jnp.bfloat16)
    a_out_ref[...] = jnp.dot(
        x, wout_ref[...], preferred_element_type=jnp.float32).astype(jnp.bfloat16)
    a_loop_ref[...] = jnp.dot(
        x, wloop_ref[...], preferred_element_type=jnp.float32).astype(jnp.bfloat16)


NBLK = 5
BLK = N // NBLK


def _combine_body(a_in_hbm, a_out_hbm, a_loop_hbm, s_ref, g_ref, b_ref,
                  o_hbm, a1v, a2v, a3v, pv, sem_in2, sem_out):
    for k in range(NBLK):
        r = pl.ds(k * BLK, BLK)
        pltpu.async_copy(a_in_hbm.at[r], a1v.at[r], sem_in2)
        pltpu.async_copy(a_out_hbm.at[r], a2v.at[r], sem_in2)
        pltpu.async_copy(a_loop_hbm.at[r], a3v.at[r], sem_in2)

    sin = jnp.transpose(s_ref[0:1, :N])
    sout = jnp.transpose(s_ref[1:2, :N])

    acc = jnp.zeros((1, D), jnp.float32)
    acc2 = jnp.zeros((1, D), jnp.float32)
    for k in range(NBLK):
        r = pl.ds(k * BLK, BLK)
        pltpu.make_async_copy(a_in_hbm.at[r], a1v.at[r], sem_in2).wait()
        pltpu.make_async_copy(a_out_hbm.at[r], a2v.at[r], sem_in2).wait()
        pltpu.make_async_copy(a_loop_hbm.at[r], a3v.at[r], sem_in2).wait()
        pre = (a1v[r, :].astype(jnp.float32) * sin[k * BLK:(k + 1) * BLK, :]
               + a2v[r, :].astype(jnp.float32) * sout[k * BLK:(k + 1) * BLK, :]
               + a3v[r, :].astype(jnp.float32)) * jnp.float32(1.0 / 3.0)
        pv[r, :] = pre
        acc = acc + jnp.sum(pre, axis=0, keepdims=True)
        acc2 = acc2 + jnp.sum(pre * pre, axis=0, keepdims=True)

    mean = acc * jnp.float32(1.0 / N)
    var = acc2 * jnp.float32(1.0 / N) - mean * mean
    ginv = g_ref[...] * lax.rsqrt(var + 1e-5)
    shift = b_ref[...] - mean * ginv

    for k in range(NBLK):
        r = pl.ds(k * BLK, BLK)
        pv[r, :] = jnp.tanh(pv[r, :] * ginv + shift)
        pltpu.async_copy(pv.at[r], o_hbm.at[r], sem_out)

    for k in range(NBLK):
        r = pl.ds(k * BLK, BLK)
        pltpu.make_async_copy(pv.at[r], o_hbm.at[r], sem_out).wait()


def kernel(batch, x, edge_index, rel_embed, W_in, W_out, W_loop, gamma, beta):
    s2 = _sc_coeffs(edge_index)

    bdt = jnp.bfloat16
    a_in, a_out, a_loop = pl.pallas_call(
        _mm_body,
        out_shape=(jax.ShapeDtypeStruct((N, D), bdt),
                   jax.ShapeDtypeStruct((N, D), bdt),
                   jax.ShapeDtypeStruct((N, D), bdt)),
    )(x, W_in, W_out, W_loop)

    out = pl.pallas_call(
        _combine_body,
        out_shape=jax.ShapeDtypeStruct((N, D), jnp.float32),
        in_specs=[
            pl.BlockSpec(memory_space=pl.ANY),
            pl.BlockSpec(memory_space=pl.ANY),
            pl.BlockSpec(memory_space=pl.ANY),
            pl.BlockSpec(memory_space=pltpu.VMEM),
            pl.BlockSpec(memory_space=pltpu.VMEM),
            pl.BlockSpec(memory_space=pltpu.VMEM),
        ],
        out_specs=pl.BlockSpec(memory_space=pl.ANY),
        scratch_shapes=[
            pltpu.VMEM((N, D), bdt),
            pltpu.VMEM((N, D), bdt),
            pltpu.VMEM((N, D), bdt),
            pltpu.VMEM((N, D), jnp.float32),
            pltpu.SemaphoreType.DMA,
            pltpu.SemaphoreType.DMA,
        ],
    )(a_in, a_out, a_loop, s2, gamma.reshape(1, D), beta.reshape(1, D))
    return out, rel_embed

# --- scband reference (transcript-rebuilt; emitter-appended) ---
"""Pipeline reference for scband-ent-conv-layer-90159953477952 (READ-ONLY COPY).

The authoritative reference and input builder live on the scoring server;
editing this copy changes nothing except your own understanding.
"""

import jax, jax.numpy as jnp
import numpy as np

N = 10000
E = 320000
D = 128
R = 200

def setup_inputs(seed: int = 0):
    key = jax.random.key(seed)
    ks = jax.random.split(key, 8)
    x = jax.random.normal(ks[0], (N, D), dtype=jnp.float32)
    edge_index = jax.random.randint(ks[1], (2, E), 0, N, dtype=jnp.int32)
    rel_embed = jax.random.normal(ks[2], (R, D), dtype=jnp.float32)
    scale = (1.0 / D) ** 0.5  # xavier_normal std for square matrix
    W_in = scale * jax.random.normal(ks[3], (D, D), dtype=jnp.float32)
    W_out = scale * jax.random.normal(ks[4], (D, D), dtype=jnp.float32)
    W_loop = scale * jax.random.normal(ks[5], (D, D), dtype=jnp.float32)
    gamma = jnp.ones((D,), dtype=jnp.float32)
    beta = jnp.zeros((D,), dtype=jnp.float32)
    return {"batch": 0, "x": x, "edge_index": edge_index, "rel_embed": rel_embed,
            "W_in": W_in, "W_out": W_out, "W_loop": W_loop, "gamma": gamma, "beta": beta}

def reference(batch, x, edge_index, rel_embed, W_in, W_out, W_loop, gamma, beta):
    # dropout layers are identity in eval; query=None; ent_agg='sum'; aug_link=False
    n = x.shape[0]
    e = edge_index.shape[1]
    half = e // 2

    def compute_norm(ei):
        row, col = ei[0], ei[1]
        deg = jax.ops.segment_sum(jnp.ones(row.shape[0], dtype=jnp.float32), row, num_segments=n)
        deg_inv = jnp.where(deg > 0, 1.0 / jnp.sqrt(jnp.maximum(deg, 1e-12)), 0.0)
        return deg_inv[row] * deg_inv[col]

    norm_in = compute_norm(edge_index[:, :half])
    norm_out = compute_norm(edge_index[:, half:])

    neighs = jnp.take(x, edge_index[0], axis=0)
    neighs_in = neighs[:half] @ W_in
    neighs_out = neighs[half:] @ W_out
    neighs_loop = x @ W_loop  # loop_index is arange(num_ent), so index_select is identity

    res_in = jax.ops.segment_sum(neighs_in * norm_in[:, None], edge_index[0, :half], num_segments=n)
    res_out = jax.ops.segment_sum(neighs_out * norm_out[:, None], edge_index[0, half:], num_segments=n)
    res_loop = neighs_loop  # scatter_sum with identity index

    pre = (1.0 / 3.0) * res_in + (1.0 / 3.0) * res_out + (1.0 / 3.0) * res_loop
    # BatchNorm1d (training-mode batch statistics, biased variance)
    mean = pre.mean(axis=0)
    var = pre.var(axis=0)
    bn = gamma * (pre - mean) / jnp.sqrt(var + 1e-5) + beta
    res = jnp.tanh(bn)
    return (res, rel_embed)

if __name__ == "__main__":
    import jax
    _d = setup_inputs()
    print(jax.jit(kernel)(*tuple(_d.values())))

</pallas_src>

<mosaic_0001>
#map = affine_map<(d0, d1) -> (0, 0)>
module attributes {stable_mosaic.version = 14 : i64} {
  func.func @_sc_coeffs(%arg0: i32, %arg1: i32, %arg2: memref<2x320000xi32, #tpu.memory_space<hbm>>, %arg3: memref<2x10240xf32, #tpu.memory_space<hbm>>, %arg4: memref<2x10240xi32, #tpu.memory_space<vmem>>, %arg5: memref<10000xi32, #tpu.memory_space<vmem>>, %arg6: memref<10000xi32, #tpu.memory_space<vmem>>, %arg7: memref<10000xf32, #tpu.memory_space<vmem>>, %arg8: memref<10240xf32, #tpu.memory_space<vmem>>, %arg9: memref<640xf32, #tpu.memory_space<vmem>>, %arg10: memref<640xf32, #tpu.memory_space<vmem>>, %arg11: memref<10240xf32, #tpu.memory_space<vmem_shared>>, %arg12: memref<10240xf32, #tpu.memory_space<vmem_shared>>, %arg13: memref<10240xf32, #tpu.memory_space<vmem_shared>>, %arg14: memref<!tpu.dma_semaphore, #tpu.memory_space<semaphore_mem>>, %arg15: memref<!tpu.dma_semaphore, #tpu.memory_space<semaphore_mem>>) attributes {dimension_semantics = [#tpu.dimension_semantics<core_parallel>, #tpu.dimension_semantics<subcore_parallel>], iteration_bounds = array<i64: 2, 16>, scalar_prefetch = 0 : i64, scratch_operands = 12 : i64, tpu.core_type = #tpu.core_type<sc_vector_subcore>, window_params = [{transform_indices = #map}, {transform_indices = #map}]} {
    %mul3A = arith.constant 640 : i32
    %mul3A_0 = arith.muli %arg1, %mul3A : i32
    %mul3A_1 = arith.constant 160000 : i32
    %mul3A_2 = arith.muli %arg0, %mul3A_1 : i32
    %mul3A_3 = arith.constant 10000 : i32
    %mul3A_4 = arith.muli %arg1, %mul3A_3 : i32
    %add3A = arith.addi %mul3A_2, %mul3A_4 : i32
    %jit3A = arith.constant 128 : i32
    %eq3A = arith.constant 0 : i32
    %eq3A_5 = arith.cmpi eq, %jit3A, %eq3A : i32
    %jit3A_6 = arith.constant 1 : i32
    %select_n3A = arith.select %eq3A_5, %jit3A_6, %jit3A : i32
    %rem3A = arith.remsi %add3A, %select_n3A : i32
    %ne3A = arith.constant 0 : i32
    %ne3A_7 = arith.cmpi ne, %rem3A, %ne3A : i32
    %lt3A = arith.constant 0 : i32
    %lt3A_8 = arith.cmpi slt, %rem3A, %lt3A : i32
    %lt3A_9 = arith.constant 0 : i32
    %lt3A_10 = arith.cmpi slt, %select_n3A, %lt3A_9 : i32
    %ne3A_11 = arith.xori %lt3A_8, %lt3A_10 : i1
    %and3A = arith.andi %ne3A_11, %ne3A_7 : i1
    %add3A_12 = arith.addi %rem3A, %select_n3A : i32
    %select_n3A_13 = arith.select %and3A, %add3A_12, %rem3A : i32
    %sub3A = arith.subi %add3A, %select_n3A_13 : i32
    %min3A = arith.constant 309760 : i32
    %min3A_14 = arith.minsi %sub3A, %min3A : i32
    %multiple_of3A = tpu.assume_multiple %min3A_14, 128 : i32
    %sub3A_15 = arith.subi %add3A, %multiple_of3A : i32
    %multiple_of3A_16 = tpu.assume_multiple %sub3A_15, 16 : i32
    %dma_start3A = arith.constant 0 : i32
    %dma_start3A_17 = tpu.memref_slice %arg2[%dma_start3A, %multiple_of3A] : memref<2x320000xi32, #tpu.memory_space<hbm>> -> memref<2x10240xi32, #tpu.memory_space<hbm>>
    %dma_start3A_18 = arith.constant 0 : i32
    %dma_start3A_19 = tpu.memref_slice %arg2[%dma_start3A_18, %multiple_of3A] : memref<2x320000xi32, #tpu.memory_space<hbm>> -> memref<2x10240xi32, #tpu.memory_space<hbm>>
    tpu.enqueue_dma source(%dma_start3A_19 : memref<2x10240xi32, #tpu.memory_space<hbm>>) target(%arg4 : memref<2x10240xi32, #tpu.memory_space<vmem>>) target_semaphore(%arg14 : memref<!tpu.dma_semaphore, #tpu.memory_space<semaphore_mem>>)
    %broadcast_in_dim3A = arith.constant 0.000000e+00 : f32
    %broadcast_in_dim3A_20 = vector.broadcast %broadcast_in_dim3A : f32 to vector<16xf32>
    %broadcast_in_dim3A_21 = arith.constant 1.000000e+00 : f32
    %broadcast_in_dim3A_22 = vector.broadcast %broadcast_in_dim3A_21 : f32 to vector<16xf32>
    %scan3A = arith.constant 0 : i32
    %scan3A_23 = arith.constant 0 : i32
    %scan3A_24 = arith.constant 5 : i32
    %scan3A_25 = arith.addi %scan3A_23, %scan3A_24 : i32
    %scan3A_26 = arith.constant 1 : i32
    scf.for %scan3A_77 = %scan3A_23 to %scan3A_25 step %scan3A_26  : i32 {
      %mul3A_78 = arith.constant 128 : i32
      %mul3A_79 = arith.muli %scan3A_77, %mul3A_78 : i32
      %add3A_80 = arith.constant 0 : i32
      %add3A_81 = arith.addi %mul3A_79, %add3A_80 : i32
      %swap3A_82 = arith.index_cast %add3A_81 : i32 to index
      %swap3A_83 = tpu.vector_load %arg9[%swap3A_82] {strides = array<i32>} : memref<640xf32, #tpu.memory_space<vmem>>, vector<16xf32>,
      tpu.vector_store %arg9[%swap3A_82], %broadcast_in_dim3A_20 {strides = array<i32>} : memref<640xf32, #tpu.memory_space<vmem>>, vector<16xf32>,
      %mul3A_84 = arith.constant 128 : i32
      %mul3A_85 = arith.muli %scan3A_77, %mul3A_84 : i32
      %add3A_86 = arith.constant 16 : i32
      %add3A_87 = arith.addi %mul3A_85, %add3A_86 : i32
      %swap3A_88 = arith.index_cast %add3A_87 : i32 to index
      %swap3A_89 = tpu.vector_load %arg9[%swap3A_88] {strides = array<i32>} : memref<640xf32, #tpu.memory_space<vmem>>, vector<16xf32>,
      tpu.vector_store %arg9[%swap3A_88], %broadcast_in_dim3A_20 {strides = array<i32>} : memref<640xf32, #tpu.memory_space<vmem>>, vector<16xf32>,
      %mul3A_90 = arith.constant 128 : i32
      %mul3A_91 = arith.muli %scan3A_77, %mul3A_90 : i32
      %add3A_92 = arith.constant 32 : i32
      %add3A_93 = arith.addi %mul3A_91, %add3A_92 : i32
      %swap3A_94 = arith.index_cast %add3A_93 : i32 to index
      %swap3A_95 = tpu.vector_load %arg9[%swap3A_94] {strides = array<i32>} : memref<640xf32, #tpu.memory_space<vmem>>, vector<16xf32>,
      tpu.vector_store %arg9[%swap3A_94], %broadcast_in_dim3A_20 {strides = array<i32>} : memref<640xf32, #tpu.memory_space<vmem>>, vector<16xf32>,
      %mul3A_96 = arith.constant 128 : i32
      %mul3A_97 = arith.muli %scan3A_77, %mul3A_96 : i32
      %add3A_98 = arith.constant 48 : i32
      %add3A_99 = arith.addi %mul3A_97, %add3A_98 : i32
      %swap3A_100 = arith.index_cast %add3A_99 : i32 to index
      %swap3A_101 = tpu.vector_load %arg9[%swap3A_100] {strides = array<i32>} : memref<640xf32, #tpu.memory_space<vmem>>, vector<16xf32>,
      tpu.vector_store %arg9[%swap3A_100], %broadcast_in_dim3A_20 {strides = array<i32>} : memref<640xf32, #tpu.memory_space<vmem>>, vector<16xf32>,
      %mul3A_102 = arith.constant 128 : i32
      %mul3A_103 = arith.muli %scan3A_77, %mul3A_102 : i32
      %add3A_104 = arith.constant 64 : i32
      %add3A_105 = arith.addi %mul3A_103, %add3A_104 : i32
      %swap3A_106 = arith.index_cast %add3A_105 : i32 to index
      %swap3A_107 = tpu.vector_load %arg9[%swap3A_106] {strides = array<i32>} : memref<640xf32, #tpu.memory_space<vmem>>, vector<16xf32>,
      tpu.vector_store %arg9[%swap3A_106], %broadcast_in_dim3A_20 {strides = array<i32>} : memref<640xf32, #tpu.memory_space<vmem>>, vector<16xf32>,
      %mul3A_108 = arith.constant 128 : i32
      %mul3A_109 = arith.muli %scan3A_77, %mul3A_108 : i32
      %add3A_110 = arith.constant 80 : i32
      %add3A_111 = arith.addi %mul3A_109, %add3A_110 : i32
      %swap3A_112 = arith.index_cast %add3A_111 : i32 to index
      %swap3A_113 = tpu.vector_load %arg9[%swap3A_112] {strides = array<i32>} : memref<640xf32, #tpu.memory_space<vmem>>, vector<16xf32>,
      tpu.vector_store %arg9[%swap3A_112], %broadcast_in_dim3A_20 {strides = array<i32>} : memref<640xf32, #tpu.memory_space<vmem>>, vector<16xf32>,
      %mul3A_114 = arith.constant 128 : i32
      %mul3A_115 = arith.muli %scan3A_77, %mul3A_114 : i32
      %add3A_116 = arith.constant 96 : i32
      %add3A_117 = arith.addi %mul3A_115, %add3A_116 : i32
      %swap3A_118 = arith.index_cast %add3A_117 : i32 to index
      %swap3A_119 = tpu.vector_load %arg9[%swap3A_118] {strides = array<i32>} : memref<640xf32, #tpu.memory_space<vmem>>, vector<16xf32>,
      tpu.vector_store %arg9[%swap3A_118], %broadcast_in_dim3A_20 {strides = array<i32>} : memref<640xf32, #tpu.memory_space<vmem>>, vector<16xf32>,
      %mul3A_120 = arith.constant 128 : i32
      %mul3A_121 = arith.muli %scan3A_77, %mul3A_120 : i32
      %add3A_122 = arith.constant 112 : i32
      %add3A_123 = arith.addi %mul3A_121, %add3A_122 : i32
      %swap3A_124 = arith.index_cast %add3A_123 : i32 to index
      %swap3A_125 = tpu.vector_load %arg9[%swap3A_124] {strides = array<i32>} : memref<640xf32, #tpu.memory_space<vmem>>, vector<16xf32>,
      tpu.vector_store %arg9[%swap3A_124], %broadcast_in_dim3A_20 {strides = array<i32>} : memref<640xf32, #tpu.memory_space<vmem>>, vector<16xf32>,
    }
    %scan3A_27 = arith.constant 5 : i32
    "tpu.region"() ({
      %run_scoped3A = tpu.sem_alloc : memref<!tpu.dma_semaphore, #tpu.memory_space<semaphore_mem>>
      %dma_start3A_77 = tpu.memref_slice %arg11[%mul3A_0] : memref<10240xf32, #tpu.memory_space<vmem_shared>> -> memref<640xf32, #tpu.memory_space<vmem_shared>>
      %dma_start3A_78 = tpu.memref_slice %arg11[%mul3A_0] : memref<10240xf32, #tpu.memory_space<vmem_shared>> -> memref<640xf32, #tpu.memory_space<vmem_shared>>
      tpu.enqueue_dma source(%arg9 : memref<640xf32, #tpu.memory_space<vmem>>) target(%dma_start3A_78 : memref<640xf32, #tpu.memory_space<vmem_shared>>) target_semaphore(%run_scoped3A : memref<!tpu.dma_semaphore, #tpu.memory_space<semaphore_mem>>)
      %dma_wait3A_79 = tpu.memref_slice %arg11[%mul3A_0] : memref<10240xf32, #tpu.memory_space<vmem_shared>> -> memref<640xf32, #tpu.memory_space<vmem_shared>>
      %dma_wait3A_80 = tpu.memref_slice %arg11[%mul3A_0] : memref<10240xf32, #tpu.memory_space<vmem_shared>> -> memref<640xf32, #tpu.memory_space<vmem_shared>>
      tpu.wait_dma2 semaphore(%run_scoped3A : memref<!tpu.dma_semaphore, #tpu.memory_space<semaphore_mem>>) src(%arg9 : memref<640xf32, #tpu.memory_space<vmem>>) dst(%dma_wait3A_80 : memref<640xf32, #tpu.memory_space<vmem_shared>>)
      tpu.yield
    }) : () -> ()
    "tpu.region"() ({
      %run_scoped3A = tpu.sem_alloc : memref<!tpu.dma_semaphore, #tpu.memory_space<semaphore_mem>>
      %dma_start3A_77 = tpu.memref_slice %arg12[%mul3A_0] : memref<10240xf32, #tpu.memory_space<vmem_shared>> -> memref<640xf32, #tpu.memory_space<vmem_shared>>
      %dma_start3A_78 = tpu.memref_slice %arg12[%mul3A_0] : memref<10240xf32, #tpu.memory_space<vmem_shared>> -> memref<640xf32, #tpu.memory_space<vmem_shared>>
      tpu.enqueue_dma source(%arg9 : memref<640xf32, #tpu.memory_space<vmem>>) target(%dma_start3A_78 : memref<640xf32, #tpu.memory_space<vmem_shared>>) target_semaphore(%run_scoped3A : memref<!tpu.dma_semaphore, #tpu.memory_space<semaphore_mem>>)
      %dma_wait3A_79 = tpu.memref_slice %arg12[%mul3A_0] : memref<10240xf32, #tpu.memory_space<vmem_shared>> -> memref<640xf32, #tpu.memory_space<vmem_shared>>
      %dma_wait3A_80 = tpu.memref_slice %arg12[%mul3A_0] : memref<10240xf32, #tpu.memory_space<vmem_shared>> -> memref<640xf32, #tpu.memory_space<vmem_shared>>
      tpu.wait_dma2 semaphore(%run_scoped3A : memref<!tpu.dma_semaphore, #tpu.memory_space<semaphore_mem>>) src(%arg9 : memref<640xf32, #tpu.memory_space<vmem>>) dst(%dma_wait3A_80 : memref<640xf32, #tpu.memory_space<vmem_shared>>)
      tpu.yield
    }) : () -> ()
    %scan3A_28 = arith.constant 0 : i32
    %scan3A_29 = arith.constant 0 : i32
    %scan3A_30 = arith.constant 78 : i32
    %scan3A_31 = arith.addi %scan3A_29, %scan3A_30 : i32
    %scan3A_32 = arith.constant 1 : i32
    scf.for %scan3A_77 = %scan3A_29 to %scan3A_31 step %scan3A_32  : i32 {
      %mul3A_78 = arith.constant 128 : i32
      %mul3A_79 = arith.muli %scan3A_77, %mul3A_78 : i32
      %add3A_80 = arith.constant 0 : i32
      %add3A_81 = arith.addi %mul3A_79, %add3A_80 : i32
      %swap3A_82 = arith.index_cast %add3A_81 : i32 to index
      %swap3A_83 = tpu.vector_load %arg7[%swap3A_82] {strides = array<i32>} : memref<10000xf32, #tpu.memory_space<vmem>>, vector<16xf32>,
      tpu.vector_store %arg7[%swap3A_82], %broadcast_in_dim3A_22 {strides = array<i32>} : memref<10000xf32, #tpu.memory_space<vmem>>, vector<16xf32>,
      %mul3A_84 = arith.constant 128 : i32
      %mul3A_85 = arith.muli %scan3A_77, %mul3A_84 : i32
      %add3A_86 = arith.constant 16 : i32
      %add3A_87 = arith.addi %mul3A_85, %add3A_86 : i32
      %swap3A_88 = arith.index_cast %add3A_87 : i32 to index
      %swap3A_89 = tpu.vector_load %arg7[%swap3A_88] {strides = array<i32>} : memref<10000xf32, #tpu.memory_space<vmem>>, vector<16xf32>,
      tpu.vector_store %arg7[%swap3A_88], %broadcast_in_dim3A_22 {strides = array<i32>} : memref<10000xf32, #tpu.memory_space<vmem>>, vector<16xf32>,
      %mul3A_90 = arith.constant 128 : i32
      %mul3A_91 = arith.muli %scan3A_77, %mul3A_90 : i32
      %add3A_92 = arith.constant 32 : i32
      %add3A_93 = arith.addi %mul3A_91, %add3A_92 : i32
      %swap3A_94 = arith.index_cast %add3A_93 : i32 to index
      %swap3A_95 = tpu.vector_load %arg7[%swap3A_94] {strides = array<i32>} : memref<10000xf32, #tpu.memory_space<vmem>>, vector<16xf32>,
      tpu.vector_store %arg7[%swap3A_94], %broadcast_in_dim3A_22 {strides = array<i32>} : memref<10000xf32, #tpu.memory_space<vmem>>, vector<16xf32>,
      %mul3A_96 = arith.constant 128 : i32
      %mul3A_97 = arith.muli %scan3A_77, %mul3A_96 : i32
      %add3A_98 = arith.constant 48 : i32
      %add3A_99 = arith.addi %mul3A_97, %add3A_98 : i32
      %swap3A_100 = arith.index_cast %add3A_99 : i32 to index
      %swap3A_101 = tpu.vector_load %arg7[%swap3A_100] {strides = array<i32>} : memref<10000xf32, #tpu.memory_space<vmem>>, vector<16xf32>,
      tpu.vector_store %arg7[%swap3A_100], %broadcast_in_dim3A_22 {strides = array<i32>} : memref<10000xf32, #tpu.memory_space<vmem>>, vector<16xf32>,
      %mul3A_102 = arith.constant 128 : i32
      %mul3A_103 = arith.muli %scan3A_77, %mul3A_102 : i32
      %add3A_104 = arith.constant 64 : i32
      %add3A_105 = arith.addi %mul3A_103, %add3A_104 : i32
      %swap3A_106 = arith.index_cast %add3A_105 : i32 to index
      %swap3A_107 = tpu.vector_load %arg7[%swap3A_106] {strides = array<i32>} : memref<10000xf32, #tpu.memory_space<vmem>>, vector<16xf32>,
      tpu.vector_store %arg7[%swap3A_106], %broadcast_in_dim3A_22 {strides = array<i32>} : memref<10000xf32, #tpu.memory_space<vmem>>, vector<16xf32>,
      %mul3A_108 = arith.constant 128 : i32
      %mul3A_109 = arith.muli %scan3A_77, %mul3A_108 : i32
      %add3A_110 = arith.constant 80 : i32
      %add3A_111 = arith.addi %mul3A_109, %add3A_110 : i32
      %swap3A_112 = arith.index_cast %add3A_111 : i32 to index
      %swap3A_113 = tpu.vector_load %arg7[%swap3A_112] {strides = array<i32>} : memref<10000xf32, #tpu.memory_space<vmem>>, vector<16xf32>,
      tpu.vector_store %arg7[%swap3A_112], %broadcast_in_dim3A_22 {strides = array<i32>} : memref<10000xf32, #tpu.memory_space<vmem>>, vector<16xf32>,
      %mul3A_114 = arith.constant 128 : i32
      %mul3A_115 = arith.muli %scan3A_77, %mul3A_114 : i32
      %add3A_116 = arith.constant 96 : i32
      %add3A_117 = arith.addi %mul3A_115, %add3A_116 : i32
      %swap3A_118 = arith.index_cast %add3A_117 : i32 to index
      %swap3A_119 = tpu.vector_load %arg7[%swap3A_118] {strides = array<i32>} : memref<10000xf32, #tpu.memory_space<vmem>>, vector<16xf32>,
      tpu.vector_store %arg7[%swap3A_118], %broadcast_in_dim3A_22 {strides = array<i32>} : memref<10000xf32, #tpu.memory_space<vmem>>, vector<16xf32>,
      %mul3A_120 = arith.constant 128 : i32
      %mul3A_121 = arith.muli %scan3A_77, %mul3A_120 : i32
      %add3A_122 = arith.constant 112 : i32
      %add3A_123 = arith.addi %mul3A_121, %add3A_122 : i32
      %swap3A_124 = arith.index_cast %add3A_123 : i32 to index
      %swap3A_125 = tpu.vector_load %arg7[%swap3A_124] {strides = array<i32>} : memref<10000xf32, #tpu.memory_space<vmem>>, vector<16xf32>,
      tpu.vector_store %arg7[%swap3A_124], %broadcast_in_dim3A_22 {strides = array<i32>} : memref<10000xf32, #tpu.memory_space<vmem>>, vector<16xf32>,
    }
    %scan3A_33 = arith.constant 78 : i32
    %swap3A = arith.constant 9984 : index
    %swap3A_34 = tpu.vector_load %arg7[%swap3A] {strides = array<i32>} : memref<10000xf32, #tpu.memory_space<vmem>>, vector<16xf32>,
    tpu.vector_store %arg7[%swap3A], %broadcast_in_dim3A_22 {strides = array<i32>} : memref<10000xf32, #tpu.memory_space<vmem>>, vector<16xf32>,
    %dma_wait3A = arith.constant 0 : i32
    %dma_wait3A_35 = tpu.memref_slice %arg2[%dma_wait3A, %multiple_of3A] : memref<2x320000xi32, #tpu.memory_space<hbm>> -> memref<2x10240xi32, #tpu.memory_space<hbm>>
    %dma_wait3A_36 = arith.constant 0 : i32
    %dma_wait3A_37 = tpu.memref_slice %arg2[%dma_wait3A_36, %multiple_of3A] : memref<2x320000xi32, #tpu.memory_space<hbm>> -> memref<2x10240xi32, #tpu.memory_space<hbm>>
    tpu.wait_dma2 semaphore(%arg14 : memref<!tpu.dma_semaphore, #tpu.memory_space<semaphore_mem>>) src(%dma_wait3A_37 : memref<2x10240xi32, #tpu.memory_space<hbm>>) dst(%arg4 : memref<2x10240xi32, #tpu.memory_space<vmem>>)
    %scan3A_38 = arith.constant 0 : i32
    %scan3A_39 = arith.constant 0 : i32
    %scan3A_40 = arith.constant 125 : i32
    %scan3A_41 = arith.addi %scan3A_39, %scan3A_40 : i32
    %scan3A_42 = arith.constant 1 : i32
    scf.for %scan3A_77 = %scan3A_39 to %scan3A_41 step %scan3A_42  : i32 {
      %mul3A_78 = arith.constant 80 : i32
      %mul3A_79 = arith.muli %scan3A_77, %mul3A_78 : i32
      %add3A_80 = arith.addi %multiple_of3A_16, %mul3A_79 : i32
      %add3A_81 = arith.constant 0 : i32
      %add3A_82 = arith.addi %add3A_80, %add3A_81 : i32
      %get3A = arith.constant 0 : i32
      %get3A_83 = arith.index_cast %get3A : i32 to index
      %get3A_84 = arith.index_cast %add3A_82 : i32 to index
      %get3A_85 = tpu.vector_load %arg4[%get3A_83, %get3A_84] {strides = array<i32>} : memref<2x10240xi32, #tpu.memory_space<vmem>>, vector<16xi32>,
      %mul3A_86 = arith.constant 80 : i32
      %mul3A_87 = arith.muli %scan3A_77, %mul3A_86 : i32
      %add3A_88 = arith.constant 0 : i32
      %add3A_89 = arith.addi %mul3A_87, %add3A_88 : i32
      %swap3A_90 = arith.index_cast %add3A_89 : i32 to index
      %swap3A_91 = tpu.vector_load %arg5[%swap3A_90] {strides = array<i32>} : memref<10000xi32, #tpu.memory_space<vmem>>, vector<16xi32>,
      tpu.vector_store %arg5[%swap3A_90], %get3A_85 {strides = array<i32>} : memref<10000xi32, #tpu.memory_space<vmem>>, vector<16xi32>,
      %mul3A_92 = arith.constant 80 : i32
      %mul3A_93 = arith.muli %scan3A_77, %mul3A_92 : i32
      %add3A_94 = arith.addi %multiple_of3A_16, %mul3A_93 : i32
      %add3A_95 = arith.constant 0 : i32
      %add3A_96 = arith.addi %add3A_94, %add3A_95 : i32
      %get3A_97 = arith.constant 1 : i32
      %get3A_98 = arith.index_cast %get3A_97 : i32 to index
      %get3A_99 = arith.index_cast %add3A_96 : i32 to index
      %get3A_100 = tpu.vector_load %arg4[%get3A_98, %get3A_99] {strides = array<i32>} : memref<2x10240xi32, #tpu.memory_space<vmem>>, vector<16xi32>,
      %mul3A_101 = arith.constant 80 : i32
      %mul3A_102 = arith.muli %scan3A_77, %mul3A_101 : i32
      %add3A_103 = arith.constant 0 : i32
      %add3A_104 = arith.addi %mul3A_102, %add3A_103 : i32
      %swap3A_105 = arith.index_cast %add3A_104 : i32 to index
      %swap3A_106 = tpu.vector_load %arg6[%swap3A_105] {strides = array<i32>} : memref<10000xi32, #tpu.memory_space<vmem>>, vector<16xi32>,
      tpu.vector_store %arg6[%swap3A_105], %get3A_100 {strides = array<i32>} : memref<10000xi32, #tpu.memory_space<vmem>>, vector<16xi32>,
      %mul3A_107 = arith.constant 80 : i32
      %mul3A_108 = arith.muli %scan3A_77, %mul3A_107 : i32
      %add3A_109 = arith.addi %multiple_of3A_16, %mul3A_108 : i32
      %add3A_110 = arith.constant 16 : i32
      %add3A_111 = arith.addi %add3A_109, %add3A_110 : i32
      %get3A_112 = arith.constant 0 : i32
      %get3A_113 = arith.index_cast %get3A_112 : i32 to index
      %get3A_114 = arith.index_cast %add3A_111 : i32 to index
      %get3A_115 = tpu.vector_load %arg4[%get3A_113, %get3A_114] {strides = array<i32>} : memref<2x10240xi32, #tpu.memory_space<vmem>>, vector<16xi32>,
      %mul3A_116 = arith.constant 80 : i32
      %mul3A_117 = arith.muli %scan3A_77, %mul3A_116 : i32
      %add3A_118 = arith.constant 16 : i32
      %add3A_119 = arith.addi %mul3A_117, %add3A_118 : i32
      %swap3A_120 = arith.index_cast %add3A_119 : i32 to index
      %swap3A_121 = tpu.vector_load %arg5[%swap3A_120] {strides = array<i32>} : memref<10000xi32, #tpu.memory_space<vmem>>, vector<16xi32>,
      tpu.vector_store %arg5[%swap3A_120], %get3A_115 {strides = array<i32>} : memref<10000xi32, #tpu.memory_space<vmem>>, vector<16xi32>,
      %mul3A_122 = arith.constant 80 : i32
      %mul3A_123 = arith.muli %scan3A_77, %mul3A_122 : i32
      %add3A_124 = arith.addi %multiple_of3A_16, %mul3A_123 : i32
      %add3A_125 = arith.constant 16 : i32
      %add3A_126 = arith.addi %add3A_124, %add3A_125 : i32
      %get3A_127 = arith.constant 1 : i32
      %get3A_128 = arith.index_cast %get3A_127 : i32 to index
      %get3A_129 = arith.index_cast %add3A_126 : i32 to index
      %get3A_130 = tpu.vector_load %arg4[%get3A_128, %get3A_129] {strides = array<i32>} : memref<2x10240xi32, #tpu.memory_space<vmem>>, vector<16xi32>,
      %mul3A_131 = arith.constant 80 : i32
      %mul3A_132 = arith.muli %scan3A_77, %mul3A_131 : i32
      %add3A_133 = arith.constant 16 : i32
      %add3A_134 = arith.addi %mul3A_132, %add3A_133 : i32
      %swap3A_135 = arith.index_cast %add3A_134 : i32 to index
      %swap3A_136 = tpu.vector_load %arg6[%swap3A_135] {strides = array<i32>} : memref<10000xi32, #tpu.memory_space<vmem>>, vector<16xi32>,
      tpu.vector_store %arg6[%swap3A_135], %get3A_130 {strides = array<i32>} : memref<10000xi32, #tpu.memory_space<vmem>>, vector<16xi32>,
      %mul3A_137 = arith.constant 80 : i32
      %mul3A_138 = arith.muli %scan3A_77, %mul3A_137 : i32
      %add3A_139 = arith.addi %multiple_of3A_16, %mul3A_138 : i32
      %add3A_140 = arith.constant 32 : i32
      %add3A_141 = arith.addi %add3A_139, %add3A_140 : i32
      %get3A_142 = arith.constant 0 : i32
      %get3A_143 = arith.index_cast %get3A_142 : i32 to index
      %get3A_144 = arith.index_cast %add3A_141 : i32 to index
      %get3A_145 = tpu.vector_load %arg4[%get3A_143, %get3A_144] {strides = array<i32>} : memref<2x10240xi32, #tpu.memory_space<vmem>>, vector<16xi32>,
      %mul3A_146 = arith.constant 80 : i32
      %mul3A_147 = arith.muli %scan3A_77, %mul3A_146 : i32
      %add3A_148 = arith.constant 32 : i32
      %add3A_149 = arith.addi %mul3A_147, %add3A_148 : i32
      %swap3A_150 = arith.index_cast %add3A_149 : i32 to index
      %swap3A_151 = tpu.vector_load %arg5[%swap3A_150] {strides = array<i32>} : memref<10000xi32, #tpu.memory_space<vmem>>, vector<16xi32>,
      tpu.vector_store %arg5[%swap3A_150], %get3A_145 {strides = array<i32>} : memref<10000xi32, #tpu.memory_space<vmem>>, vector<16xi32>,
      %mul3A_152 = arith.constant 80 : i32
      %mul3A_153 = arith.muli %scan3A_77, %mul3A_152 : i32
      %add3A_154 = arith.addi %multiple_of3A_16, %mul3A_153 : i32
      %add3A_155 = arith.constant 32 : i32
      %add3A_156 = arith.addi %add3A_154, %add3A_155 : i32
      %get3A_157 = arith.constant 1 : i32
      %get3A_158 = arith.index_cast %get3A_157 : i32 to index
      %get3A_159 = arith.index_cast %add3A_156 : i32 to index
      %get3A_160 = tpu.vector_load %arg4[%get3A_158, %get3A_159] {strides = array<i32>} : memref<2x10240xi32, #tpu.memory_space<vmem>>, vector<16xi32>,
      %mul3A_161 = arith.constant 80 : i32
      %mul3A_162 = arith.muli %scan3A_77, %mul3A_161 : i32
      %add3A_163 = arith.constant 32 : i32
      %add3A_164 = arith.addi %mul3A_162, %add3A_163 : i32
      %swap3A_165 = arith.index_cast %add3A_164 : i32 to index
      %swap3A_166 = tpu.vector_load %arg6[%swap3A_165] {strides = array<i32>} : memref<10000xi32, #tpu.memory_space<vmem>>, vector<16xi32>,
      tpu.vector_store %arg6[%swap3A_165], %get3A_160 {strides = array<i32>} : memref<10000xi32, #tpu.memory_space<vmem>>, vector<16xi32>,
      %mul3A_167 = arith.constant 80 : i32
      %mul3A_168 = arith.muli %scan3A_77, %mul3A_167 : i32
      %add3A_169 = arith.addi %multiple_of3A_16, %mul3A_168 : i32
      %add3A_170 = arith.constant 48 : i32
      %add3A_171 = arith.addi %add3A_169, %add3A_170 : i32
      %get3A_172 = arith.constant 0 : i32
      %get3A_173 = arith.index_cast %get3A_172 : i32 to index
      %get3A_174 = arith.index_cast %add3A_171 : i32 to index
      %get3A_175 = tpu.vector_load %arg4[%get3A_173, %get3A_174] {strides = array<i32>} : memref<2x10240xi32, #tpu.memory_space<vmem>>, vector<16xi32>,
      %mul3A_176 = arith.constant 80 : i32
      %mul3A_177 = arith.muli %scan3A_77, %mul3A_176 : i32
      %add3A_178 = arith.constant 48 : i32
      %add3A_179 = arith.addi %mul3A_177, %add3A_178 : i32
      %swap3A_180 = arith.index_cast %add3A_179 : i32 to index
      %swap3A_181 = tpu.vector_load %arg5[%swap3A_180] {strides = array<i32>} : memref<10000xi32, #tpu.memory_space<vmem>>, vector<16xi32>,
      tpu.vector_store %arg5[%swap3A_180], %get3A_175 {strides = array<i32>} : memref<10000xi32, #tpu.memory_space<vmem>>, vector<16xi32>,
      %mul3A_182 = arith.constant 80 : i32
      %mul3A_183 = arith.muli %scan3A_77, %mul3A_182 : i32
      %add3A_184 = arith.addi %multiple_of3A_16, %mul3A_183 : i32
      %add3A_185 = arith.constant 48 : i32
      %add3A_186 = arith.addi %add3A_184, %add3A_185 : i32
      %get3A_187 = arith.constant 1 : i32
      %get3A_188 = arith.index_cast %get3A_187 : i32 to index
      %get3A_189 = arith.index_cast %add3A_186 : i32 to index
      %get3A_190 = tpu.vector_load %arg4[%get3A_188, %get3A_189] {strides = array<i32>} : memref<2x10240xi32, #tpu.memory_space<vmem>>, vector<16xi32>,
      %mul3A_191 = arith.constant 80 : i32
      %mul3A_192 = arith.muli %scan3A_77, %mul3A_191 : i32
      %add3A_193 = arith.constant 48 : i32
      %add3A_194 = arith.addi %mul3A_192, %add3A_193 : i32
      %swap3A_195 = arith.index_cast %add3A_194 : i32 to index
      %swap3A_196 = tpu.vector_load %arg6[%swap3A_195] {strides = array<i32>} : memref<10000xi32, #tpu.memory_space<vmem>>, vector<16xi32>,
      tpu.vector_store %arg6[%swap3A_195], %get3A_190 {strides = array<i32>} : memref<10000xi32, #tpu.memory_space<vmem>>, vector<16xi32>,
      %mul3A_197 = arith.constant 80 : i32
      %mul3A_198 = arith.muli %scan3A_77, %mul3A_197 : i32
      %add3A_199 = arith.addi %multiple_of3A_16, %mul3A_198 : i32
      %add3A_200 = arith.constant 64 : i32
      %add3A_201 = arith.addi %add3A_199, %add3A_200 : i32
      %get3A_202 = arith.constant 0 : i32
      %get3A_203 = arith.index_cast %get3A_202 : i32 to index
      %get3A_204 = arith.index_cast %add3A_201 : i32 to index
      %get3A_205 = tpu.vector_load %arg4[%get3A_203, %get3A_204] {strides = array<i32>} : memref<2x10240xi32, #tpu.memory_space<vmem>>, vector<16xi32>,
      %mul3A_206 = arith.constant 80 : i32
      %mul3A_207 = arith.muli %scan3A_77, %mul3A_206 : i32
      %add3A_208 = arith.constant 64 : i32
      %add3A_209 = arith.addi %mul3A_207, %add3A_208 : i32
      %swap3A_210 = arith.index_cast %add3A_209 : i32 to index
      %swap3A_211 = tpu.vector_load %arg5[%swap3A_210] {strides = array<i32>} : memref<10000xi32, #tpu.memory_space<vmem>>, vector<16xi32>,
      tpu.vector_store %arg5[%swap3A_210], %get3A_205 {strides = array<i32>} : memref<10000xi32, #tpu.memory_space<vmem>>, vector<16xi32>,
      %mul3A_212 = arith.constant 80 : i32
      %mul3A_213 = arith.muli %scan3A_77, %mul3A_212 : i32
      %add3A_214 = arith.addi %multiple_of3A_16, %mul3A_213 : i32
      %add3A_215 = arith.constant 64 : i32
      %add3A_216 = arith.addi %add3A_214, %add3A_215 : i32
      %get3A_217 = arith.constant 1 : i32
      %get3A_218 = arith.index_cast %get3A_217 : i32 to index
      %get3A_219 = arith.index_cast %add3A_216 : i32 to index
      %get3A_220 = tpu.vector_load %arg4[%get3A_218, %get3A_219] {strides = array<i32>} : memref<2x10240xi32, #tpu.memory_space<vmem>>, vector<16xi32>,
      %mul3A_221 = arith.constant 80 : i32
      %mul3A_222 = arith.muli %scan3A_77, %mul3A_221 : i32
      %add3A_223 = arith.constant 64 : i32
      %add3A_224 = arith.addi %mul3A_222, %add3A_223 : i32
      %swap3A_225 = arith.index_cast %add3A_224 : i32 to index
      %swap3A_226 = tpu.vector_load %arg6[%swap3A_225] {strides = array<i32>} : memref<10000xi32, #tpu.memory_space<vmem>>, vector<16xi32>,
      tpu.vector_store %arg6[%swap3A_225], %get3A_220 {strides = array<i32>} : memref<10000xi32, #tpu.memory_space<vmem>>, vector<16xi32>,
    }
    %scan3A_43 = arith.constant 125 : i32
    %barrier3A = arith.constant 0 : index
    tpu.barrier barrier_id(%barrier3A)
    %scan3A_44 = arith.constant 0 : i32
    %scan3A_45 = arith.constant 0 : i32
    %scan3A_46 = arith.constant 2 : i32
    %scan3A_47 = arith.addi %scan3A_45, %scan3A_46 : i32
    %scan3A_48 = arith.constant 1 : i32
    scf.for %scan3A_77 = %scan3A_45 to %scan3A_47 step %scan3A_48  : i32 {
      %scan3A_78 = arith.constant 0 : i32
      %scan3A_79 = arith.constant 0 : i32
      %scan3A_80 = arith.constant 39 : i32
      %scan3A_81 = arith.addi %scan3A_79, %scan3A_80 : i32
      %scan3A_82 = arith.constant 1 : i32
      scf.for %scan3A_90 = %scan3A_79 to %scan3A_81 step %scan3A_82  : i32 {
        %mul3A_91 = arith.constant 39 : i32
        %mul3A_92 = arith.muli %scan3A_77, %mul3A_91 : i32
        %add3A_93 = arith.addi %mul3A_92, %scan3A_90 : i32
        %mul3A_94 = arith.constant 128 : i32
        %mul3A_95 = arith.muli %add3A_93, %mul3A_94 : i32
        %mul3A_96 = arith.constant 128 : i32
        %mul3A_97 = arith.muli %add3A_93, %mul3A_96 : i32
        %dma_start3A_98 = tpu.memref_slice %arg7[%mul3A_95] : memref<10000xf32, #tpu.memory_space<vmem>> -> memref<128xf32, #tpu.memory_space<vmem>>
        %dma_start3A_99 = tpu.memref_slice %arg5[%mul3A_97] : memref<10000xi32, #tpu.memory_space<vmem>> -> memref<128xi32, #tpu.memory_space<vmem>>
        %dma_start3A_100 = arith.constant 0 : i32
        %dma_start3A_101 = tpu.memref_slice %arg11[%dma_start3A_100] : memref<10240xf32, #tpu.memory_space<vmem_shared>> -> memref<10240xf32, #tpu.memory_space<vmem_shared>>
        tpu.enqueue_indirect_dma source(%dma_start3A_98 : memref<128xf32, #tpu.memory_space<vmem>>) target(%dma_start3A_101 : memref<10240xf32, #tpu.memory_space<vmem_shared>>) offsets(%dma_start3A_99 : memref<128xi32, #tpu.memory_space<vmem>>) semaphore(%arg15 : memref<!tpu.dma_semaphore, #tpu.memory_space<semaphore_mem>>) {add = true}
      }
      %scan3A_83 = arith.constant 39 : i32
      %scan3A_84 = arith.constant 0 : i32
      %scan3A_85 = arith.constant 0 : i32
      %scan3A_86 = arith.constant 39 : i32
      %scan3A_87 = arith.addi %scan3A_85, %scan3A_86 : i32
      %scan3A_88 = arith.constant 1 : i32
      scf.for %scan3A_90 = %scan3A_85 to %scan3A_87 step %scan3A_88  : i32 {
        %mul3A_91 = arith.constant 39 : i32
        %mul3A_92 = arith.muli %scan3A_77, %mul3A_91 : i32
        %add3A_93 = arith.addi %mul3A_92, %scan3A_90 : i32
        %mul3A_94 = arith.constant 128 : i32
        %mul3A_95 = arith.muli %add3A_93, %mul3A_94 : i32
        %mul3A_96 = arith.constant 128 : i32
        %mul3A_97 = arith.muli %add3A_93, %mul3A_96 : i32
        %dma_wait3A_98 = tpu.memref_slice %arg7[%mul3A_95] : memref<10000xf32, #tpu.memory_space<vmem>> -> memref<128xf32, #tpu.memory_space<vmem>>
        %dma_wait3A_99 = tpu.memref_slice %arg5[%mul3A_97] : memref<10000xi32, #tpu.memory_space<vmem>> -> memref<128xi32, #tpu.memory_space<vmem>>
        %dma_wait3A_100 = arith.constant 0 : i32
        %dma_wait3A_101 = tpu.memref_slice %arg11[%dma_wait3A_100] : memref<10240xf32, #tpu.memory_space<vmem_shared>> -> memref<10240xf32, #tpu.memory_space<vmem_shared>>
        tpu.wait_indirect_dma semaphore(%arg15 : memref<!tpu.dma_semaphore, #tpu.memory_space<semaphore_mem>>) src(%dma_wait3A_98 : memref<128xf32, #tpu.memory_space<vmem>>) dst(%dma_wait3A_101 : memref<10240xf32, #tpu.memory_space<vmem_shared>>)
      }
      %scan3A_89 = arith.constant 39 : i32
    }
    %scan3A_49 = arith.constant 2 : i32
    "tpu.region"() ({
      %run_scoped3A = tpu.sem_alloc : memref<!tpu.dma_semaphore, #tpu.memory_space<semaphore_mem>>
      %dma_start3A_77 = arith.constant 9984 : i32
      %dma_start3A_78 = tpu.memref_slice %arg7[%dma_start3A_77] : memref<10000xf32, #tpu.memory_space<vmem>> -> memref<16xf32, #tpu.memory_space<vmem>>
      %dma_start3A_79 = arith.constant 9984 : i32
      %dma_start3A_80 = tpu.memref_slice %arg5[%dma_start3A_79] : memref<10000xi32, #tpu.memory_space<vmem>> -> memref<16xi32, #tpu.memory_space<vmem>>
      %dma_start3A_81 = arith.constant 0 : i32
      %dma_start3A_82 = tpu.memref_slice %arg11[%dma_start3A_81] : memref<10240xf32, #tpu.memory_space<vmem_shared>> -> memref<10240xf32, #tpu.memory_space<vmem_shared>>
      tpu.enqueue_indirect_dma source(%dma_start3A_78 : memref<16xf32, #tpu.memory_space<vmem>>) target(%dma_start3A_82 : memref<10240xf32, #tpu.memory_space<vmem_shared>>) offsets(%dma_start3A_80 : memref<16xi32, #tpu.memory_space<vmem>>) semaphore(%run_scoped3A : memref<!tpu.dma_semaphore, #tpu.memory_space<semaphore_mem>>) {add = true}
      %dma_wait3A_83 = arith.constant 9984 : i32
      %dma_wait3A_84 = tpu.memref_slice %arg7[%dma_wait3A_83] : memref<10000xf32, #tpu.memory_space<vmem>> -> memref<16xf32, #tpu.memory_space<vmem>>
      %dma_wait3A_85 = arith.constant 9984 : i32
      %dma_wait3A_86 = tpu.memref_slice %arg5[%dma_wait3A_85] : memref<10000xi32, #tpu.memory_space<vmem>> -> memref<16xi32, #tpu.memory_space<vmem>>
      %dma_wait3A_87 = arith.constant 0 : i32
      %dma_wait3A_88 = tpu.memref_slice %arg11[%dma_wait3A_87] : memref<10240xf32, #tpu.memory_space<vmem_shared>> -> memref<10240xf32, #tpu.memory_space<vmem_shared>>
      tpu.wait_indirect_dma semaphore(%run_scoped3A : memref<!tpu.dma_semaphore, #tpu.memory_space<semaphore_mem>>) src(%dma_wait3A_84 : memref<16xf32, #tpu.memory_space<vmem>>) dst(%dma_wait3A_88 : memref<10240xf32, #tpu.memory_space<vmem_shared>>)
      tpu.yield
    }) : () -> ()
    %barrier3A_50 = arith.constant 0 : index
    tpu.barrier barrier_id(%barrier3A_50)
    "tpu.region"() ({
      %run_scoped3A = tpu.sem_alloc : memref<!tpu.dma_semaphore, #tpu.memory_space<semaphore_mem>>
      %dma_start3A_77 = tpu.memref_slice %arg11[%mul3A_0] : memref<10240xf32, #tpu.memory_space<vmem_shared>> -> memref<640xf32, #tpu.memory_space<vmem_shared>>
      %dma_start3A_78 = tpu.memref_slice %arg11[%mul3A_0] : memref<10240xf32, #tpu.memory_space<vmem_shared>> -> memref<640xf32, #tpu.memory_space<vmem_shared>>
      tpu.enqueue_dma source(%dma_start3A_78 : memref<640xf32, #tpu.memory_space<vmem_shared>>) target(%arg9 : memref<640xf32, #tpu.memory_space<vmem>>) target_semaphore(%run_scoped3A : memref<!tpu.dma_semaphore, #tpu.memory_space<semaphore_mem>>)
      %dma_wait3A_79 = tpu.memref_slice %arg11[%mul3A_0] : memref<10240xf32, #tpu.memory_space<vmem_shared>> -> memref<640xf32, #tpu.memory_space<vmem_shared>>
      %dma_wait3A_80 = tpu.memref_slice %arg11[%mul3A_0] : memref<10240xf32, #tpu.memory_space<vmem_shared>> -> memref<640xf32, #tpu.memory_space<vmem_shared>>
      tpu.wait_dma2 semaphore(%run_scoped3A : memref<!tpu.dma_semaphore, #tpu.memory_space<semaphore_mem>>) src(%dma_wait3A_80 : memref<640xf32, #tpu.memory_space<vmem_shared>>) dst(%arg9 : memref<640xf32, #tpu.memory_space<vmem>>)
      tpu.yield
    }) : () -> ()
    %scan3A_51 = arith.constant 0 : i32
    %scan3A_52 = arith.constant 0 : i32
    %scan3A_53 = arith.constant 20 : i32
    %scan3A_54 = arith.addi %scan3A_52, %scan3A_53 : i32
    %scan3A_55 = arith.constant 1 : i32
    scf.for %scan3A_77 = %scan3A_52 to %scan3A_54 step %scan3A_55  : i32 {
      %mul3A_78 = arith.constant 32 : i32
      %mul3A_79 = arith.muli %scan3A_77, %mul3A_78 : i32
      %add3A_80 = arith.constant 0 : i32
      %add3A_81 = arith.addi %mul3A_79, %add3A_80 : i32
      %get3A = arith.index_cast %add3A_81 : i32 to index
      %get3A_82 = tpu.vector_load %arg9[%get3A] {strides = array<i32>} : memref<640xf32, #tpu.memory_space<vmem>>, vector<16xf32>,
      %lt3A_83 = arith.constant 6.400000e+01 : f32
      %lt3A_84 = vector.broadcast %lt3A_83 : f32 to vector<16xf32>
      %lt3A_85 = arith.cmpf olt, %get3A_82, %lt3A_84 : vector<16xf32>
      %lt3A_86 = arith.constant 4.096000e+03 : f32
      %lt3A_87 = vector.broadcast %lt3A_86 : f32 to vector<16xf32>
      %lt3A_88 = arith.cmpf olt, %get3A_82, %lt3A_87 : vector<16xf32>
      %jit3A_89 = arith.constant 1.562500e-02 : f32
      %jit3A_90 = arith.constant 0.001953125 : f32
      %broadcast_in_dim3A_91 = vector.broadcast %jit3A_89 : f32 to vector<16xf32>
      %broadcast_in_dim3A_92 = vector.broadcast %jit3A_90 : f32 to vector<16xf32>
      %select_n3A_93 = arith.select %lt3A_88, %broadcast_in_dim3A_91, %broadcast_in_dim3A_92 : vector<16xi1>, vector<16xf32>
      %jit3A_94 = arith.constant 1.250000e-01 : f32
      %broadcast_in_dim3A_95 = vector.broadcast %jit3A_94 : f32 to vector<16xf32>
      %select_n3A_96 = arith.select %lt3A_85, %broadcast_in_dim3A_95, %select_n3A_93 : vector<16xi1>, vector<16xf32>
      %mul3A_97 = arith.constant 5.000000e-01 : f32
      %mul3A_98 = vector.broadcast %mul3A_97 : f32 to vector<16xf32>
      %mul3A_99 = arith.mulf %mul3A_98, %get3A_82 : vector<16xf32>
      %mul3A_100 = arith.mulf %mul3A_99, %select_n3A_96 : vector<16xf32>
      %mul3A_101 = arith.mulf %mul3A_100, %select_n3A_96 : vector<16xf32>
      %sub3A_102 = arith.constant 1.500000e+00 : f32
      %sub3A_103 = vector.broadcast %sub3A_102 : f32 to vector<16xf32>
      %sub3A_104 = arith.subf %sub3A_103, %mul3A_101 : vector<16xf32>
      %mul3A_105 = arith.mulf %select_n3A_96, %sub3A_104 : vector<16xf32>
      %mul3A_106 = arith.constant 5.000000e-01 : f32
      %mul3A_107 = vector.broadcast %mul3A_106 : f32 to vector<16xf32>
      %mul3A_108 = arith.mulf %mul3A_107, %get3A_82 : vector<16xf32>
      %mul3A_109 = arith.mulf %mul3A_108, %mul3A_105 : vector<16xf32>
      %mul3A_110 = arith.mulf %mul3A_109, %mul3A_105 : vector<16xf32>
      %sub3A_111 = arith.constant 1.500000e+00 : f32
      %sub3A_112 = vector.broadcast %sub3A_111 : f32 to vector<16xf32>
      %sub3A_113 = arith.subf %sub3A_112, %mul3A_110 : vector<16xf32>
      %mul3A_114 = arith.mulf %mul3A_105, %sub3A_113 : vector<16xf32>
      %mul3A_115 = arith.constant 5.000000e-01 : f32
      %mul3A_116 = vector.broadcast %mul3A_115 : f32 to vector<16xf32>
      %mul3A_117 = arith.mulf %mul3A_116, %get3A_82 : vector<16xf32>
      %mul3A_118 = arith.mulf %mul3A_117, %mul3A_114 : vector<16xf32>
      %mul3A_119 = arith.mulf %mul3A_118, %mul3A_114 : vector<16xf32>
      %sub3A_120 = arith.constant 1.500000e+00 : f32
      %sub3A_121 = vector.broadcast %sub3A_120 : f32 to vector<16xf32>
      %sub3A_122 = arith.subf %sub3A_121, %mul3A_119 : vector<16xf32>
      %mul3A_123 = arith.mulf %mul3A_114, %sub3A_122 : vector<16xf32>
      %mul3A_124 = arith.constant 5.000000e-01 : f32
      %mul3A_125 = vector.broadcast %mul3A_124 : f32 to vector<16xf32>
      %mul3A_126 = arith.mulf %mul3A_125, %get3A_82 : vector<16xf32>
      %mul3A_127 = arith.mulf %mul3A_126, %mul3A_123 : vector<16xf32>
      %mul3A_128 = arith.mulf %mul3A_127, %mul3A_123 : vector<16xf32>
      %sub3A_129 = arith.constant 1.500000e+00 : f32
      %sub3A_130 = vector.broadcast %sub3A_129 : f32 to vector<16xf32>
      %sub3A_131 = arith.subf %sub3A_130, %mul3A_128 : vector<16xf32>
      %mul3A_132 = arith.mulf %mul3A_123, %sub3A_131 : vector<16xf32>
      %mul3A_133 = arith.constant 5.000000e-01 : f32
      %mul3A_134 = vector.broadcast %mul3A_133 : f32 to vector<16xf32>
      %mul3A_135 = arith.mulf %mul3A_134, %get3A_82 : vector<16xf32>
      %mul3A_136 = arith.mulf %mul3A_135, %mul3A_132 : vector<16xf32>
      %mul3A_137 = arith.mulf %mul3A_136, %mul3A_132 : vector<16xf32>
      %sub3A_138 = arith.constant 1.500000e+00 : f32
      %sub3A_139 = vector.broadcast %sub3A_138 : f32 to vector<16xf32>
      %sub3A_140 = arith.subf %sub3A_139, %mul3A_137 : vector<16xf32>
      %mul3A_141 = arith.mulf %mul3A_132, %sub3A_140 : vector<16xf32>
      %mul3A_142 = arith.constant 5.000000e-01 : f32
      %mul3A_143 = vector.broadcast %mul3A_142 : f32 to vector<16xf32>
      %mul3A_144 = arith.mulf %mul3A_143, %get3A_82 : vector<16xf32>
      %mul3A_145 = arith.mulf %mul3A_144, %mul3A_141 : vector<16xf32>
      %mul3A_146 = arith.mulf %mul3A_145, %mul3A_141 : vector<16xf32>
      %sub3A_147 = arith.constant 1.500000e+00 : f32
      %sub3A_148 = vector.broadcast %sub3A_147 : f32 to vector<16xf32>
      %sub3A_149 = arith.subf %sub3A_148, %mul3A_146 : vector<16xf32>
      %mul3A_150 = arith.mulf %mul3A_141, %sub3A_149 : vector<16xf32>
      %mul3A_151 = arith.constant 5.000000e-01 : f32
      %mul3A_152 = vector.broadcast %mul3A_151 : f32 to vector<16xf32>
      %mul3A_153 = arith.mulf %mul3A_152, %get3A_82 : vector<16xf32>
      %mul3A_154 = arith.mulf %mul3A_153, %mul3A_150 : vector<16xf32>
      %mul3A_155 = arith.mulf %mul3A_154, %mul3A_150 : vector<16xf32>
      %sub3A_156 = arith.constant 1.500000e+00 : f32
      %sub3A_157 = vector.broadcast %sub3A_156 : f32 to vector<16xf32>
      %sub3A_158 = arith.subf %sub3A_157, %mul3A_155 : vector<16xf32>
      %mul3A_159 = arith.mulf %mul3A_150, %sub3A_158 : vector<16xf32>
      %mul3A_160 = arith.constant 5.000000e-01 : f32
      %mul3A_161 = vector.broadcast %mul3A_160 : f32 to vector<16xf32>
      %mul3A_162 = arith.mulf %mul3A_161, %get3A_82 : vector<16xf32>
      %mul3A_163 = arith.mulf %mul3A_162, %mul3A_159 : vector<16xf32>
      %mul3A_164 = arith.mulf %mul3A_163, %mul3A_159 : vector<16xf32>
      %sub3A_165 = arith.constant 1.500000e+00 : f32
      %sub3A_166 = vector.broadcast %sub3A_165 : f32 to vector<16xf32>
      %sub3A_167 = arith.subf %sub3A_166, %mul3A_164 : vector<16xf32>
      %mul3A_168 = arith.mulf %mul3A_159, %sub3A_167 : vector<16xf32>
      %mul3A_169 = arith.constant 5.000000e-01 : f32
      %mul3A_170 = vector.broadcast %mul3A_169 : f32 to vector<16xf32>
      %mul3A_171 = arith.mulf %mul3A_170, %get3A_82 : vector<16xf32>
      %mul3A_172 = arith.mulf %mul3A_171, %mul3A_168 : vector<16xf32>
      %mul3A_173 = arith.mulf %mul3A_172, %mul3A_168 : vector<16xf32>
      %sub3A_174 = arith.constant 1.500000e+00 : f32
      %sub3A_175 = vector.broadcast %sub3A_174 : f32 to vector<16xf32>
      %sub3A_176 = arith.subf %sub3A_175, %mul3A_173 : vector<16xf32>
      %mul3A_177 = arith.mulf %mul3A_168, %sub3A_176 : vector<16xf32>
      %mul3A_178 = arith.constant 5.000000e-01 : f32
      %mul3A_179 = vector.broadcast %mul3A_178 : f32 to vector<16xf32>
      %mul3A_180 = arith.mulf %mul3A_179, %get3A_82 : vector<16xf32>
      %mul3A_181 = arith.mulf %mul3A_180, %mul3A_177 : vector<16xf32>
      %mul3A_182 = arith.mulf %mul3A_181, %mul3A_177 : vector<16xf32>
      %sub3A_183 = arith.constant 1.500000e+00 : f32
      %sub3A_184 = vector.broadcast %sub3A_183 : f32 to vector<16xf32>
      %sub3A_185 = arith.subf %sub3A_184, %mul3A_182 : vector<16xf32>
      %mul3A_186 = arith.mulf %mul3A_177, %sub3A_185 : vector<16xf32>
      %mul3A_187 = arith.constant 5.000000e-01 : f32
      %mul3A_188 = vector.broadcast %mul3A_187 : f32 to vector<16xf32>
      %mul3A_189 = arith.mulf %mul3A_188, %get3A_82 : vector<16xf32>
      %mul3A_190 = arith.mulf %mul3A_189, %mul3A_186 : vector<16xf32>
      %mul3A_191 = arith.mulf %mul3A_190, %mul3A_186 : vector<16xf32>
      %sub3A_192 = arith.constant 1.500000e+00 : f32
      %sub3A_193 = vector.broadcast %sub3A_192 : f32 to vector<16xf32>
      %sub3A_194 = arith.subf %sub3A_193, %mul3A_191 : vector<16xf32>
      %mul3A_195 = arith.mulf %mul3A_186, %sub3A_194 : vector<16xf32>
      %gt3A = arith.constant 5.000000e-01 : f32
      %gt3A_196 = vector.broadcast %gt3A : f32 to vector<16xf32>
      %gt3A_197 = arith.cmpf ogt, %get3A_82, %gt3A_196 : vector<16xf32>
      %jit3A_198 = arith.constant 0.000000e+00 : f32
      %broadcast_in_dim3A_199 = vector.broadcast %jit3A_198 : f32 to vector<16xf32>
      %select_n3A_200 = arith.select %gt3A_197, %mul3A_195, %broadcast_in_dim3A_199 : vector<16xi1>, vector<16xf32>
      %mul3A_201 = arith.constant 32 : i32
      %mul3A_202 = arith.muli %scan3A_77, %mul3A_201 : i32
      %add3A_203 = arith.constant 0 : i32
      %add3A_204 = arith.addi %mul3A_202, %add3A_203 : i32
      %swap3A_205 = arith.index_cast %add3A_204 : i32 to index
      %swap3A_206 = tpu.vector_load %arg10[%swap3A_205] {strides = array<i32>} : memref<640xf32, #tpu.memory_space<vmem>>, vector<16xf32>,
      tpu.vector_store %arg10[%swap3A_205], %select_n3A_200 {strides = array<i32>} : memref<640xf32, #tpu.memory_space<vmem>>, vector<16xf32>,
      %mul3A_207 = arith.constant 32 : i32
      %mul3A_208 = arith.muli %scan3A_77, %mul3A_207 : i32
      %add3A_209 = arith.constant 16 : i32
      %add3A_210 = arith.addi %mul3A_208, %add3A_209 : i32
      %get3A_211 = arith.index_cast %add3A_210 : i32 to index
      %get3A_212 = tpu.vector_load %arg9[%get3A_211] {strides = array<i32>} : memref<640xf32, #tpu.memory_space<vmem>>, vector<16xf32>,
      %lt3A_213 = arith.constant 6.400000e+01 : f32
      %lt3A_214 = vector.broadcast %lt3A_213 : f32 to vector<16xf32>
      %lt3A_215 = arith.cmpf olt, %get3A_212, %lt3A_214 : vector<16xf32>
      %lt3A_216 = arith.constant 4.096000e+03 : f32
      %lt3A_217 = vector.broadcast %lt3A_216 : f32 to vector<16xf32>
      %lt3A_218 = arith.cmpf olt, %get3A_212, %lt3A_217 : vector<16xf32>
      %jit3A_219 = arith.constant 1.562500e-02 : f32
      %jit3A_220 = arith.constant 0.001953125 : f32
      %broadcast_in_dim3A_221 = vector.broadcast %jit3A_219 : f32 to vector<16xf32>
      %broadcast_in_dim3A_222 = vector.broadcast %jit3A_220 : f32 to vector<16xf32>
      %select_n3A_223 = arith.select %lt3A_218, %broadcast_in_dim3A_221, %broadcast_in_dim3A_222 : vector<16xi1>, vector<16xf32>
      %jit3A_224 = arith.constant 1.250000e-01 : f32
      %broadcast_in_dim3A_225 = vector.broadcast %jit3A_224 : f32 to vector<16xf32>
      %select_n3A_226 = arith.select %lt3A_215, %broadcast_in_dim3A_225, %select_n3A_223 : vector<16xi1>, vector<16xf32>
      %mul3A_227 = arith.constant 5.000000e-01 : f32
      %mul3A_228 = vector.broadcast %mul3A_227 : f32 to vector<16xf32>
      %mul3A_229 = arith.mulf %mul3A_228, %get3A_212 : vector<16xf32>
      %mul3A_230 = arith.mulf %mul3A_229, %select_n3A_226 : vector<16xf32>
      %mul3A_231 = arith.mulf %mul3A_230, %select_n3A_226 : vector<16xf32>
      %sub3A_232 = arith.constant 1.500000e+00 : f32
      %sub3A_233 = vector.broadcast %sub3A_232 : f32 to vector<16xf32>
      %sub3A_234 = arith.subf %sub3A_233, %mul3A_231 : vector<16xf32>
      %mul3A_235 = arith.mulf %select_n3A_226, %sub3A_234 : vector<16xf32>
      %mul3A_236 = arith.constant 5.000000e-01 : f32
      %mul3A_237 = vector.broadcast %mul3A_236 : f32 to vector<16xf32>
      %mul3A_238 = arith.mulf %mul3A_237, %get3A_212 : vector<16xf32>
      %mul3A_239 = arith.mulf %mul3A_238, %mul3A_235 : vector<16xf32>
      %mul3A_240 = arith.mulf %mul3A_239, %mul3A_235 : vector<16xf32>
      %sub3A_241 = arith.constant 1.500000e+00 : f32
      %sub3A_242 = vector.broadcast %sub3A_241 : f32 to vector<16xf32>
      %sub3A_243 = arith.subf %sub3A_242, %mul3A_240 : vector<16xf32>
      %mul3A_244 = arith.mulf %mul3A_235, %sub3A_243 : vector<16xf32>
      %mul3A_245 = arith.constant 5.000000e-01 : f32
      %mul3A_246 = vector.broadcast %mul3A_245 : f32 to vector<16xf32>
      %mul3A_247 = arith.mulf %mul3A_246, %get3A_212 : vector<16xf32>
      %mul3A_248 = arith.mulf %mul3A_247, %mul3A_244 : vector<16xf32>
      %mul3A_249 = arith.mulf %mul3A_248, %mul3A_244 : vector<16xf32>
      %sub3A_250 = arith.constant 1.500000e+00 : f32
      %sub3A_251 = vector.broadcast %sub3A_250 : f32 to vector<16xf32>
      %sub3A_252 = arith.subf %sub3A_251, %mul3A_249 : vector<16xf32>
      %mul3A_253 = arith.mulf %mul3A_244, %sub3A_252 : vector<16xf32>
      %mul3A_254 = arith.constant 5.000000e-01 : f32
      %mul3A_255 = vector.broadcast %mul3A_254 : f32 to vector<16xf32>
      %mul3A_256 = arith.mulf %mul3A_255, %get3A_212 : vector<16xf32>
      %mul3A_257 = arith.mulf %mul3A_256, %mul3A_253 : vector<16xf32>
      %mul3A_258 = arith.mulf %mul3A_257, %mul3A_253 : vector<16xf32>
      %sub3A_259 = arith.constant 1.500000e+00 : f32
      %sub3A_260 = vector.broadcast %sub3A_259 : f32 to vector<16xf32>
      %sub3A_261 = arith.subf %sub3A_260, %mul3A_258 : vector<16xf32>
      %mul3A_262 = arith.mulf %mul3A_253, %sub3A_261 : vector<16xf32>
      %mul3A_263 = arith.constant 5.000000e-01 : f32
      %mul3A_264 = vector.broadcast %mul3A_263 : f32 to vector<16xf32>
      %mul3A_265 = arith.mulf %mul3A_264, %get3A_212 : vector<16xf32>
      %mul3A_266 = arith.mulf %mul3A_265, %mul3A_262 : vector<16xf32>
      %mul3A_267 = arith.mulf %mul3A_266, %mul3A_262 : vector<16xf32>
      %sub3A_268 = arith.constant 1.500000e+00 : f32
      %sub3A_269 = vector.broadcast %sub3A_268 : f32 to vector<16xf32>
      %sub3A_270 = arith.subf %sub3A_269, %mul3A_267 : vector<16xf32>
      %mul3A_271 = arith.mulf %mul3A_262, %sub3A_270 : vector<16xf32>
      %mul3A_272 = arith.constant 5.000000e-01 : f32
      %mul3A_273 = vector.broadcast %mul3A_272 : f32 to vector<16xf32>
      %mul3A_274 = arith.mulf %mul3A_273, %get3A_212 : vector<16xf32>
      %mul3A_275 = arith.mulf %mul3A_274, %mul3A_271 : vector<16xf32>
      %mul3A_276 = arith.mulf %mul3A_275, %mul3A_271 : vector<16xf32>
      %sub3A_277 = arith.constant 1.500000e+00 : f32
      %sub3A_278 = vector.broadcast %sub3A_277 : f32 to vector<16xf32>
      %sub3A_279 = arith.subf %sub3A_278, %mul3A_276 : vector<16xf32>
      %mul3A_280 = arith.mulf %mul3A_271, %sub3A_279 : vector<16xf32>
      %mul3A_281 = arith.constant 5.000000e-01 : f32
      %mul3A_282 = vector.broadcast %mul3A_281 : f32 to vector<16xf32>
      %mul3A_283 = arith.mulf %mul3A_282, %get3A_212 : vector<16xf32>
      %mul3A_284 = arith.mulf %mul3A_283, %mul3A_280 : vector<16xf32>
      %mul3A_285 = arith.mulf %mul3A_284, %mul3A_280 : vector<16xf32>
      %sub3A_286 = arith.constant 1.500000e+00 : f32
      %sub3A_287 = vector.broadcast %sub3A_286 : f32 to vector<16xf32>
      %sub3A_288 = arith.subf %sub3A_287, %mul3A_285 : vector<16xf32>
      %mul3A_289 = arith.mulf %mul3A_280, %sub3A_288 : vector<16xf32>
      %mul3A_290 = arith.constant 5.000000e-01 : f32
      %mul3A_291 = vector.broadcast %mul3A_290 : f32 to vector<16xf32>
      %mul3A_292 = arith.mulf %mul3A_291, %get3A_212 : vector<16xf32>
      %mul3A_293 = arith.mulf %mul3A_292, %mul3A_289 : vector<16xf32>
      %mul3A_294 = arith.mulf %mul3A_293, %mul3A_289 : vector<16xf32>
      %sub3A_295 = arith.constant 1.500000e+00 : f32
      %sub3A_296 = vector.broadcast %sub3A_295 : f32 to vector<16xf32>
      %sub3A_297 = arith.subf %sub3A_296, %mul3A_294 : vector<16xf32>
      %mul3A_298 = arith.mulf %mul3A_289, %sub3A_297 : vector<16xf32>
      %mul3A_299 = arith.constant 5.000000e-01 : f32
      %mul3A_300 = vector.broadcast %mul3A_299 : f32 to vector<16xf32>
      %mul3A_301 = arith.mulf %mul3A_300, %get3A_212 : vector<16xf32>
      %mul3A_302 = arith.mulf %mul3A_301, %mul3A_298 : vector<16xf32>
      %mul3A_303 = arith.mulf %mul3A_302, %mul3A_298 : vector<16xf32>
      %sub3A_304 = arith.constant 1.500000e+00 : f32
      %sub3A_305 = vector.broadcast %sub3A_304 : f32 to vector<16xf32>
      %sub3A_306 = arith.subf %sub3A_305, %mul3A_303 : vector<16xf32>
      %mul3A_307 = arith.mulf %mul3A_298, %sub3A_306 : vector<16xf32>
      %mul3A_308 = arith.constant 5.000000e-01 : f32
      %mul3A_309 = vector.broadcast %mul3A_308 : f32 to vector<16xf32>
      %mul3A_310 = arith.mulf %mul3A_309, %get3A_212 : vector<16xf32>
      %mul3A_311 = arith.mulf %mul3A_310, %mul3A_307 : vector<16xf32>
      %mul3A_312 = arith.mulf %mul3A_311, %mul3A_307 : vector<16xf32>
      %sub3A_313 = arith.constant 1.500000e+00 : f32
      %sub3A_314 = vector.broadcast %sub3A_313 : f32 to vector<16xf32>
      %sub3A_315 = arith.subf %sub3A_314, %mul3A_312 : vector<16xf32>
      %mul3A_316 = arith.mulf %mul3A_307, %sub3A_315 : vector<16xf32>
      %mul3A_317 = arith.constant 5.000000e-01 : f32
      %mul3A_318 = vector.broadcast %mul3A_317 : f32 to vector<16xf32>
      %mul3A_319 = arith.mulf %mul3A_318, %get3A_212 : vector<16xf32>
      %mul3A_320 = arith.mulf %mul3A_319, %mul3A_316 : vector<16xf32>
      %mul3A_321 = arith.mulf %mul3A_320, %mul3A_316 : vector<16xf32>
      %sub3A_322 = arith.constant 1.500000e+00 : f32
      %sub3A_323 = vector.broadcast %sub3A_322 : f32 to vector<16xf32>
      %sub3A_324 = arith.subf %sub3A_323, %mul3A_321 : vector<16xf32>
      %mul3A_325 = arith.mulf %mul3A_316, %sub3A_324 : vector<16xf32>
      %gt3A_326 = arith.constant 5.000000e-01 : f32
      %gt3A_327 = vector.broadcast %gt3A_326 : f32 to vector<16xf32>
      %gt3A_328 = arith.cmpf ogt, %get3A_212, %gt3A_327 : vector<16xf32>
      %jit3A_329 = arith.constant 0.000000e+00 : f32
      %broadcast_in_dim3A_330 = vector.broadcast %jit3A_329 : f32 to vector<16xf32>
      %select_n3A_331 = arith.select %gt3A_328, %mul3A_325, %broadcast_in_dim3A_330 : vector<16xi1>, vector<16xf32>
      %mul3A_332 = arith.constant 32 : i32
      %mul3A_333 = arith.muli %scan3A_77, %mul3A_332 : i32
      %add3A_334 = arith.constant 16 : i32
      %add3A_335 = arith.addi %mul3A_333, %add3A_334 : i32
      %swap3A_336 = arith.index_cast %add3A_335 : i32 to index
      %swap3A_337 = tpu.vector_load %arg10[%swap3A_336] {strides = array<i32>} : memref<640xf32, #tpu.memory_space<vmem>>, vector<16xf32>,
      tpu.vector_store %arg10[%swap3A_336], %select_n3A_331 {strides = array<i32>} : memref<640xf32, #tpu.memory_space<vmem>>, vector<16xf32>,
    }
    %scan3A_56 = arith.constant 20 : i32
    "tpu.region"() ({
      %run_scoped3A = tpu.sem_alloc : memref<!tpu.dma_semaphore, #tpu.memory_space<semaphore_mem>>
      %dma_start3A_77 = tpu.memref_slice %arg13[%mul3A_0] : memref<10240xf32, #tpu.memory_space<vmem_shared>> -> memref<640xf32, #tpu.memory_space<vmem_shared>>
      %dma_start3A_78 = tpu.memref_slice %arg13[%mul3A_0] : memref<10240xf32, #tpu.memory_space<vmem_shared>> -> memref<640xf32, #tpu.memory_space<vmem_shared>>
      tpu.enqueue_dma source(%arg10 : memref<640xf32, #tpu.memory_space<vmem>>) target(%dma_start3A_78 : memref<640xf32, #tpu.memory_space<vmem_shared>>) target_semaphore(%run_scoped3A : memref<!tpu.dma_semaphore, #tpu.memory_space<semaphore_mem>>)
      %dma_wait3A_79 = tpu.memref_slice %arg13[%mul3A_0] : memref<10240xf32, #tpu.memory_space<vmem_shared>> -> memref<640xf32, #tpu.memory_space<vmem_shared>>
      %dma_wait3A_80 = tpu.memref_slice %arg13[%mul3A_0] : memref<10240xf32, #tpu.memory_space<vmem_shared>> -> memref<640xf32, #tpu.memory_space<vmem_shared>>
      tpu.wait_dma2 semaphore(%run_scoped3A : memref<!tpu.dma_semaphore, #tpu.memory_space<semaphore_mem>>) src(%arg10 : memref<640xf32, #tpu.memory_space<vmem>>) dst(%dma_wait3A_80 : memref<640xf32, #tpu.memory_space<vmem_shared>>)
      tpu.yield
    }) : () -> ()
    %barrier3A_57 = arith.constant 0 : index
    tpu.barrier barrier_id(%barrier3A_57)
    "tpu.region"() ({
      %run_scoped3A = tpu.sem_alloc : memref<!tpu.dma_semaphore, #tpu.memory_space<semaphore_mem>>
      tpu.enqueue_dma source(%arg13 : memref<10240xf32, #tpu.memory_space<vmem_shared>>) target(%arg8 : memref<10240xf32, #tpu.memory_space<vmem>>) target_semaphore(%run_scoped3A : memref<!tpu.dma_semaphore, #tpu.memory_space<semaphore_mem>>)
      tpu.wait_dma2 semaphore(%run_scoped3A : memref<!tpu.dma_semaphore, #tpu.memory_space<semaphore_mem>>) src(%arg13 : memref<10240xf32, #tpu.memory_space<vmem_shared>>) dst(%arg8 : memref<10240xf32, #tpu.memory_space<vmem>>)
      tpu.yield
    }) : () -> ()
    %scan3A_58 = arith.constant 0 : i32
    %scan3A_59 = arith.constant 0 : i32
    %scan3A_60 = arith.constant 125 : i32
    %scan3A_61 = arith.addi %scan3A_59, %scan3A_60 : i32
    %scan3A_62 = arith.constant 1 : i32
    scf.for %scan3A_77 = %scan3A_59 to %scan3A_61 step %scan3A_62  : i32 {
      %mul3A_78 = arith.constant 80 : i32
      %mul3A_79 = arith.muli %scan3A_77, %mul3A_78 : i32
      %add3A_80 = arith.constant 0 : i32
      %add3A_81 = arith.addi %mul3A_79, %add3A_80 : i32
      %get3A = arith.index_cast %add3A_81 : i32 to index
      %get3A_82 = tpu.vector_load %arg6[%get3A] {strides = array<i32>} : memref<10000xi32, #tpu.memory_space<vmem>>, vector<16xi32>,
      %gather3A = tpu.vector_load_idx %arg8[%get3A_82] : memref<10240xf32, #tpu.memory_space<vmem>>[vector<16xi32>], vector<16xf32>,
      %mul3A_83 = arith.constant 80 : i32
      %mul3A_84 = arith.muli %scan3A_77, %mul3A_83 : i32
      %add3A_85 = arith.constant 0 : i32
      %add3A_86 = arith.addi %mul3A_84, %add3A_85 : i32
      %swap3A_87 = arith.index_cast %add3A_86 : i32 to index
      %swap3A_88 = tpu.vector_load %arg7[%swap3A_87] {strides = array<i32>} : memref<10000xf32, #tpu.memory_space<vmem>>, vector<16xf32>,
      tpu.vector_store %arg7[%swap3A_87], %gather3A {strides = array<i32>} : memref<10000xf32, #tpu.memory_space<vmem>>, vector<16xf32>,
      %mul3A_89 = arith.constant 80 : i32
      %mul3A_90 = arith.muli %scan3A_77, %mul3A_89 : i32
      %add3A_91 = arith.constant 16 : i32
      %add3A_92 = arith.addi %mul3A_90, %add3A_91 : i32
      %get3A_93 = arith.index_cast %add3A_92 : i32 to index
      %get3A_94 = tpu.vector_load %arg6[%get3A_93] {strides = array<i32>} : memref<10000xi32, #tpu.memory_space<vmem>>, vector<16xi32>,
      %gather3A_95 = tpu.vector_load_idx %arg8[%get3A_94] : memref<10240xf32, #tpu.memory_space<vmem>>[vector<16xi32>], vector<16xf32>,
      %mul3A_96 = arith.constant 80 : i32
      %mul3A_97 = arith.muli %scan3A_77, %mul3A_96 : i32
      %add3A_98 = arith.constant 16 : i32
      %add3A_99 = arith.addi %mul3A_97, %add3A_98 : i32
      %swap3A_100 = arith.index_cast %add3A_99 : i32 to index
      %swap3A_101 = tpu.vector_load %arg7[%swap3A_100] {strides = array<i32>} : memref<10000xf32, #tpu.memory_space<vmem>>, vector<16xf32>,
      tpu.vector_store %arg7[%swap3A_100], %gather3A_95 {strides = array<i32>} : memref<10000xf32, #tpu.memory_space<vmem>>, vector<16xf32>,
      %mul3A_102 = arith.constant 80 : i32
      %mul3A_103 = arith.muli %scan3A_77, %mul3A_102 : i32
      %add3A_104 = arith.constant 32 : i32
      %add3A_105 = arith.addi %mul3A_103, %add3A_104 : i32
      %get3A_106 = arith.index_cast %add3A_105 : i32 to index
      %get3A_107 = tpu.vector_load %arg6[%get3A_106] {strides = array<i32>} : memref<10000xi32, #tpu.memory_space<vmem>>, vector<16xi32>,
      %gather3A_108 = tpu.vector_load_idx %arg8[%get3A_107] : memref<10240xf32, #tpu.memory_space<vmem>>[vector<16xi32>], vector<16xf32>,
      %mul3A_109 = arith.constant 80 : i32
      %mul3A_110 = arith.muli %scan3A_77, %mul3A_109 : i32
      %add3A_111 = arith.constant 32 : i32
      %add3A_112 = arith.addi %mul3A_110, %add3A_111 : i32
      %swap3A_113 = arith.index_cast %add3A_112 : i32 to index
      %swap3A_114 = tpu.vector_load %arg7[%swap3A_113] {strides = array<i32>} : memref<10000xf32, #tpu.memory_space<vmem>>, vector<16xf32>,
      tpu.vector_store %arg7[%swap3A_113], %gather3A_108 {strides = array<i32>} : memref<10000xf32, #tpu.memory_space<vmem>>, vector<16xf32>,
      %mul3A_115 = arith.constant 80 : i32
      %mul3A_116 = arith.muli %scan3A_77, %mul3A_115 : i32
      %add3A_117 = arith.constant 48 : i32
      %add3A_118 = arith.addi %mul3A_116, %add3A_117 : i32
      %get3A_119 = arith.index_cast %add3A_118 : i32 to index
      %get3A_120 = tpu.vector_load %arg6[%get3A_119] {strides = array<i32>} : memref<10000xi32, #tpu.memory_space<vmem>>, vector<16xi32>,
      %gather3A_121 = tpu.vector_load_idx %arg8[%get3A_120] : memref<10240xf32, #tpu.memory_space<vmem>>[vector<16xi32>], vector<16xf32>,
      %mul3A_122 = arith.constant 80 : i32
      %mul3A_123 = arith.muli %scan3A_77, %mul3A_122 : i32
      %add3A_124 = arith.constant 48 : i32
      %add3A_125 = arith.addi %mul3A_123, %add3A_124 : i32
      %swap3A_126 = arith.index_cast %add3A_125 : i32 to index
      %swap3A_127 = tpu.vector_load %arg7[%swap3A_126] {strides = array<i32>} : memref<10000xf32, #tpu.memory_space<vmem>>, vector<16xf32>,
      tpu.vector_store %arg7[%swap3A_126], %gather3A_121 {strides = array<i32>} : memref<10000xf32, #tpu.memory_space<vmem>>, vector<16xf32>,
      %mul3A_128 = arith.constant 80 : i32
      %mul3A_129 = arith.muli %scan3A_77, %mul3A_128 : i32
      %add3A_130 = arith.constant 64 : i32
      %add3A_131 = arith.addi %mul3A_129, %add3A_130 : i32
      %get3A_132 = arith.index_cast %add3A_131 : i32 to index
      %get3A_133 = tpu.vector_load %arg6[%get3A_132] {strides = array<i32>} : memref<10000xi32, #tpu.memory_space<vmem>>, vector<16xi32>,
      %gather3A_134 = tpu.vector_load_idx %arg8[%get3A_133] : memref<10240xf32, #tpu.memory_space<vmem>>[vector<16xi32>], vector<16xf32>,
      %mul3A_135 = arith.constant 80 : i32
      %mul3A_136 = arith.muli %scan3A_77, %mul3A_135 : i32
      %add3A_137 = arith.constant 64 : i32
      %add3A_138 = arith.addi %mul3A_136, %add3A_137 : i32
      %swap3A_139 = arith.index_cast %add3A_138 : i32 to index
      %swap3A_140 = tpu.vector_load %arg7[%swap3A_139] {strides = array<i32>} : memref<10000xf32, #tpu.memory_space<vmem>>, vector<16xf32>,
      tpu.vector_store %arg7[%swap3A_139], %gather3A_134 {strides = array<i32>} : memref<10000xf32, #tpu.memory_space<vmem>>, vector<16xf32>,
    }
    %scan3A_63 = arith.constant 125 : i32
    %scan3A_64 = arith.constant 0 : i32
    %scan3A_65 = arith.constant 0 : i32
    %scan3A_66 = arith.constant 2 : i32
    %scan3A_67 = arith.addi %scan3A_65, %scan3A_66 : i32
    %scan3A_68 = arith.constant 1 : i32
    scf.for %scan3A_77 = %scan3A_65 to %scan3A_67 step %scan3A_68  : i32 {
      %scan3A_78 = arith.constant 0 : i32
      %scan3A_79 = arith.constant 0 : i32
      %scan3A_80 = arith.constant 39 : i32
      %scan3A_81 = arith.addi %scan3A_79, %scan3A_80 : i32
      %scan3A_82 = arith.constant 1 : i32
      scf.for %scan3A_90 = %scan3A_79 to %scan3A_81 step %scan3A_82  : i32 {
        %mul3A_91 = arith.constant 39 : i32
        %mul3A_92 = arith.muli %scan3A_77, %mul3A_91 : i32
        %add3A_93 = arith.addi %mul3A_92, %scan3A_90 : i32
        %mul3A_94 = arith.constant 128 : i32
        %mul3A_95 = arith.muli %add3A_93, %mul3A_94 : i32
        %mul3A_96 = arith.constant 128 : i32
        %mul3A_97 = arith.muli %add3A_93, %mul3A_96 : i32
        %dma_start3A_98 = tpu.memref_slice %arg7[%mul3A_95] : memref<10000xf32, #tpu.memory_space<vmem>> -> memref<128xf32, #tpu.memory_space<vmem>>
        %dma_start3A_99 = tpu.memref_slice %arg5[%mul3A_97] : memref<10000xi32, #tpu.memory_space<vmem>> -> memref<128xi32, #tpu.memory_space<vmem>>
        %dma_start3A_100 = arith.constant 0 : i32
        %dma_start3A_101 = tpu.memref_slice %arg12[%dma_start3A_100] : memref<10240xf32, #tpu.memory_space<vmem_shared>> -> memref<10240xf32, #tpu.memory_space<vmem_shared>>
        tpu.enqueue_indirect_dma source(%dma_start3A_98 : memref<128xf32, #tpu.memory_space<vmem>>) target(%dma_start3A_101 : memref<10240xf32, #tpu.memory_space<vmem_shared>>) offsets(%dma_start3A_99 : memref<128xi32, #tpu.memory_space<vmem>>) semaphore(%arg15 : memref<!tpu.dma_semaphore, #tpu.memory_space<semaphore_mem>>) {add = true}
      }
      %scan3A_83 = arith.constant 39 : i32
      %scan3A_84 = arith.constant 0 : i32
      %scan3A_85 = arith.constant 0 : i32
      %scan3A_86 = arith.constant 39 : i32
      %scan3A_87 = arith.addi %scan3A_85, %scan3A_86 : i32
      %scan3A_88 = arith.constant 1 : i32
      scf.for %scan3A_90 = %scan3A_85 to %scan3A_87 step %scan3A_88  : i32 {
        %mul3A_91 = arith.constant 39 : i32
        %mul3A_92 = arith.muli %scan3A_77, %mul3A_91 : i32
        %add3A_93 = arith.addi %mul3A_92, %scan3A_90 : i32
        %mul3A_94 = arith.constant 128 : i32
        %mul3A_95 = arith.muli %add3A_93, %mul3A_94 : i32
        %mul3A_96 = arith.constant 128 : i32
        %mul3A_97 = arith.muli %add3A_93, %mul3A_96 : i32
        %dma_wait3A_98 = tpu.memref_slice %arg7[%mul3A_95] : memref<10000xf32, #tpu.memory_space<vmem>> -> memref<128xf32, #tpu.memory_space<vmem>>
        %dma_wait3A_99 = tpu.memref_slice %arg5[%mul3A_97] : memref<10000xi32, #tpu.memory_space<vmem>> -> memref<128xi32, #tpu.memory_space<vmem>>
        %dma_wait3A_100 = arith.constant 0 : i32
        %dma_wait3A_101 = tpu.memref_slice %arg12[%dma_wait3A_100] : memref<10240xf32, #tpu.memory_space<vmem_shared>> -> memref<10240xf32, #tpu.memory_space<vmem_shared>>
        tpu.wait_indirect_dma semaphore(%arg15 : memref<!tpu.dma_semaphore, #tpu.memory_space<semaphore_mem>>) src(%dma_wait3A_98 : memref<128xf32, #tpu.memory_space<vmem>>) dst(%dma_wait3A_101 : memref<10240xf32, #tpu.memory_space<vmem_shared>>)
      }
      %scan3A_89 = arith.constant 39 : i32
    }
    %scan3A_69 = arith.constant 2 : i32
    "tpu.region"() ({
      %run_scoped3A = tpu.sem_alloc : memref<!tpu.dma_semaphore, #tpu.memory_space<semaphore_mem>>
      %dma_start3A_77 = arith.constant 9984 : i32
      %dma_start3A_78 = tpu.memref_slice %arg7[%dma_start3A_77] : memref<10000xf32, #tpu.memory_space<vmem>> -> memref<16xf32, #tpu.memory_space<vmem>>
      %dma_start3A_79 = arith.constant 9984 : i32
      %dma_start3A_80 = tpu.memref_slice %arg5[%dma_start3A_79] : memref<10000xi32, #tpu.memory_space<vmem>> -> memref<16xi32, #tpu.memory_space<vmem>>
      %dma_start3A_81 = arith.constant 0 : i32
      %dma_start3A_82 = tpu.memref_slice %arg12[%dma_start3A_81] : memref<10240xf32, #tpu.memory_space<vmem_shared>> -> memref<10240xf32, #tpu.memory_space<vmem_shared>>
      tpu.enqueue_indirect_dma source(%dma_start3A_78 : memref<16xf32, #tpu.memory_space<vmem>>) target(%dma_start3A_82 : memref<10240xf32, #tpu.memory_space<vmem_shared>>) offsets(%dma_start3A_80 : memref<16xi32, #tpu.memory_space<vmem>>) semaphore(%run_scoped3A : memref<!tpu.dma_semaphore, #tpu.memory_space<semaphore_mem>>) {add = true}
      %dma_wait3A_83 = arith.constant 9984 : i32
      %dma_wait3A_84 = tpu.memref_slice %arg7[%dma_wait3A_83] : memref<10000xf32, #tpu.memory_space<vmem>> -> memref<16xf32, #tpu.memory_space<vmem>>
      %dma_wait3A_85 = arith.constant 9984 : i32
      %dma_wait3A_86 = tpu.memref_slice %arg5[%dma_wait3A_85] : memref<10000xi32, #tpu.memory_space<vmem>> -> memref<16xi32, #tpu.memory_space<vmem>>
      %dma_wait3A_87 = arith.constant 0 : i32
      %dma_wait3A_88 = tpu.memref_slice %arg12[%dma_wait3A_87] : memref<10240xf32, #tpu.memory_space<vmem_shared>> -> memref<10240xf32, #tpu.memory_space<vmem_shared>>
      tpu.wait_indirect_dma semaphore(%run_scoped3A : memref<!tpu.dma_semaphore, #tpu.memory_space<semaphore_mem>>) src(%dma_wait3A_84 : memref<16xf32, #tpu.memory_space<vmem>>) dst(%dma_wait3A_88 : memref<10240xf32, #tpu.memory_space<vmem_shared>>)
      tpu.yield
    }) : () -> ()
    %barrier3A_70 = arith.constant 0 : index
    tpu.barrier barrier_id(%barrier3A_70)
    "tpu.region"() ({
      %run_scoped3A = tpu.sem_alloc : memref<!tpu.dma_semaphore, #tpu.memory_space<semaphore_mem>>
      %dma_start3A_77 = tpu.memref_slice %arg12[%mul3A_0] : memref<10240xf32, #tpu.memory_space<vmem_shared>> -> memref<640xf32, #tpu.memory_space<vmem_shared>>
      %dma_start3A_78 = tpu.memref_slice %arg12[%mul3A_0] : memref<10240xf32, #tpu.memory_space<vmem_shared>> -> memref<640xf32, #tpu.memory_space<vmem_shared>>
      tpu.enqueue_dma source(%dma_start3A_78 : memref<640xf32, #tpu.memory_space<vmem_shared>>) target(%arg9 : memref<640xf32, #tpu.memory_space<vmem>>) target_semaphore(%run_scoped3A : memref<!tpu.dma_semaphore, #tpu.memory_space<semaphore_mem>>)
      %dma_wait3A_79 = tpu.memref_slice %arg12[%mul3A_0] : memref<10240xf32, #tpu.memory_space<vmem_shared>> -> memref<640xf32, #tpu.memory_space<vmem_shared>>
      %dma_wait3A_80 = tpu.memref_slice %arg12[%mul3A_0] : memref<10240xf32, #tpu.memory_space<vmem_shared>> -> memref<640xf32, #tpu.memory_space<vmem_shared>>
      tpu.wait_dma2 semaphore(%run_scoped3A : memref<!tpu.dma_semaphore, #tpu.memory_space<semaphore_mem>>) src(%dma_wait3A_80 : memref<640xf32, #tpu.memory_space<vmem_shared>>) dst(%arg9 : memref<640xf32, #tpu.memory_space<vmem>>)
      tpu.yield
    }) : () -> ()
    %scan3A_71 = arith.constant 0 : i32
    %scan3A_72 = arith.constant 0 : i32
    %scan3A_73 = arith.constant 5 : i32
    %scan3A_74 = arith.addi %scan3A_72, %scan3A_73 : i32
    %scan3A_75 = arith.constant 1 : i32
    scf.for %scan3A_77 = %scan3A_72 to %scan3A_74 step %scan3A_75  : i32 {
      %mul3A_78 = arith.constant 128 : i32
      %mul3A_79 = arith.muli %scan3A_77, %mul3A_78 : i32
      %add3A_80 = arith.constant 0 : i32
      %add3A_81 = arith.addi %mul3A_79, %add3A_80 : i32
      %get3A = arith.index_cast %add3A_81 : i32 to index
      %get3A_82 = tpu.vector_load %arg9[%get3A] {strides = array<i32>} : memref<640xf32, #tpu.memory_space<vmem>>, vector<16xf32>,
      %mul3A_83 = arith.constant 128 : i32
      %mul3A_84 = arith.muli %scan3A_77, %mul3A_83 : i32
      %add3A_85 = arith.constant 0 : i32
      %add3A_86 = arith.addi %mul3A_84, %add3A_85 : i32
      %get3A_87 = arith.index_cast %add3A_86 : i32 to index
      %get3A_88 = tpu.vector_load %arg10[%get3A_87] {strides = array<i32>} : memref<640xf32, #tpu.memory_space<vmem>>, vector<16xf32>,
      %mul3A_89 = arith.mulf %get3A_82, %get3A_88 : vector<16xf32>
      %mul3A_90 = arith.constant 128 : i32
      %mul3A_91 = arith.muli %scan3A_77, %mul3A_90 : i32
      %add3A_92 = arith.constant 0 : i32
      %add3A_93 = arith.addi %mul3A_91, %add3A_92 : i32
      %swap3A_94 = arith.index_cast %add3A_93 : i32 to index
      %swap3A_95 = tpu.vector_load %arg9[%swap3A_94] {strides = array<i32>} : memref<640xf32, #tpu.memory_space<vmem>>, vector<16xf32>,
      tpu.vector_store %arg9[%swap3A_94], %mul3A_89 {strides = array<i32>} : memref<640xf32, #tpu.memory_space<vmem>>, vector<16xf32>,
      %mul3A_96 = arith.constant 128 : i32
      %mul3A_97 = arith.muli %scan3A_77, %mul3A_96 : i32
      %add3A_98 = arith.constant 16 : i32
      %add3A_99 = arith.addi %mul3A_97, %add3A_98 : i32
      %get3A_100 = arith.index_cast %add3A_99 : i32 to index
      %get3A_101 = tpu.vector_load %arg9[%get3A_100] {strides = array<i32>} : memref<640xf32, #tpu.memory_space<vmem>>, vector<16xf32>,
      %mul3A_102 = arith.constant 128 : i32
      %mul3A_103 = arith.muli %scan3A_77, %mul3A_102 : i32
      %add3A_104 = arith.constant 16 : i32
      %add3A_105 = arith.addi %mul3A_103, %add3A_104 : i32
      %get3A_106 = arith.index_cast %add3A_105 : i32 to index
      %get3A_107 = tpu.vector_load %arg10[%get3A_106] {strides = array<i32>} : memref<640xf32, #tpu.memory_space<vmem>>, vector<16xf32>,
      %mul3A_108 = arith.mulf %get3A_101, %get3A_107 : vector<16xf32>
      %mul3A_109 = arith.constant 128 : i32
      %mul3A_110 = arith.muli %scan3A_77, %mul3A_109 : i32
      %add3A_111 = arith.constant 16 : i32
      %add3A_112 = arith.addi %mul3A_110, %add3A_111 : i32
      %swap3A_113 = arith.index_cast %add3A_112 : i32 to index
      %swap3A_114 = tpu.vector_load %arg9[%swap3A_113] {strides = array<i32>} : memref<640xf32, #tpu.memory_space<vmem>>, vector<16xf32>,
      tpu.vector_store %arg9[%swap3A_113], %mul3A_108 {strides = array<i32>} : memref<640xf32, #tpu.memory_space<vmem>>, vector<16xf32>,
      %mul3A_115 = arith.constant 128 : i32
      %mul3A_116 = arith.muli %scan3A_77, %mul3A_115 : i32
      %add3A_117 = arith.constant 32 : i32
      %add3A_118 = arith.addi %mul3A_116, %add3A_117 : i32
      %get3A_119 = arith.index_cast %add3A_118 : i32 to index
      %get3A_120 = tpu.vector_load %arg9[%get3A_119] {strides = array<i32>} : memref<640xf32, #tpu.memory_space<vmem>>, vector<16xf32>,
      %mul3A_121 = arith.constant 128 : i32
      %mul3A_122 = arith.muli %scan3A_77, %mul3A_121 : i32
      %add3A_123 = arith.constant 32 : i32
      %add3A_124 = arith.addi %mul3A_122, %add3A_123 : i32
      %get3A_125 = arith.index_cast %add3A_124 : i32 to index
      %get3A_126 = tpu.vector_load %arg10[%get3A_125] {strides = array<i32>} : memref<640xf32, #tpu.memory_space<vmem>>, vector<16xf32>,
      %mul3A_127 = arith.mulf %get3A_120, %get3A_126 : vector<16xf32>
      %mul3A_128 = arith.constant 128 : i32
      %mul3A_129 = arith.muli %scan3A_77, %mul3A_128 : i32
      %add3A_130 = arith.constant 32 : i32
      %add3A_131 = arith.addi %mul3A_129, %add3A_130 : i32
      %swap3A_132 = arith.index_cast %add3A_131 : i32 to index
      %swap3A_133 = tpu.vector_load %arg9[%swap3A_132] {strides = array<i32>} : memref<640xf32, #tpu.memory_space<vmem>>, vector<16xf32>,
      tpu.vector_store %arg9[%swap3A_132], %mul3A_127 {strides = array<i32>} : memref<640xf32, #tpu.memory_space<vmem>>, vector<16xf32>,
      %mul3A_134 = arith.constant 128 : i32
      %mul3A_135 = arith.muli %scan3A_77, %mul3A_134 : i32
      %add3A_136 = arith.constant 48 : i32
      %add3A_137 = arith.addi %mul3A_135, %add3A_136 : i32
      %get3A_138 = arith.index_cast %add3A_137 : i32 to index
      %get3A_139 = tpu.vector_load %arg9[%get3A_138] {strides = array<i32>} : memref<640xf32, #tpu.memory_space<vmem>>, vector<16xf32>,
      %mul3A_140 = arith.constant 128 : i32
      %mul3A_141 = arith.muli %scan3A_77, %mul3A_140 : i32
      %add3A_142 = arith.constant 48 : i32
      %add3A_143 = arith.addi %mul3A_141, %add3A_142 : i32
      %get3A_144 = arith.index_cast %add3A_143 : i32 to index
      %get3A_145 = tpu.vector_load %arg10[%get3A_144] {strides = array<i32>} : memref<640xf32, #tpu.memory_space<vmem>>, vector<16xf32>,
      %mul3A_146 = arith.mulf %get3A_139, %get3A_145 : vector<16xf32>
      %mul3A_147 = arith.constant 128 : i32
      %mul3A_148 = arith.muli %scan3A_77, %mul3A_147 : i32
      %add3A_149 = arith.constant 48 : i32
      %add3A_150 = arith.addi %mul3A_148, %add3A_149 : i32
      %swap3A_151 = arith.index_cast %add3A_150 : i32 to index
      %swap3A_152 = tpu.vector_load %arg9[%swap3A_151] {strides = array<i32>} : memref<640xf32, #tpu.memory_space<vmem>>, vector<16xf32>,
      tpu.vector_store %arg9[%swap3A_151], %mul3A_146 {strides = array<i32>} : memref<640xf32, #tpu.memory_space<vmem>>, vector<16xf32>,
      %mul3A_153 = arith.constant 128 : i32
      %mul3A_154 = arith.muli %scan3A_77, %mul3A_153 : i32
      %add3A_155 = arith.constant 64 : i32
      %add3A_156 = arith.addi %mul3A_154, %add3A_155 : i32
      %get3A_157 = arith.index_cast %add3A_156 : i32 to index
      %get3A_158 = tpu.vector_load %arg9[%get3A_157] {strides = array<i32>} : memref<640xf32, #tpu.memory_space<vmem>>, vector<16xf32>,
      %mul3A_159 = arith.constant 128 : i32
      %mul3A_160 = arith.muli %scan3A_77, %mul3A_159 : i32
      %add3A_161 = arith.constant 64 : i32
      %add3A_162 = arith.addi %mul3A_160, %add3A_161 : i32
      %get3A_163 = arith.index_cast %add3A_162 : i32 to index
      %get3A_164 = tpu.vector_load %arg10[%get3A_163] {strides = array<i32>} : memref<640xf32, #tpu.memory_space<vmem>>, vector<16xf32>,
      %mul3A_165 = arith.mulf %get3A_158, %get3A_164 : vector<16xf32>
      %mul3A_166 = arith.constant 128 : i32
      %mul3A_167 = arith.muli %scan3A_77, %mul3A_166 : i32
      %add3A_168 = arith.constant 64 : i32
      %add3A_169 = arith.addi %mul3A_167, %add3A_168 : i32
      %swap3A_170 = arith.index_cast %add3A_169 : i32 to index
      %swap3A_171 = tpu.vector_load %arg9[%swap3A_170] {strides = array<i32>} : memref<640xf32, #tpu.memory_space<vmem>>, vector<16xf32>,
      tpu.vector_store %arg9[%swap3A_170], %mul3A_165 {strides = array<i32>} : memref<640xf32, #tpu.memory_space<vmem>>, vector<16xf32>,
      %mul3A_172 = arith.constant 128 : i32
      %mul3A_173 = arith.muli %scan3A_77, %mul3A_172 : i32
      %add3A_174 = arith.constant 80 : i32
      %add3A_175 = arith.addi %mul3A_173, %add3A_174 : i32
      %get3A_176 = arith.index_cast %add3A_175 : i32 to index
      %get3A_177 = tpu.vector_load %arg9[%get3A_176] {strides = array<i32>} : memref<640xf32, #tpu.memory_space<vmem>>, vector<16xf32>,
      %mul3A_178 = arith.constant 128 : i32
      %mul3A_179 = arith.muli %scan3A_77, %mul3A_178 : i32
      %add3A_180 = arith.constant 80 : i32
      %add3A_181 = arith.addi %mul3A_179, %add3A_180 : i32
      %get3A_182 = arith.index_cast %add3A_181 : i32 to index
      %get3A_183 = tpu.vector_load %arg10[%get3A_182] {strides = array<i32>} : memref<640xf32, #tpu.memory_space<vmem>>, vector<16xf32>,
      %mul3A_184 = arith.mulf %get3A_177, %get3A_183 : vector<16xf32>
      %mul3A_185 = arith.constant 128 : i32
      %mul3A_186 = arith.muli %scan3A_77, %mul3A_185 : i32
      %add3A_187 = arith.constant 80 : i32
      %add3A_188 = arith.addi %mul3A_186, %add3A_187 : i32
      %swap3A_189 = arith.index_cast %add3A_188 : i32 to index
      %swap3A_190 = tpu.vector_load %arg9[%swap3A_189] {strides = array<i32>} : memref<640xf32, #tpu.memory_space<vmem>>, vector<16xf32>,
      tpu.vector_store %arg9[%swap3A_189], %mul3A_184 {strides = array<i32>} : memref<640xf32, #tpu.memory_space<vmem>>, vector<16xf32>,
      %mul3A_191 = arith.constant 128 : i32
      %mul3A_192 = arith.muli %scan3A_77, %mul3A_191 : i32
      %add3A_193 = arith.constant 96 : i32
      %add3A_194 = arith.addi %mul3A_192, %add3A_193 : i32
      %get3A_195 = arith.index_cast %add3A_194 : i32 to index
      %get3A_196 = tpu.vector_load %arg9[%get3A_195] {strides = array<i32>} : memref<640xf32, #tpu.memory_space<vmem>>, vector<16xf32>,
      %mul3A_197 = arith.constant 128 : i32
      %mul3A_198 = arith.muli %scan3A_77, %mul3A_197 : i32
      %add3A_199 = arith.constant 96 : i32
      %add3A_200 = arith.addi %mul3A_198, %add3A_199 : i32
      %get3A_201 = arith.index_cast %add3A_200 : i32 to index
      %get3A_202 = tpu.vector_load %arg10[%get3A_201] {strides = array<i32>} : memref<640xf32, #tpu.memory_space<vmem>>, vector<16xf32>,
      %mul3A_203 = arith.mulf %get3A_196, %get3A_202 : vector<16xf32>
      %mul3A_204 = arith.constant 128 : i32
      %mul3A_205 = arith.muli %scan3A_77, %mul3A_204 : i32
      %add3A_206 = arith.constant 96 : i32
      %add3A_207 = arith.addi %mul3A_205, %add3A_206 : i32
      %swap3A_208 = arith.index_cast %add3A_207 : i32 to index
      %swap3A_209 = tpu.vector_load %arg9[%swap3A_208] {strides = array<i32>} : memref<640xf32, #tpu.memory_space<vmem>>, vector<16xf32>,
      tpu.vector_store %arg9[%swap3A_208], %mul3A_203 {strides = array<i32>} : memref<640xf32, #tpu.memory_space<vmem>>, vector<16xf32>,
      %mul3A_210 = arith.constant 128 : i32
      %mul3A_211 = arith.muli %scan3A_77, %mul3A_210 : i32
      %add3A_212 = arith.constant 112 : i32
      %add3A_213 = arith.addi %mul3A_211, %add3A_212 : i32
      %get3A_214 = arith.index_cast %add3A_213 : i32 to index
      %get3A_215 = tpu.vector_load %arg9[%get3A_214] {strides = array<i32>} : memref<640xf32, #tpu.memory_space<vmem>>, vector<16xf32>,
      %mul3A_216 = arith.constant 128 : i32
      %mul3A_217 = arith.muli %scan3A_77, %mul3A_216 : i32
      %add3A_218 = arith.constant 112 : i32
      %add3A_219 = arith.addi %mul3A_217, %add3A_218 : i32
      %get3A_220 = arith.index_cast %add3A_219 : i32 to index
      %get3A_221 = tpu.vector_load %arg10[%get3A_220] {strides = array<i32>} : memref<640xf32, #tpu.memory_space<vmem>>, vector<16xf32>,
      %mul3A_222 = arith.mulf %get3A_215, %get3A_221 : vector<16xf32>
      %mul3A_223 = arith.constant 128 : i32
      %mul3A_224 = arith.muli %scan3A_77, %mul3A_223 : i32
      %add3A_225 = arith.constant 112 : i32
      %add3A_226 = arith.addi %mul3A_224, %add3A_225 : i32
      %swap3A_227 = arith.index_cast %add3A_226 : i32 to index
      %swap3A_228 = tpu.vector_load %arg9[%swap3A_227] {strides = array<i32>} : memref<640xf32, #tpu.memory_space<vmem>>, vector<16xf32>,
      tpu.vector_store %arg9[%swap3A_227], %mul3A_222 {strides = array<i32>} : memref<640xf32, #tpu.memory_space<vmem>>, vector<16xf32>,
    }
    %scan3A_76 = arith.constant 5 : i32
    "tpu.region"() ({
      %run_scoped3A = tpu.sem_alloc : memref<!tpu.dma_semaphore, #tpu.memory_space<semaphore_mem>>
      %dma_start3A_77 = tpu.memref_slice %arg3[%arg0, %mul3A_0] : memref<2x10240xf32, #tpu.memory_space<hbm>> -> memref<1x640xf32, #tpu.memory_space<hbm>>
      %dma_start3A_78 = tpu.memref_squeeze %dma_start3A_77 : memref<1x640xf32, #tpu.memory_space<hbm>> -> memref<640xf32, #tpu.memory_space<hbm>>
      %dma_start3A_79 = tpu.memref_slice %arg3[%arg0, %mul3A_0] : memref<2x10240xf32, #tpu.memory_space<hbm>> -> memref<1x640xf32, #tpu.memory_space<hbm>>
      %dma_start3A_80 = tpu.memref_squeeze %dma_start3A_79 : memref<1x640xf32, #tpu.memory_space<hbm>> -> memref<640xf32, #tpu.memory_space<hbm>>
      tpu.enqueue_dma source(%arg9 : memref<640xf32, #tpu.memory_space<vmem>>) target(%dma_start3A_80 : memref<640xf32, #tpu.memory_space<hbm>>) target_semaphore(%run_scoped3A : memref<!tpu.dma_semaphore, #tpu.memory_space<semaphore_mem>>)
      %dma_wait3A_81 = tpu.memref_slice %arg3[%arg0, %mul3A_0] : memref<2x10240xf32, #tpu.memory_space<hbm>> -> memref<1x640xf32, #tpu.memory_space<hbm>>
      %dma_wait3A_82 = tpu.memref_squeeze %dma_wait3A_81 : memref<1x640xf32, #tpu.memory_space<hbm>> -> memref<640xf32, #tpu.memory_space<hbm>>
      %dma_wait3A_83 = tpu.memref_slice %arg3[%arg0, %mul3A_0] : memref<2x10240xf32, #tpu.memory_space<hbm>> -> memref<1x640xf32, #tpu.memory_space<hbm>>
      %dma_wait3A_84 = tpu.memref_squeeze %dma_wait3A_83 : memref<1x640xf32, #tpu.memory_space<hbm>> -> memref<640xf32, #tpu.memory_space<hbm>>
      tpu.wait_dma2 semaphore(%run_scoped3A : memref<!tpu.dma_semaphore, #tpu.memory_space<semaphore_mem>>) src(%arg9 : memref<640xf32, #tpu.memory_space<vmem>>) dst(%dma_wait3A_84 : memref<640xf32, #tpu.memory_space<hbm>>)
      tpu.yield
    }) : () -> ()
    return
  }
}

module attributes {stable_mosaic.version = 14 : i64} {
  func.func @_mm_body(%arg0: memref<10000x128xf32, #tpu.memory_space<vmem>>, %arg1: memref<128x128xf32, #tpu.memory_space<vmem>>, %arg2: memref<128x128xf32, #tpu.memory_space<vmem>>, %arg3: memref<128x128xf32, #tpu.memory_space<vmem>>, %arg4: memref<10000x128xbf16, #tpu.memory_space<vmem>>, %arg5: memref<10000x128xbf16, #tpu.memory_space<vmem>>, %arg6: memref<10000x128xbf16, #tpu.memory_space<vmem>>) attributes {dimension_semantics = [], scalar_prefetch = 0 : i64, scratch_operands = 0 : i64, tpu.core_type = #tpu.core_type<tc>} {
    %get3A = arith.constant 0 : index
    %get3A_0 = arith.constant 0 : index
    %get3A_1 = vector.load %arg0[%get3A, %get3A_0] : memref<10000x128xf32, #tpu.memory_space<vmem>>, vector<10000x128xf32>
    %get3A_2 = arith.constant 0 : index
    %get3A_3 = arith.constant 0 : index
    %get3A_4 = vector.load %arg1[%get3A_2, %get3A_3] : memref<128x128xf32, #tpu.memory_space<vmem>>, vector<128x128xf32>
    %dot_general3A = arith.constant dense<0.000000e+00> : vector<10000x128xf32>
    %dot_general3A_5 = tpu.matmul %get3A_1, %get3A_4, %dot_general3A {dimension_numbers = #tpu.dot_dimension_numbers<[1], [0], [0], [1], [0, 0, 1, 1], [], []>, transpose_lhs_hint = false} : vector<10000x128xf32>, vector<128x128xf32>, vector<10000x128xf32> -> vector<10000x128xf32>
    %convert_element_type3A = arith.truncf %dot_general3A_5 : vector<10000x128xf32> to vector<10000x128xbf16>
    %swap3A = arith.constant 0 : index
    %swap3A_6 = arith.constant 0 : index
    %swap3A_7 = vector.load %arg4[%swap3A, %swap3A_6] : memref<10000x128xbf16, #tpu.memory_space<vmem>>, vector<10000x128xbf16>
    tpu.vector_store %arg4[%swap3A, %swap3A_6], %convert_element_type3A {strides = array<i32>} : memref<10000x128xbf16, #tpu.memory_space<vmem>>, vector<10000x128xbf16>,
    %get3A_8 = arith.constant 0 : index
    %get3A_9 = arith.constant 0 : index
    %get3A_10 = vector.load %arg2[%get3A_8, %get3A_9] : memref<128x128xf32, #tpu.memory_space<vmem>>, vector<128x128xf32>
    %dot_general3A_11 = arith.constant dense<0.000000e+00> : vector<10000x128xf32>
    %dot_general3A_12 = tpu.matmul %get3A_1, %get3A_10, %dot_general3A_11 {dimension_numbers = #tpu.dot_dimension_numbers<[1], [0], [0], [1], [0, 0, 1, 1], [], []>, transpose_lhs_hint = false} : vector<10000x128xf32>, vector<128x128xf32>, vector<10000x128xf32> -> vector<10000x128xf32>
    %convert_element_type3A_13 = arith.truncf %dot_general3A_12 : vector<10000x128xf32> to vector<10000x128xbf16>
    %swap3A_14 = arith.constant 0 : index
    %swap3A_15 = arith.constant 0 : index
    %swap3A_16 = vector.load %arg5[%swap3A_14, %swap3A_15] : memref<10000x128xbf16, #tpu.memory_space<vmem>>, vector<10000x128xbf16>
    tpu.vector_store %arg5[%swap3A_14, %swap3A_15], %convert_element_type3A_13 {strides = array<i32>} : memref<10000x128xbf16, #tpu.memory_space<vmem>>, vector<10000x128xbf16>,
    %get3A_17 = arith.constant 0 : index
    %get3A_18 = arith.constant 0 : index
    %get3A_19 = vector.load %arg3[%get3A_17, %get3A_18] : memref<128x128xf32, #tpu.memory_space<vmem>>, vector<128x128xf32>
    %dot_general3A_20 = arith.constant dense<0.000000e+00> : vector<10000x128xf32>
    %dot_general3A_21 = tpu.matmul %get3A_1, %get3A_19, %dot_general3A_20 {dimension_numbers = #tpu.dot_dimension_numbers<[1], [0], [0], [1], [0, 0, 1, 1], [], []>, transpose_lhs_hint = false} : vector<10000x128xf32>, vector<128x128xf32>, vector<10000x128xf32> -> vector<10000x128xf32>
    %convert_element_type3A_22 = arith.truncf %dot_general3A_21 : vector<10000x128xf32> to vector<10000x128xbf16>
    %swap3A_23 = arith.constant 0 : index
    %swap3A_24 = arith.constant 0 : index
    %swap3A_25 = vector.load %arg6[%swap3A_23, %swap3A_24] : memref<10000x128xbf16, #tpu.memory_space<vmem>>, vector<10000x128xbf16>
    tpu.vector_store %arg6[%swap3A_23, %swap3A_24], %convert_element_type3A_22 {strides = array<i32>} : memref<10000x128xbf16, #tpu.memory_space<vmem>>, vector<10000x128xbf16>,
    return
  }
}

module attributes {stable_mosaic.version = 14 : i64} {
  func.func @_combine_body(%arg0: memref<10000x128xbf16, #tpu.memory_space<any>>, %arg1: memref<10000x128xbf16, #tpu.memory_space<any>>, %arg2: memref<10000x128xbf16, #tpu.memory_space<any>>, %arg3: memref<2x10240xf32, #tpu.memory_space<vmem>>, %arg4: memref<1x128xf32, #tpu.memory_space<vmem>>, %arg5: memref<1x128xf32, #tpu.memory_space<vmem>>, %arg6: memref<10000x128xf32, #tpu.memory_space<any>>, %arg7: memref<10000x128xbf16, #tpu.memory_space<vmem>>, %arg8: memref<10000x128xbf16, #tpu.memory_space<vmem>>, %arg9: memref<10000x128xbf16, #tpu.memory_space<vmem>>, %arg10: memref<10000x128xf32, #tpu.memory_space<vmem>>, %arg11: memref<!tpu.dma_semaphore, #tpu.memory_space<semaphore_mem>>, %arg12: memref<!tpu.dma_semaphore, #tpu.memory_space<semaphore_mem>>) attributes {dimension_semantics = [], scalar_prefetch = 0 : i64, scratch_operands = 6 : i64, tpu.core_type = #tpu.core_type<tc>} {
    %dma_start3A = arith.constant 0 : i32
    %dma_start3A_0 = arith.constant 0 : i32
    %dma_start3A_1 = tpu.memref_slice %arg7[%dma_start3A, %dma_start3A_0] : memref<10000x128xbf16, #tpu.memory_space<vmem>> -> memref<2000x128xbf16, #tpu.memory_space<vmem>>
    %dma_start3A_2 = arith.constant 0 : i32
    %dma_start3A_3 = arith.constant 0 : i32
    %dma_start3A_4 = tpu.memref_slice %arg0[%dma_start3A_2, %dma_start3A_3] : memref<10000x128xbf16, #tpu.memory_space<any>> -> memref<2000x128xbf16, #tpu.memory_space<any>>
    tpu.enqueue_dma source(%dma_start3A_4 : memref<2000x128xbf16, #tpu.memory_space<any>>) target(%dma_start3A_1 : memref<2000x128xbf16, #tpu.memory_space<vmem>>) target_semaphore(%arg11 : memref<!tpu.dma_semaphore, #tpu.memory_space<semaphore_mem>>)
    %dma_start3A_5 = arith.constant 0 : i32
    %dma_start3A_6 = arith.constant 0 : i32
    %dma_start3A_7 = tpu.memref_slice %arg8[%dma_start3A_5, %dma_start3A_6] : memref<10000x128xbf16, #tpu.memory_space<vmem>> -> memref<2000x128xbf16, #tpu.memory_space<vmem>>
    %dma_start3A_8 = arith.constant 0 : i32
    %dma_start3A_9 = arith.constant 0 : i32
    %dma_start3A_10 = tpu.memref_slice %arg1[%dma_start3A_8, %dma_start3A_9] : memref<10000x128xbf16, #tpu.memory_space<any>> -> memref<2000x128xbf16, #tpu.memory_space<any>>
    tpu.enqueue_dma source(%dma_start3A_10 : memref<2000x128xbf16, #tpu.memory_space<any>>) target(%dma_start3A_7 : memref<2000x128xbf16, #tpu.memory_space<vmem>>) target_semaphore(%arg11 : memref<!tpu.dma_semaphore, #tpu.memory_space<semaphore_mem>>)
    %dma_start3A_11 = arith.constant 0 : i32
    %dma_start3A_12 = arith.constant 0 : i32
    %dma_start3A_13 = tpu.memref_slice %arg9[%dma_start3A_11, %dma_start3A_12] : memref<10000x128xbf16, #tpu.memory_space<vmem>> -> memref<2000x128xbf16, #tpu.memory_space<vmem>>
    %dma_start3A_14 = arith.constant 0 : i32
    %dma_start3A_15 = arith.constant 0 : i32
    %dma_start3A_16 = tpu.memref_slice %arg2[%dma_start3A_14, %dma_start3A_15] : memref<10000x128xbf16, #tpu.memory_space<any>> -> memref<2000x128xbf16, #tpu.memory_space<any>>
    tpu.enqueue_dma source(%dma_start3A_16 : memref<2000x128xbf16, #tpu.memory_space<any>>) target(%dma_start3A_13 : memref<2000x128xbf16, #tpu.memory_space<vmem>>) target_semaphore(%arg11 : memref<!tpu.dma_semaphore, #tpu.memory_space<semaphore_mem>>)
    %dma_start3A_17 = arith.constant 2000 : i32
    %dma_start3A_18 = arith.constant 0 : i32
    %dma_start3A_19 = tpu.memref_slice %arg7[%dma_start3A_17, %dma_start3A_18] : memref<10000x128xbf16, #tpu.memory_space<vmem>> -> memref<2000x128xbf16, #tpu.memory_space<vmem>>
    %dma_start3A_20 = arith.constant 2000 : i32
    %dma_start3A_21 = arith.constant 0 : i32
    %dma_start3A_22 = tpu.memref_slice %arg0[%dma_start3A_20, %dma_start3A_21] : memref<10000x128xbf16, #tpu.memory_space<any>> -> memref<2000x128xbf16, #tpu.memory_space<any>>
    tpu.enqueue_dma source(%dma_start3A_22 : memref<2000x128xbf16, #tpu.memory_space<any>>) target(%dma_start3A_19 : memref<2000x128xbf16, #tpu.memory_space<vmem>>) target_semaphore(%arg11 : memref<!tpu.dma_semaphore, #tpu.memory_space<semaphore_mem>>)
    %dma_start3A_23 = arith.constant 2000 : i32
    %dma_start3A_24 = arith.constant 0 : i32
    %dma_start3A_25 = tpu.memref_slice %arg8[%dma_start3A_23, %dma_start3A_24] : memref<10000x128xbf16, #tpu.memory_space<vmem>> -> memref<2000x128xbf16, #tpu.memory_space<vmem>>
    %dma_start3A_26 = arith.constant 2000 : i32
    %dma_start3A_27 = arith.constant 0 : i32
    %dma_start3A_28 = tpu.memref_slice %arg1[%dma_start3A_26, %dma_start3A_27] : memref<10000x128xbf16, #tpu.memory_space<any>> -> memref<2000x128xbf16, #tpu.memory_space<any>>
    tpu.enqueue_dma source(%dma_start3A_28 : memref<2000x128xbf16, #tpu.memory_space<any>>) target(%dma_start3A_25 : memref<2000x128xbf16, #tpu.memory_space<vmem>>) target_semaphore(%arg11 : memref<!tpu.dma_semaphore, #tpu.memory_space<semaphore_mem>>)
    %dma_start3A_29 = arith.constant 2000 : i32
    %dma_start3A_30 = arith.constant 0 : i32
    %dma_start3A_31 = tpu.memref_slice %arg9[%dma_start3A_29, %dma_start3A_30] : memref<10000x128xbf16, #tpu.memory_space<vmem>> -> memref<2000x128xbf16, #tpu.memory_space<vmem>>
    %dma_start3A_32 = arith.constant 2000 : i32
    %dma_start3A_33 = arith.constant 0 : i32
    %dma_start3A_34 = tpu.memref_slice %arg2[%dma_start3A_32, %dma_start3A_33] : memref<10000x128xbf16, #tpu.memory_space<any>> -> memref<2000x128xbf16, #tpu.memory_space<any>>
    tpu.enqueue_dma source(%dma_start3A_34 : memref<2000x128xbf16, #tpu.memory_space<any>>) target(%dma_start3A_31 : memref<2000x128xbf16, #tpu.memory_space<vmem>>) target_semaphore(%arg11 : memref<!tpu.dma_semaphore, #tpu.memory_space<semaphore_mem>>)
    %dma_start3A_35 = arith.constant 4000 : i32
    %dma_start3A_36 = arith.constant 0 : i32
    %dma_start3A_37 = tpu.memref_slice %arg7[%dma_start3A_35, %dma_start3A_36] : memref<10000x128xbf16, #tpu.memory_space<vmem>> -> memref<2000x128xbf16, #tpu.memory_space<vmem>>
    %dma_start3A_38 = arith.constant 4000 : i32
    %dma_start3A_39 = arith.constant 0 : i32
    %dma_start3A_40 = tpu.memref_slice %arg0[%dma_start3A_38, %dma_start3A_39] : memref<10000x128xbf16, #tpu.memory_space<any>> -> memref<2000x128xbf16, #tpu.memory_space<any>>
    tpu.enqueue_dma source(%dma_start3A_40 : memref<2000x128xbf16, #tpu.memory_space<any>>) target(%dma_start3A_37 : memref<2000x128xbf16, #tpu.memory_space<vmem>>) target_semaphore(%arg11 : memref<!tpu.dma_semaphore, #tpu.memory_space<semaphore_mem>>)
    %dma_start3A_41 = arith.constant 4000 : i32
    %dma_start3A_42 = arith.constant 0 : i32
    %dma_start3A_43 = tpu.memref_slice %arg8[%dma_start3A_41, %dma_start3A_42] : memref<10000x128xbf16, #tpu.memory_space<vmem>> -> memref<2000x128xbf16, #tpu.memory_space<vmem>>
    %dma_start3A_44 = arith.constant 4000 : i32
    %dma_start3A_45 = arith.constant 0 : i32
    %dma_start3A_46 = tpu.memref_slice %arg1[%dma_start3A_44, %dma_start3A_45] : memref<10000x128xbf16, #tpu.memory_space<any>> -> memref<2000x128xbf16, #tpu.memory_space<any>>
    tpu.enqueue_dma source(%dma_start3A_46 : memref<2000x128xbf16, #tpu.memory_space<any>>) target(%dma_start3A_43 : memref<2000x128xbf16, #tpu.memory_space<vmem>>) target_semaphore(%arg11 : memref<!tpu.dma_semaphore, #tpu.memory_space<semaphore_mem>>)
    %dma_start3A_47 = arith.constant 4000 : i32
    %dma_start3A_48 = arith.constant 0 : i32
    %dma_start3A_49 = tpu.memref_slice %arg9[%dma_start3A_47, %dma_start3A_48] : memref<10000x128xbf16, #tpu.memory_space<vmem>> -> memref<2000x128xbf16, #tpu.memory_space<vmem>>
    %dma_start3A_50 = arith.constant 4000 : i32
    %dma_start3A_51 = arith.constant 0 : i32
    %dma_start3A_52 = tpu.memref_slice %arg2[%dma_start3A_50, %dma_start3A_51] : memref<10000x128xbf16, #tpu.memory_space<any>> -> memref<2000x128xbf16, #tpu.memory_space<any>>
    tpu.enqueue_dma source(%dma_start3A_52 : memref<2000x128xbf16, #tpu.memory_space<any>>) target(%dma_start3A_49 : memref<2000x128xbf16, #tpu.memory_space<vmem>>) target_semaphore(%arg11 : memref<!tpu.dma_semaphore, #tpu.memory_space<semaphore_mem>>)
    %dma_start3A_53 = arith.constant 6000 : i32
    %dma_start3A_54 = arith.constant 0 : i32
    %dma_start3A_55 = tpu.memref_slice %arg7[%dma_start3A_53, %dma_start3A_54] : memref<10000x128xbf16, #tpu.memory_space<vmem>> -> memref<2000x128xbf16, #tpu.memory_space<vmem>>
    %dma_start3A_56 = arith.constant 6000 : i32
    %dma_start3A_57 = arith.constant 0 : i32
    %dma_start3A_58 = tpu.memref_slice %arg0[%dma_start3A_56, %dma_start3A_57] : memref<10000x128xbf16, #tpu.memory_space<any>> -> memref<2000x128xbf16, #tpu.memory_space<any>>
    tpu.enqueue_dma source(%dma_start3A_58 : memref<2000x128xbf16, #tpu.memory_space<any>>) target(%dma_start3A_55 : memref<2000x128xbf16, #tpu.memory_space<vmem>>) target_semaphore(%arg11 : memref<!tpu.dma_semaphore, #tpu.memory_space<semaphore_mem>>)
    %dma_start3A_59 = arith.constant 6000 : i32
    %dma_start3A_60 = arith.constant 0 : i32
    %dma_start3A_61 = tpu.memref_slice %arg8[%dma_start3A_59, %dma_start3A_60] : memref<10000x128xbf16, #tpu.memory_space<vmem>> -> memref<2000x128xbf16, #tpu.memory_space<vmem>>
    %dma_start3A_62 = arith.constant 6000 : i32
    %dma_start3A_63 = arith.constant 0 : i32
    %dma_start3A_64 = tpu.memref_slice %arg1[%dma_start3A_62, %dma_start3A_63] : memref<10000x128xbf16, #tpu.memory_space<any>> -> memref<2000x128xbf16, #tpu.memory_space<any>>
    tpu.enqueue_dma source(%dma_start3A_64 : memref<2000x128xbf16, #tpu.memory_space<any>>) target(%dma_start3A_61 : memref<2000x128xbf16, #tpu.memory_space<vmem>>) target_semaphore(%arg11 : memref<!tpu.dma_semaphore, #tpu.memory_space<semaphore_mem>>)
    %dma_start3A_65 = arith.constant 6000 : i32
    %dma_start3A_66 = arith.constant 0 : i32
    %dma_start3A_67 = tpu.memref_slice %arg9[%dma_start3A_65, %dma_start3A_66] : memref<10000x128xbf16, #tpu.memory_space<vmem>> -> memref<2000x128xbf16, #tpu.memory_space<vmem>>
    %dma_start3A_68 = arith.constant 6000 : i32
    %dma_start3A_69 = arith.constant 0 : i32
    %dma_start3A_70 = tpu.memref_slice %arg2[%dma_start3A_68, %dma_start3A_69] : memref<10000x128xbf16, #tpu.memory_space<any>> -> memref<2000x128xbf16, #tpu.memory_space<any>>
    tpu.enqueue_dma source(%dma_start3A_70 : memref<2000x128xbf16, #tpu.memory_space<any>>) target(%dma_start3A_67 : memref<2000x128xbf16, #tpu.memory_space<vmem>>) target_semaphore(%arg11 : memref<!tpu.dma_semaphore, #tpu.memory_space<semaphore_mem>>)
    %dma_start3A_71 = arith.constant 8000 : i32
    %dma_start3A_72 = arith.constant 0 : i32
    %dma_start3A_73 = tpu.memref_slice %arg7[%dma_start3A_71, %dma_start3A_72] : memref<10000x128xbf16, #tpu.memory_space<vmem>> -> memref<2000x128xbf16, #tpu.memory_space<vmem>>
    %dma_start3A_74 = arith.constant 8000 : i32
    %dma_start3A_75 = arith.constant 0 : i32
    %dma_start3A_76 = tpu.memref_slice %arg0[%dma_start3A_74, %dma_start3A_75] : memref<10000x128xbf16, #tpu.memory_space<any>> -> memref<2000x128xbf16, #tpu.memory_space<any>>
    tpu.enqueue_dma source(%dma_start3A_76 : memref<2000x128xbf16, #tpu.memory_space<any>>) target(%dma_start3A_73 : memref<2000x128xbf16, #tpu.memory_space<vmem>>) target_semaphore(%arg11 : memref<!tpu.dma_semaphore, #tpu.memory_space<semaphore_mem>>)
    %dma_start3A_77 = arith.constant 8000 : i32
    %dma_start3A_78 = arith.constant 0 : i32
    %dma_start3A_79 = tpu.memref_slice %arg8[%dma_start3A_77, %dma_start3A_78] : memref<10000x128xbf16, #tpu.memory_space<vmem>> -> memref<2000x128xbf16, #tpu.memory_space<vmem>>
    %dma_start3A_80 = arith.constant 8000 : i32
    %dma_start3A_81 = arith.constant 0 : i32
    %dma_start3A_82 = tpu.memref_slice %arg1[%dma_start3A_80, %dma_start3A_81] : memref<10000x128xbf16, #tpu.memory_space<any>> -> memref<2000x128xbf16, #tpu.memory_space<any>>
    tpu.enqueue_dma source(%dma_start3A_82 : memref<2000x128xbf16, #tpu.memory_space<any>>) target(%dma_start3A_79 : memref<2000x128xbf16, #tpu.memory_space<vmem>>) target_semaphore(%arg11 : memref<!tpu.dma_semaphore, #tpu.memory_space<semaphore_mem>>)
    %dma_start3A_83 = arith.constant 8000 : i32
    %dma_start3A_84 = arith.constant 0 : i32
    %dma_start3A_85 = tpu.memref_slice %arg9[%dma_start3A_83, %dma_start3A_84] : memref<10000x128xbf16, #tpu.memory_space<vmem>> -> memref<2000x128xbf16, #tpu.memory_space<vmem>>
    %dma_start3A_86 = arith.constant 8000 : i32
    %dma_start3A_87 = arith.constant 0 : i32
    %dma_start3A_88 = tpu.memref_slice %arg2[%dma_start3A_86, %dma_start3A_87] : memref<10000x128xbf16, #tpu.memory_space<any>> -> memref<2000x128xbf16, #tpu.memory_space<any>>
    tpu.enqueue_dma source(%dma_start3A_88 : memref<2000x128xbf16, #tpu.memory_space<any>>) target(%dma_start3A_85 : memref<2000x128xbf16, #tpu.memory_space<vmem>>) target_semaphore(%arg11 : memref<!tpu.dma_semaphore, #tpu.memory_space<semaphore_mem>>)
    %get3A = arith.constant 0 : index
    %get3A_89 = arith.constant 0 : index
    %get3A_90 = vector.load %arg3[%get3A, %get3A_89] : memref<2x10240xf32, #tpu.memory_space<vmem>>, vector<1x10000xf32>
    %transpose3A = tpu.transpose %get3A_90, [1, 0] : vector<1x10000xf32> -> vector<10000x1xf32>
    %get3A_91 = arith.constant 1 : index
    %get3A_92 = arith.constant 0 : index
    %get3A_93 = vector.load %arg3[%get3A_91, %get3A_92] : memref<2x10240xf32, #tpu.memory_space<vmem>>, vector<1x10000xf32>
    %transpose3A_94 = tpu.transpose %get3A_93, [1, 0] : vector<1x10000xf32> -> vector<10000x1xf32>
    %broadcast_in_dim3A = arith.constant 0.000000e+00 : f32
    %broadcast_in_dim3A_95 = vector.broadcast %broadcast_in_dim3A : f32 to vector<1x128xf32>
    %broadcast_in_dim3A_96 = arith.constant 0.000000e+00 : f32
    %broadcast_in_dim3A_97 = vector.broadcast %broadcast_in_dim3A_96 : f32 to vector<1x128xf32>
    %dma_wait3A = arith.constant 0 : i32
    %dma_wait3A_98 = arith.constant 0 : i32
    %dma_wait3A_99 = tpu.memref_slice %arg7[%dma_wait3A, %dma_wait3A_98] : memref<10000x128xbf16, #tpu.memory_space<vmem>> -> memref<2000x128xbf16, #tpu.memory_space<vmem>>
    %dma_wait3A_100 = arith.constant 0 : i32
    %dma_wait3A_101 = arith.constant 0 : i32
    %dma_wait3A_102 = tpu.memref_slice %arg0[%dma_wait3A_100, %dma_wait3A_101] : memref<10000x128xbf16, #tpu.memory_space<any>> -> memref<2000x128xbf16, #tpu.memory_space<any>>
    tpu.wait_dma2 semaphore(%arg11 : memref<!tpu.dma_semaphore, #tpu.memory_space<semaphore_mem>>) src(%dma_wait3A_102 : memref<2000x128xbf16, #tpu.memory_space<any>>) dst(%dma_wait3A_99 : memref<2000x128xbf16, #tpu.memory_space<vmem>>)
    %dma_wait3A_103 = arith.constant 0 : i32
    %dma_wait3A_104 = arith.constant 0 : i32
    %dma_wait3A_105 = tpu.memref_slice %arg8[%dma_wait3A_103, %dma_wait3A_104] : memref<10000x128xbf16, #tpu.memory_space<vmem>> -> memref<2000x128xbf16, #tpu.memory_space<vmem>>
    %dma_wait3A_106 = arith.constant 0 : i32
    %dma_wait3A_107 = arith.constant 0 : i32
    %dma_wait3A_108 = tpu.memref_slice %arg1[%dma_wait3A_106, %dma_wait3A_107] : memref<10000x128xbf16, #tpu.memory_space<any>> -> memref<2000x128xbf16, #tpu.memory_space<any>>
    tpu.wait_dma2 semaphore(%arg11 : memref<!tpu.dma_semaphore, #tpu.memory_space<semaphore_mem>>) src(%dma_wait3A_108 : memref<2000x128xbf16, #tpu.memory_space<any>>) dst(%dma_wait3A_105 : memref<2000x128xbf16, #tpu.memory_space<vmem>>)
    %dma_wait3A_109 = arith.constant 0 : i32
    %dma_wait3A_110 = arith.constant 0 : i32
    %dma_wait3A_111 = tpu.memref_slice %arg9[%dma_wait3A_109, %dma_wait3A_110] : memref<10000x128xbf16, #tpu.memory_space<vmem>> -> memref<2000x128xbf16, #tpu.memory_space<vmem>>
    %dma_wait3A_112 = arith.constant 0 : i32
    %dma_wait3A_113 = arith.constant 0 : i32
    %dma_wait3A_114 = tpu.memref_slice %arg2[%dma_wait3A_112, %dma_wait3A_113] : memref<10000x128xbf16, #tpu.memory_space<any>> -> memref<2000x128xbf16, #tpu.memory_space<any>>
    tpu.wait_dma2 semaphore(%arg11 : memref<!tpu.dma_semaphore, #tpu.memory_space<semaphore_mem>>) src(%dma_wait3A_114 : memref<2000x128xbf16, #tpu.memory_space<any>>) dst(%dma_wait3A_111 : memref<2000x128xbf16, #tpu.memory_space<vmem>>)
    %get3A_115 = arith.constant 0 : index
    %get3A_116 = arith.constant 0 : index
    %get3A_117 = vector.load %arg7[%get3A_115, %get3A_116] : memref<10000x128xbf16, #tpu.memory_space<vmem>>, vector<2000x128xbf16>
    %convert_element_type3A = arith.extf %get3A_117 : vector<2000x128xbf16> to vector<2000x128xf32>
    %slice3A = vector.extract_strided_slice %transpose3A {offsets = [0, 0], sizes = [2000, 1], strides = [1, 1]} : vector<10000x1xf32> to vector<2000x1xf32>
    %mul3A = vector.broadcast %slice3A : vector<2000x1xf32> to vector<2000x128xf32>
    %mul3A_118 = arith.mulf %convert_element_type3A, %mul3A : vector<2000x128xf32>
    %get3A_119 = arith.constant 0 : index
    %get3A_120 = arith.constant 0 : index
    %get3A_121 = vector.load %arg8[%get3A_119, %get3A_120] : memref<10000x128xbf16, #tpu.memory_space<vmem>>, vector<2000x128xbf16>
    %convert_element_type3A_122 = arith.extf %get3A_121 : vector<2000x128xbf16> to vector<2000x128xf32>
    %slice3A_123 = vector.extract_strided_slice %transpose3A_94 {offsets = [0, 0], sizes = [2000, 1], strides = [1, 1]} : vector<10000x1xf32> to vector<2000x1xf32>
    %mul3A_124 = vector.broadcast %slice3A_123 : vector<2000x1xf32> to vector<2000x128xf32>
    %mul3A_125 = arith.mulf %convert_element_type3A_122, %mul3A_124 : vector<2000x128xf32>
    %add3A = arith.addf %mul3A_118, %mul3A_125 : vector<2000x128xf32>
    %get3A_126 = arith.constant 0 : index
    %get3A_127 = arith.constant 0 : index
    %get3A_128 = vector.load %arg9[%get3A_126, %get3A_127] : memref<10000x128xbf16, #tpu.memory_space<vmem>>, vector<2000x128xbf16>
    %convert_element_type3A_129 = arith.extf %get3A_128 : vector<2000x128xbf16> to vector<2000x128xf32>
    %add3A_130 = arith.addf %add3A, %convert_element_type3A_129 : vector<2000x128xf32>
    %mul3A_131 = arith.constant 0.333333343 : f32
    %mul3A_132 = vector.broadcast %mul3A_131 : f32 to vector<2000x128xf32>
    %mul3A_133 = arith.mulf %add3A_130, %mul3A_132 : vector<2000x128xf32>
    %swap3A = arith.constant 0 : index
    %swap3A_134 = arith.constant 0 : index
    %swap3A_135 = vector.load %arg10[%swap3A, %swap3A_134] : memref<10000x128xf32, #tpu.memory_space<vmem>>, vector<2000x128xf32>
    tpu.vector_store %arg10[%swap3A, %swap3A_134], %mul3A_133 {strides = array<i32>} : memref<10000x128xf32, #tpu.memory_space<vmem>>, vector<2000x128xf32>,
    %reduce_sum3A = arith.constant dense<0.000000e+00> : vector<128xf32>
    %reduce_sum3A_136 = vector.multi_reduction <add>, %mul3A_133, %reduce_sum3A [0] : vector<2000x128xf32> to vector<128xf32>
    %broadcast_in_dim3A_137 = vector.shape_cast %reduce_sum3A_136 : vector<128xf32> to vector<1x128xf32>
    %add3A_138 = arith.addf %broadcast_in_dim3A_95, %broadcast_in_dim3A_137 : vector<1x128xf32>
    %mul3A_139 = arith.mulf %mul3A_133, %mul3A_133 : vector<2000x128xf32>
    %reduce_sum3A_140 = arith.constant dense<0.000000e+00> : vector<128xf32>
    %reduce_sum3A_141 = vector.multi_reduction <add>, %mul3A_139, %reduce_sum3A_140 [0] : vector<2000x128xf32> to vector<128xf32>
    %broadcast_in_dim3A_142 = vector.shape_cast %reduce_sum3A_141 : vector<128xf32> to vector<1x128xf32>
    %add3A_143 = arith.addf %broadcast_in_dim3A_97, %broadcast_in_dim3A_142 : vector<1x128xf32>
    %dma_wait3A_144 = arith.constant 2000 : i32
    %dma_wait3A_145 = arith.constant 0 : i32
    %dma_wait3A_146 = tpu.memref_slice %arg7[%dma_wait3A_144, %dma_wait3A_145] : memref<10000x128xbf16, #tpu.memory_space<vmem>> -> memref<2000x128xbf16, #tpu.memory_space<vmem>>
    %dma_wait3A_147 = arith.constant 2000 : i32
    %dma_wait3A_148 = arith.constant 0 : i32
    %dma_wait3A_149 = tpu.memref_slice %arg0[%dma_wait3A_147, %dma_wait3A_148] : memref<10000x128xbf16, #tpu.memory_space<any>> -> memref<2000x128xbf16, #tpu.memory_space<any>>
    tpu.wait_dma2 semaphore(%arg11 : memref<!tpu.dma_semaphore, #tpu.memory_space<semaphore_mem>>) src(%dma_wait3A_149 : memref<2000x128xbf16, #tpu.memory_space<any>>) dst(%dma_wait3A_146 : memref<2000x128xbf16, #tpu.memory_space<vmem>>)
    %dma_wait3A_150 = arith.constant 2000 : i32
    %dma_wait3A_151 = arith.constant 0 : i32
    %dma_wait3A_152 = tpu.memref_slice %arg8[%dma_wait3A_150, %dma_wait3A_151] : memref<10000x128xbf16, #tpu.memory_space<vmem>> -> memref<2000x128xbf16, #tpu.memory_space<vmem>>
    %dma_wait3A_153 = arith.constant 2000 : i32
    %dma_wait3A_154 = arith.constant 0 : i32
    %dma_wait3A_155 = tpu.memref_slice %arg1[%dma_wait3A_153, %dma_wait3A_154] : memref<10000x128xbf16, #tpu.memory_space<any>> -> memref<2000x128xbf16, #tpu.memory_space<any>>
    tpu.wait_dma2 semaphore(%arg11 : memref<!tpu.dma_semaphore, #tpu.memory_space<semaphore_mem>>) src(%dma_wait3A_155 : memref<2000x128xbf16, #tpu.memory_space<any>>) dst(%dma_wait3A_152 : memref<2000x128xbf16, #tpu.memory_space<vmem>>)
    %dma_wait3A_156 = arith.constant 2000 : i32
    %dma_wait3A_157 = arith.constant 0 : i32
    %dma_wait3A_158 = tpu.memref_slice %arg9[%dma_wait3A_156, %dma_wait3A_157] : memref<10000x128xbf16, #tpu.memory_space<vmem>> -> memref<2000x128xbf16, #tpu.memory_space<vmem>>
    %dma_wait3A_159 = arith.constant 2000 : i32
    %dma_wait3A_160 = arith.constant 0 : i32
    %dma_wait3A_161 = tpu.memref_slice %arg2[%dma_wait3A_159, %dma_wait3A_160] : memref<10000x128xbf16, #tpu.memory_space<any>> -> memref<2000x128xbf16, #tpu.memory_space<any>>
    tpu.wait_dma2 semaphore(%arg11 : memref<!tpu.dma_semaphore, #tpu.memory_space<semaphore_mem>>) src(%dma_wait3A_161 : memref<2000x128xbf16, #tpu.memory_space<any>>) dst(%dma_wait3A_158 : memref<2000x128xbf16, #tpu.memory_space<vmem>>)
    %get3A_162 = arith.constant 2000 : index
    %get3A_163 = arith.constant 0 : index
    %get3A_164 = vector.load %arg7[%get3A_162, %get3A_163] : memref<10000x128xbf16, #tpu.memory_space<vmem>>, vector<2000x128xbf16>
    %convert_element_type3A_165 = arith.extf %get3A_164 : vector<2000x128xbf16> to vector<2000x128xf32>
    %slice3A_166 = vector.extract_strided_slice %transpose3A {offsets = [2000, 0], sizes = [2000, 1], strides = [1, 1]} : vector<10000x1xf32> to vector<2000x1xf32>
    %mul3A_167 = vector.broadcast %slice3A_166 : vector<2000x1xf32> to vector<2000x128xf32>
    %mul3A_168 = arith.mulf %convert_element_type3A_165, %mul3A_167 : vector<2000x128xf32>
    %get3A_169 = arith.constant 2000 : index
    %get3A_170 = arith.constant 0 : index
    %get3A_171 = vector.load %arg8[%get3A_169, %get3A_170] : memref<10000x128xbf16, #tpu.memory_space<vmem>>, vector<2000x128xbf16>
    %convert_element_type3A_172 = arith.extf %get3A_171 : vector<2000x128xbf16> to vector<2000x128xf32>
    %slice3A_173 = vector.extract_strided_slice %transpose3A_94 {offsets = [2000, 0], sizes = [2000, 1], strides = [1, 1]} : vector<10000x1xf32> to vector<2000x1xf32>
    %mul3A_174 = vector.broadcast %slice3A_173 : vector<2000x1xf32> to vector<2000x128xf32>
    %mul3A_175 = arith.mulf %convert_element_type3A_172, %mul3A_174 : vector<2000x128xf32>
    %add3A_176 = arith.addf %mul3A_168, %mul3A_175 : vector<2000x128xf32>
    %get3A_177 = arith.constant 2000 : index
    %get3A_178 = arith.constant 0 : index
    %get3A_179 = vector.load %arg9[%get3A_177, %get3A_178] : memref<10000x128xbf16, #tpu.memory_space<vmem>>, vector<2000x128xbf16>
    %convert_element_type3A_180 = arith.extf %get3A_179 : vector<2000x128xbf16> to vector<2000x128xf32>
    %add3A_181 = arith.addf %add3A_176, %convert_element_type3A_180 : vector<2000x128xf32>
    %mul3A_182 = arith.constant 0.333333343 : f32
    %mul3A_183 = vector.broadcast %mul3A_182 : f32 to vector<2000x128xf32>
    %mul3A_184 = arith.mulf %add3A_181, %mul3A_183 : vector<2000x128xf32>
    %swap3A_185 = arith.constant 2000 : index
    %swap3A_186 = arith.constant 0 : index
    %swap3A_187 = vector.load %arg10[%swap3A_185, %swap3A_186] : memref<10000x128xf32, #tpu.memory_space<vmem>>, vector<2000x128xf32>
    tpu.vector_store %arg10[%swap3A_185, %swap3A_186], %mul3A_184 {strides = array<i32>} : memref<10000x128xf32, #tpu.memory_space<vmem>>, vector<2000x128xf32>,
    %reduce_sum3A_188 = arith.constant dense<0.000000e+00> : vector<128xf32>
    %reduce_sum3A_189 = vector.multi_reduction <add>, %mul3A_184, %reduce_sum3A_188 [0] : vector<2000x128xf32> to vector<128xf32>
    %broadcast_in_dim3A_190 = vector.shape_cast %reduce_sum3A_189 : vector<128xf32> to vector<1x128xf32>
    %add3A_191 = arith.addf %add3A_138, %broadcast_in_dim3A_190 : vector<1x128xf32>
    %mul3A_192 = arith.mulf %mul3A_184, %mul3A_184 : vector<2000x128xf32>
    %reduce_sum3A_193 = arith.constant dense<0.000000e+00> : vector<128xf32>
    %reduce_sum3A_194 = vector.multi_reduction <add>, %mul3A_192, %reduce_sum3A_193 [0] : vector<2000x128xf32> to vector<128xf32>
    %broadcast_in_dim3A_195 = vector.shape_cast %reduce_sum3A_194 : vector<128xf32> to vector<1x128xf32>
    %add3A_196 = arith.addf %add3A_143, %broadcast_in_dim3A_195 : vector<1x128xf32>
    %dma_wait3A_197 = arith.constant 4000 : i32
    %dma_wait3A_198 = arith.constant 0 : i32
    %dma_wait3A_199 = tpu.memref_slice %arg7[%dma_wait3A_197, %dma_wait3A_198] : memref<10000x128xbf16, #tpu.memory_space<vmem>> -> memref<2000x128xbf16, #tpu.memory_space<vmem>>
    %dma_wait3A_200 = arith.constant 4000 : i32
    %dma_wait3A_201 = arith.constant 0 : i32
    %dma_wait3A_202 = tpu.memref_slice %arg0[%dma_wait3A_200, %dma_wait3A_201] : memref<10000x128xbf16, #tpu.memory_space<any>> -> memref<2000x128xbf16, #tpu.memory_space<any>>
    tpu.wait_dma2 semaphore(%arg11 : memref<!tpu.dma_semaphore, #tpu.memory_space<semaphore_mem>>) src(%dma_wait3A_202 : memref<2000x128xbf16, #tpu.memory_space<any>>) dst(%dma_wait3A_199 : memref<2000x128xbf16, #tpu.memory_space<vmem>>)
    %dma_wait3A_203 = arith.constant 4000 : i32
    %dma_wait3A_204 = arith.constant 0 : i32
    %dma_wait3A_205 = tpu.memref_slice %arg8[%dma_wait3A_203, %dma_wait3A_204] : memref<10000x128xbf16, #tpu.memory_space<vmem>> -> memref<2000x128xbf16, #tpu.memory_space<vmem>>
    %dma_wait3A_206 = arith.constant 4000 : i32
    %dma_wait3A_207 = arith.constant 0 : i32
    %dma_wait3A_208 = tpu.memref_slice %arg1[%dma_wait3A_206, %dma_wait3A_207] : memref<10000x128xbf16, #tpu.memory_space<any>> -> memref<2000x128xbf16, #tpu.memory_space<any>>
    tpu.wait_dma2 semaphore(%arg11 : memref<!tpu.dma_semaphore, #tpu.memory_space<semaphore_mem>>) src(%dma_wait3A_208 : memref<2000x128xbf16, #tpu.memory_space<any>>) dst(%dma_wait3A_205 : memref<2000x128xbf16, #tpu.memory_space<vmem>>)
    %dma_wait3A_209 = arith.constant 4000 : i32
    %dma_wait3A_210 = arith.constant 0 : i32
    %dma_wait3A_211 = tpu.memref_slice %arg9[%dma_wait3A_209, %dma_wait3A_210] : memref<10000x128xbf16, #tpu.memory_space<vmem>> -> memref<2000x128xbf16, #tpu.memory_space<vmem>>
    %dma_wait3A_212 = arith.constant 4000 : i32
    %dma_wait3A_213 = arith.constant 0 : i32
    %dma_wait3A_214 = tpu.memref_slice %arg2[%dma_wait3A_212, %dma_wait3A_213] : memref<10000x128xbf16, #tpu.memory_space<any>> -> memref<2000x128xbf16, #tpu.memory_space<any>>
    tpu.wait_dma2 semaphore(%arg11 : memref<!tpu.dma_semaphore, #tpu.memory_space<semaphore_mem>>) src(%dma_wait3A_214 : memref<2000x128xbf16, #tpu.memory_space<any>>) dst(%dma_wait3A_211 : memref<2000x128xbf16, #tpu.memory_space<vmem>>)
    %get3A_215 = arith.constant 4000 : index
    %get3A_216 = arith.constant 0 : index
    %get3A_217 = vector.load %arg7[%get3A_215, %get3A_216] : memref<10000x128xbf16, #tpu.memory_space<vmem>>, vector<2000x128xbf16>
    %convert_element_type3A_218 = arith.extf %get3A_217 : vector<2000x128xbf16> to vector<2000x128xf32>
    %slice3A_219 = vector.extract_strided_slice %transpose3A {offsets = [4000, 0], sizes = [2000, 1], strides = [1, 1]} : vector<10000x1xf32> to vector<2000x1xf32>
    %mul3A_220 = vector.broadcast %slice3A_219 : vector<2000x1xf32> to vector<2000x128xf32>
    %mul3A_221 = arith.mulf %convert_element_type3A_218, %mul3A_220 : vector<2000x128xf32>
    %get3A_222 = arith.constant 4000 : index
    %get3A_223 = arith.constant 0 : index
    %get3A_224 = vector.load %arg8[%get3A_222, %get3A_223] : memref<10000x128xbf16, #tpu.memory_space<vmem>>, vector<2000x128xbf16>
    %convert_element_type3A_225 = arith.extf %get3A_224 : vector<2000x128xbf16> to vector<2000x128xf32>
    %slice3A_226 = vector.extract_strided_slice %transpose3A_94 {offsets = [4000, 0], sizes = [2000, 1], strides = [1, 1]} : vector<10000x1xf32> to vector<2000x1xf32>
    %mul3A_227 = vector.broadcast %slice3A_226 : vector<2000x1xf32> to vector<2000x128xf32>
    %mul3A_228 = arith.mulf %convert_element_type3A_225, %mul3A_227 : vector<2000x128xf32>
    %add3A_229 = arith.addf %mul3A_221, %mul3A_228 : vector<2000x128xf32>
    %get3A_230 = arith.constant 4000 : index
    %get3A_231 = arith.constant 0 : index
    %get3A_232 = vector.load %arg9[%get3A_230, %get3A_231] : memref<10000x128xbf16, #tpu.memory_space<vmem>>, vector<2000x128xbf16>
    %convert_element_type3A_233 = arith.extf %get3A_232 : vector<2000x128xbf16> to vector<2000x128xf32>
    %add3A_234 = arith.addf %add3A_229, %convert_element_type3A_233 : vector<2000x128xf32>
    %mul3A_235 = arith.constant 0.333333343 : f32
    %mul3A_236 = vector.broadcast %mul3A_235 : f32 to vector<2000x128xf32>
    %mul3A_237 = arith.mulf %add3A_234, %mul3A_236 : vector<2000x128xf32>
    %swap3A_238 = arith.constant 4000 : index
    %swap3A_239 = arith.constant 0 : index
    %swap3A_240 = vector.load %arg10[%swap3A_238, %swap3A_239] : memref<10000x128xf32, #tpu.memory_space<vmem>>, vector<2000x128xf32>
    tpu.vector_store %arg10[%swap3A_238, %swap3A_239], %mul3A_237 {strides = array<i32>} : memref<10000x128xf32, #tpu.memory_space<vmem>>, vector<2000x128xf32>,
    %reduce_sum3A_241 = arith.constant dense<0.000000e+00> : vector<128xf32>
    %reduce_sum3A_242 = vector.multi_reduction <add>, %mul3A_237, %reduce_sum3A_241 [0] : vector<2000x128xf32> to vector<128xf32>
    %broadcast_in_dim3A_243 = vector.shape_cast %reduce_sum3A_242 : vector<128xf32> to vector<1x128xf32>
    %add3A_244 = arith.addf %add3A_191, %broadcast_in_dim3A_243 : vector<1x128xf32>
    %mul3A_245 = arith.mulf %mul3A_237, %mul3A_237 : vector<2000x128xf32>
    %reduce_sum3A_246 = arith.constant dense<0.000000e+00> : vector<128xf32>
    %reduce_sum3A_247 = vector.multi_reduction <add>, %mul3A_245, %reduce_sum3A_246 [0] : vector<2000x128xf32> to vector<128xf32>
    %broadcast_in_dim3A_248 = vector.shape_cast %reduce_sum3A_247 : vector<128xf32> to vector<1x128xf32>
    %add3A_249 = arith.addf %add3A_196, %broadcast_in_dim3A_248 : vector<1x128xf32>
    %dma_wait3A_250 = arith.constant 6000 : i32
    %dma_wait3A_251 = arith.constant 0 : i32
    %dma_wait3A_252 = tpu.memref_slice %arg7[%dma_wait3A_250, %dma_wait3A_251] : memref<10000x128xbf16, #tpu.memory_space<vmem>> -> memref<2000x128xbf16, #tpu.memory_space<vmem>>
    %dma_wait3A_253 = arith.constant 6000 : i32
    %dma_wait3A_254 = arith.constant 0 : i32
    %dma_wait3A_255 = tpu.memref_slice %arg0[%dma_wait3A_253, %dma_wait3A_254] : memref<10000x128xbf16, #tpu.memory_space<any>> -> memref<2000x128xbf16, #tpu.memory_space<any>>
    tpu.wait_dma2 semaphore(%arg11 : memref<!tpu.dma_semaphore, #tpu.memory_space<semaphore_mem>>) src(%dma_wait3A_255 : memref<2000x128xbf16, #tpu.memory_space<any>>) dst(%dma_wait3A_252 : memref<2000x128xbf16, #tpu.memory_space<vmem>>)
    %dma_wait3A_256 = arith.constant 6000 : i32
    %dma_wait3A_257 = arith.constant 0 : i32
    %dma_wait3A_258 = tpu.memref_slice %arg8[%dma_wait3A_256, %dma_wait3A_257] : memref<10000x128xbf16, #tpu.memory_space<vmem>> -> memref<2000x128xbf16, #tpu.memory_space<vmem>>
    %dma_wait3A_259 = arith.constant 6000 : i32
    %dma_wait3A_260 = arith.constant 0 : i32
    %dma_wait3A_261 = tpu.memref_slice %arg1[%dma_wait3A_259, %dma_wait3A_260] : memref<10000x128xbf16, #tpu.memory_space<any>> -> memref<2000x128xbf16, #tpu.memory_space<any>>
    tpu.wait_dma2 semaphore(%arg11 : memref<!tpu.dma_semaphore, #tpu.memory_space<semaphore_mem>>) src(%dma_wait3A_261 : memref<2000x128xbf16, #tpu.memory_space<any>>) dst(%dma_wait3A_258 : memref<2000x128xbf16, #tpu.memory_space<vmem>>)
    %dma_wait3A_262 = arith.constant 6000 : i32
    %dma_wait3A_263 = arith.constant 0 : i32
    %dma_wait3A_264 = tpu.memref_slice %arg9[%dma_wait3A_262, %dma_wait3A_263] : memref<10000x128xbf16, #tpu.memory_space<vmem>> -> memref<2000x128xbf16, #tpu.memory_space<vmem>>
    %dma_wait3A_265 = arith.constant 6000 : i32
    %dma_wait3A_266 = arith.constant 0 : i32
    %dma_wait3A_267 = tpu.memref_slice %arg2[%dma_wait3A_265, %dma_wait3A_266] : memref<10000x128xbf16, #tpu.memory_space<any>> -> memref<2000x128xbf16, #tpu.memory_space<any>>
    tpu.wait_dma2 semaphore(%arg11 : memref<!tpu.dma_semaphore, #tpu.memory_space<semaphore_mem>>) src(%dma_wait3A_267 : memref<2000x128xbf16, #tpu.memory_space<any>>) dst(%dma_wait3A_264 : memref<2000x128xbf16, #tpu.memory_space<vmem>>)
    %get3A_268 = arith.constant 6000 : index
    %get3A_269 = arith.constant 0 : index
    %get3A_270 = vector.load %arg7[%get3A_268, %get3A_269] : memref<10000x128xbf16, #tpu.memory_space<vmem>>, vector<2000x128xbf16>
    %convert_element_type3A_271 = arith.extf %get3A_270 : vector<2000x128xbf16> to vector<2000x128xf32>
    %slice3A_272 = vector.extract_strided_slice %transpose3A {offsets = [6000, 0], sizes = [2000, 1], strides = [1, 1]} : vector<10000x1xf32> to vector<2000x1xf32>
    %mul3A_273 = vector.broadcast %slice3A_272 : vector<2000x1xf32> to vector<2000x128xf32>
    %mul3A_274 = arith.mulf %convert_element_type3A_271, %mul3A_273 : vector<2000x128xf32>
    %get3A_275 = arith.constant 6000 : index
    %get3A_276 = arith.constant 0 : index
    %get3A_277 = vector.load %arg8[%get3A_275, %get3A_276] : memref<10000x128xbf16, #tpu.memory_space<vmem>>, vector<2000x128xbf16>
    %convert_element_type3A_278 = arith.extf %get3A_277 : vector<2000x128xbf16> to vector<2000x128xf32>
    %slice3A_279 = vector.extract_strided_slice %transpose3A_94 {offsets = [6000, 0], sizes = [2000, 1], strides = [1, 1]} : vector<10000x1xf32> to vector<2000x1xf32>
    %mul3A_280 = vector.broadcast %slice3A_279 : vector<2000x1xf32> to vector<2000x128xf32>
    %mul3A_281 = arith.mulf %convert_element_type3A_278, %mul3A_280 : vector<2000x128xf32>
    %add3A_282 = arith.addf %mul3A_274, %mul3A_281 : vector<2000x128xf32>
    %get3A_283 = arith.constant 6000 : index
    %get3A_284 = arith.constant 0 : index
    %get3A_285 = vector.load %arg9[%get3A_283, %get3A_284] : memref<10000x128xbf16, #tpu.memory_space<vmem>>, vector<2000x128xbf16>
    %convert_element_type3A_286 = arith.extf %get3A_285 : vector<2000x128xbf16> to vector<2000x128xf32>
    %add3A_287 = arith.addf %add3A_282, %convert_element_type3A_286 : vector<2000x128xf32>
    %mul3A_288 = arith.constant 0.333333343 : f32
    %mul3A_289 = vector.broadcast %mul3A_288 : f32 to vector<2000x128xf32>
    %mul3A_290 = arith.mulf %add3A_287, %mul3A_289 : vector<2000x128xf32>
    %swap3A_291 = arith.constant 6000 : index
    %swap3A_292 = arith.constant 0 : index
    %swap3A_293 = vector.load %arg10[%swap3A_291, %swap3A_292] : memref<10000x128xf32, #tpu.memory_space<vmem>>, vector<2000x128xf32>
    tpu.vector_store %arg10[%swap3A_291, %swap3A_292], %mul3A_290 {strides = array<i32>} : memref<10000x128xf32, #tpu.memory_space<vmem>>, vector<2000x128xf32>,
    %reduce_sum3A_294 = arith.constant dense<0.000000e+00> : vector<128xf32>
    %reduce_sum3A_295 = vector.multi_reduction <add>, %mul3A_290, %reduce_sum3A_294 [0] : vector<2000x128xf32> to vector<128xf32>
    %broadcast_in_dim3A_296 = vector.shape_cast %reduce_sum3A_295 : vector<128xf32> to vector<1x128xf32>
    %add3A_297 = arith.addf %add3A_244, %broadcast_in_dim3A_296 : vector<1x128xf32>
    %mul3A_298 = arith.mulf %mul3A_290, %mul3A_290 : vector<2000x128xf32>
    %reduce_sum3A_299 = arith.constant dense<0.000000e+00> : vector<128xf32>
    %reduce_sum3A_300 = vector.multi_reduction <add>, %mul3A_298, %reduce_sum3A_299 [0] : vector<2000x128xf32> to vector<128xf32>
    %broadcast_in_dim3A_301 = vector.shape_cast %reduce_sum3A_300 : vector<128xf32> to vector<1x128xf32>
    %add3A_302 = arith.addf %add3A_249, %broadcast_in_dim3A_301 : vector<1x128xf32>
    %dma_wait3A_303 = arith.constant 8000 : i32
    %dma_wait3A_304 = arith.constant 0 : i32
    %dma_wait3A_305 = tpu.memref_slice %arg7[%dma_wait3A_303, %dma_wait3A_304] : memref<10000x128xbf16, #tpu.memory_space<vmem>> -> memref<2000x128xbf16, #tpu.memory_space<vmem>>
    %dma_wait3A_306 = arith.constant 8000 : i32
    %dma_wait3A_307 = arith.constant 0 : i32
    %dma_wait3A_308 = tpu.memref_slice %arg0[%dma_wait3A_306, %dma_wait3A_307] : memref<10000x128xbf16, #tpu.memory_space<any>> -> memref<2000x128xbf16, #tpu.memory_space<any>>
    tpu.wait_dma2 semaphore(%arg11 : memref<!tpu.dma_semaphore, #tpu.memory_space<semaphore_mem>>) src(%dma_wait3A_308 : memref<2000x128xbf16, #tpu.memory_space<any>>) dst(%dma_wait3A_305 : memref<2000x128xbf16, #tpu.memory_space<vmem>>)
    %dma_wait3A_309 = arith.constant 8000 : i32
    %dma_wait3A_310 = arith.constant 0 : i32
    %dma_wait3A_311 = tpu.memref_slice %arg8[%dma_wait3A_309, %dma_wait3A_310] : memref<10000x128xbf16, #tpu.memory_space<vmem>> -> memref<2000x128xbf16, #tpu.memory_space<vmem>>
    %dma_wait3A_312 = arith.constant 8000 : i32
    %dma_wait3A_313 = arith.constant 0 : i32
    %dma_wait3A_314 = tpu.memref_slice %arg1[%dma_wait3A_312, %dma_wait3A_313] : memref<10000x128xbf16, #tpu.memory_space<any>> -> memref<2000x128xbf16, #tpu.memory_space<any>>
    tpu.wait_dma2 semaphore(%arg11 : memref<!tpu.dma_semaphore, #tpu.memory_space<semaphore_mem>>) src(%dma_wait3A_314 : memref<2000x128xbf16, #tpu.memory_space<any>>) dst(%dma_wait3A_311 : memref<2000x128xbf16, #tpu.memory_space<vmem>>)
    %dma_wait3A_315 = arith.constant 8000 : i32
    %dma_wait3A_316 = arith.constant 0 : i32
    %dma_wait3A_317 = tpu.memref_slice %arg9[%dma_wait3A_315, %dma_wait3A_316] : memref<10000x128xbf16, #tpu.memory_space<vmem>> -> memref<2000x128xbf16, #tpu.memory_space<vmem>>
    %dma_wait3A_318 = arith.constant 8000 : i32
    %dma_wait3A_319 = arith.constant 0 : i32
    %dma_wait3A_320 = tpu.memref_slice %arg2[%dma_wait3A_318, %dma_wait3A_319] : memref<10000x128xbf16, #tpu.memory_space<any>> -> memref<2000x128xbf16, #tpu.memory_space<any>>
    tpu.wait_dma2 semaphore(%arg11 : memref<!tpu.dma_semaphore, #tpu.memory_space<semaphore_mem>>) src(%dma_wait3A_320 : memref<2000x128xbf16, #tpu.memory_space<any>>) dst(%dma_wait3A_317 : memref<2000x128xbf16, #tpu.memory_space<vmem>>)
    %get3A_321 = arith.constant 8000 : index
    %get3A_322 = arith.constant 0 : index
    %get3A_323 = vector.load %arg7[%get3A_321, %get3A_322] : memref<10000x128xbf16, #tpu.memory_space<vmem>>, vector<2000x128xbf16>
    %convert_element_type3A_324 = arith.extf %get3A_323 : vector<2000x128xbf16> to vector<2000x128xf32>
    %slice3A_325 = vector.extract_strided_slice %transpose3A {offsets = [8000, 0], sizes = [2000, 1], strides = [1, 1]} : vector<10000x1xf32> to vector<2000x1xf32>
    %mul3A_326 = vector.broadcast %slice3A_325 : vector<2000x1xf32> to vector<2000x128xf32>
    %mul3A_327 = arith.mulf %convert_element_type3A_324, %mul3A_326 : vector<2000x128xf32>
    %get3A_328 = arith.constant 8000 : index
    %get3A_329 = arith.constant 0 : index
    %get3A_330 = vector.load %arg8[%get3A_328, %get3A_329] : memref<10000x128xbf16, #tpu.memory_space<vmem>>, vector<2000x128xbf16>
    %convert_element_type3A_331 = arith.extf %get3A_330 : vector<2000x128xbf16> to vector<2000x128xf32>
    %slice3A_332 = vector.extract_strided_slice %transpose3A_94 {offsets = [8000, 0], sizes = [2000, 1], strides = [1, 1]} : vector<10000x1xf32> to vector<2000x1xf32>
    %mul3A_333 = vector.broadcast %slice3A_332 : vector<2000x1xf32> to vector<2000x128xf32>
    %mul3A_334 = arith.mulf %convert_element_type3A_331, %mul3A_333 : vector<2000x128xf32>
    %add3A_335 = arith.addf %mul3A_327, %mul3A_334 : vector<2000x128xf32>
    %get3A_336 = arith.constant 8000 : index
    %get3A_337 = arith.constant 0 : index
    %get3A_338 = vector.load %arg9[%get3A_336, %get3A_337] : memref<10000x128xbf16, #tpu.memory_space<vmem>>, vector<2000x128xbf16>
    %convert_element_type3A_339 = arith.extf %get3A_338 : vector<2000x128xbf16> to vector<2000x128xf32>
    %add3A_340 = arith.addf %add3A_335, %convert_element_type3A_339 : vector<2000x128xf32>
    %mul3A_341 = arith.constant 0.333333343 : f32
    %mul3A_342 = vector.broadcast %mul3A_341 : f32 to vector<2000x128xf32>
    %mul3A_343 = arith.mulf %add3A_340, %mul3A_342 : vector<2000x128xf32>
    %swap3A_344 = arith.constant 8000 : index
    %swap3A_345 = arith.constant 0 : index
    %swap3A_346 = vector.load %arg10[%swap3A_344, %swap3A_345] : memref<10000x128xf32, #tpu.memory_space<vmem>>, vector<2000x128xf32>
    tpu.vector_store %arg10[%swap3A_344, %swap3A_345], %mul3A_343 {strides = array<i32>} : memref<10000x128xf32, #tpu.memory_space<vmem>>, vector<2000x128xf32>,
    %reduce_sum3A_347 = arith.constant dense<0.000000e+00> : vector<128xf32>
    %reduce_sum3A_348 = vector.multi_reduction <add>, %mul3A_343, %reduce_sum3A_347 [0] : vector<2000x128xf32> to vector<128xf32>
    %broadcast_in_dim3A_349 = vector.shape_cast %reduce_sum3A_348 : vector<128xf32> to vector<1x128xf32>
    %add3A_350 = arith.addf %add3A_297, %broadcast_in_dim3A_349 : vector<1x128xf32>
    %mul3A_351 = arith.mulf %mul3A_343, %mul3A_343 : vector<2000x128xf32>
    %reduce_sum3A_352 = arith.constant dense<0.000000e+00> : vector<128xf32>
    %reduce_sum3A_353 = vector.multi_reduction <add>, %mul3A_351, %reduce_sum3A_352 [0] : vector<2000x128xf32> to vector<128xf32>
    %broadcast_in_dim3A_354 = vector.shape_cast %reduce_sum3A_353 : vector<128xf32> to vector<1x128xf32>
    %add3A_355 = arith.addf %add3A_302, %broadcast_in_dim3A_354 : vector<1x128xf32>
    %mul3A_356 = arith.constant 9.99999974E-5 : f32
    %mul3A_357 = vector.broadcast %mul3A_356 : f32 to vector<1x128xf32>
    %mul3A_358 = arith.mulf %add3A_350, %mul3A_357 : vector<1x128xf32>
    %mul3A_359 = arith.constant 9.99999974E-5 : f32
    %mul3A_360 = vector.broadcast %mul3A_359 : f32 to vector<1x128xf32>
    %mul3A_361 = arith.mulf %add3A_355, %mul3A_360 : vector<1x128xf32>
    %mul3A_362 = arith.mulf %mul3A_358, %mul3A_358 : vector<1x128xf32>
    %sub3A = arith.subf %mul3A_361, %mul3A_362 : vector<1x128xf32>
    %get3A_363 = arith.constant 0 : index
    %get3A_364 = arith.constant 0 : index
    %get3A_365 = vector.load %arg4[%get3A_363, %get3A_364] : memref<1x128xf32, #tpu.memory_space<vmem>>, vector<1x128xf32>
    %add3A_366 = arith.constant 9.99999974E-6 : f32
    %add3A_367 = vector.broadcast %add3A_366 : f32 to vector<1x128xf32>
    %add3A_368 = arith.addf %sub3A, %add3A_367 : vector<1x128xf32>
    %rsqrt3A = math.rsqrt %add3A_368 : vector<1x128xf32>
    %mul3A_369 = arith.mulf %get3A_365, %rsqrt3A : vector<1x128xf32>
    %get3A_370 = arith.constant 0 : index
    %get3A_371 = arith.constant 0 : index
    %get3A_372 = vector.load %arg5[%get3A_370, %get3A_371] : memref<1x128xf32, #tpu.memory_space<vmem>>, vector<1x128xf32>
    %mul3A_373 = arith.mulf %mul3A_358, %mul3A_369 : vector<1x128xf32>
    %sub3A_374 = arith.subf %get3A_372, %mul3A_373 : vector<1x128xf32>
    %get3A_375 = arith.constant 0 : index
    %get3A_376 = arith.constant 0 : index
    %get3A_377 = vector.load %arg10[%get3A_375, %get3A_376] : memref<10000x128xf32, #tpu.memory_space<vmem>>, vector<2000x128xf32>
    %mul3A_378 = vector.broadcast %mul3A_369 : vector<1x128xf32> to vector<2000x128xf32>
    %mul3A_379 = arith.mulf %get3A_377, %mul3A_378 : vector<2000x128xf32>
    %add3A_380 = vector.broadcast %sub3A_374 : vector<1x128xf32> to vector<2000x128xf32>
    %add3A_381 = arith.addf %mul3A_379, %add3A_380 : vector<2000x128xf32>
    %tanh3A = math.tanh %add3A_381 : vector<2000x128xf32>
    %swap3A_382 = arith.constant 0 : index
    %swap3A_383 = arith.constant 0 : index
    %swap3A_384 = vector.load %arg10[%swap3A_382, %swap3A_383] : memref<10000x128xf32, #tpu.memory_space<vmem>>, vector<2000x128xf32>
    tpu.vector_store %arg10[%swap3A_382, %swap3A_383], %tanh3A {strides = array<i32>} : memref<10000x128xf32, #tpu.memory_space<vmem>>, vector<2000x128xf32>,
    %dma_start3A_385 = arith.constant 0 : i32
    %dma_start3A_386 = arith.constant 0 : i32
    %dma_start3A_387 = tpu.memref_slice %arg6[%dma_start3A_385, %dma_start3A_386] : memref<10000x128xf32, #tpu.memory_space<any>> -> memref<2000x128xf32, #tpu.memory_space<any>>
    %dma_start3A_388 = arith.constant 0 : i32
    %dma_start3A_389 = arith.constant 0 : i32
    %dma_start3A_390 = tpu.memref_slice %arg10[%dma_start3A_388, %dma_start3A_389] : memref<10000x128xf32, #tpu.memory_space<vmem>> -> memref<2000x128xf32, #tpu.memory_space<vmem>>
    tpu.enqueue_dma source(%dma_start3A_390 : memref<2000x128xf32, #tpu.memory_space<vmem>>) target(%dma_start3A_387 : memref<2000x128xf32, #tpu.memory_space<any>>) target_semaphore(%arg12 : memref<!tpu.dma_semaphore, #tpu.memory_space<semaphore_mem>>)
    %get3A_391 = arith.constant 2000 : index
    %get3A_392 = arith.constant 0 : index
    %get3A_393 = vector.load %arg10[%get3A_391, %get3A_392] : memref<10000x128xf32, #tpu.memory_space<vmem>>, vector<2000x128xf32>
    %mul3A_394 = vector.broadcast %mul3A_369 : vector<1x128xf32> to vector<2000x128xf32>
    %mul3A_395 = arith.mulf %get3A_393, %mul3A_394 : vector<2000x128xf32>
    %add3A_396 = vector.broadcast %sub3A_374 : vector<1x128xf32> to vector<2000x128xf32>
    %add3A_397 = arith.addf %mul3A_395, %add3A_396 : vector<2000x128xf32>
    %tanh3A_398 = math.tanh %add3A_397 : vector<2000x128xf32>
    %swap3A_399 = arith.constant 2000 : index
    %swap3A_400 = arith.constant 0 : index
    %swap3A_401 = vector.load %arg10[%swap3A_399, %swap3A_400] : memref<10000x128xf32, #tpu.memory_space<vmem>>, vector<2000x128xf32>
    tpu.vector_store %arg10[%swap3A_399, %swap3A_400], %tanh3A_398 {strides = array<i32>} : memref<10000x128xf32, #tpu.memory_space<vmem>>, vector<2000x128xf32>,
    %dma_start3A_402 = arith.constant 2000 : i32
    %dma_start3A_403 = arith.constant 0 : i32
    %dma_start3A_404 = tpu.memref_slice %arg6[%dma_start3A_402, %dma_start3A_403] : memref<10000x128xf32, #tpu.memory_space<any>> -> memref<2000x128xf32, #tpu.memory_space<any>>
    %dma_start3A_405 = arith.constant 2000 : i32
    %dma_start3A_406 = arith.constant 0 : i32
    %dma_start3A_407 = tpu.memref_slice %arg10[%dma_start3A_405, %dma_start3A_406] : memref<10000x128xf32, #tpu.memory_space<vmem>> -> memref<2000x128xf32, #tpu.memory_space<vmem>>
    tpu.enqueue_dma source(%dma_start3A_407 : memref<2000x128xf32, #tpu.memory_space<vmem>>) target(%dma_start3A_404 : memref<2000x128xf32, #tpu.memory_space<any>>) target_semaphore(%arg12 : memref<!tpu.dma_semaphore, #tpu.memory_space<semaphore_mem>>)
    %get3A_408 = arith.constant 4000 : index
    %get3A_409 = arith.constant 0 : index
    %get3A_410 = vector.load %arg10[%get3A_408, %get3A_409] : memref<10000x128xf32, #tpu.memory_space<vmem>>, vector<2000x128xf32>
    %mul3A_411 = vector.broadcast %mul3A_369 : vector<1x128xf32> to vector<2000x128xf32>
    %mul3A_412 = arith.mulf %get3A_410, %mul3A_411 : vector<2000x128xf32>
    %add3A_413 = vector.broadcast %sub3A_374 : vector<1x128xf32> to vector<2000x128xf32>
    %add3A_414 = arith.addf %mul3A_412, %add3A_413 : vector<2000x128xf32>
    %tanh3A_415 = math.tanh %add3A_414 : vector<2000x128xf32>
    %swap3A_416 = arith.constant 4000 : index
    %swap3A_417 = arith.constant 0 : index
    %swap3A_418 = vector.load %arg10[%swap3A_416, %swap3A_417] : memref<10000x128xf32, #tpu.memory_space<vmem>>, vector<2000x128xf32>
    tpu.vector_store %arg10[%swap3A_416, %swap3A_417], %tanh3A_415 {strides = array<i32>} : memref<10000x128xf32, #tpu.memory_space<vmem>>, vector<2000x128xf32>,
    %dma_start3A_419 = arith.constant 4000 : i32
    %dma_start3A_420 = arith.constant 0 : i32
    %dma_start3A_421 = tpu.memref_slice %arg6[%dma_start3A_419, %dma_start3A_420] : memref<10000x128xf32, #tpu.memory_space<any>> -> memref<2000x128xf32, #tpu.memory_space<any>>
    %dma_start3A_422 = arith.constant 4000 : i32
    %dma_start3A_423 = arith.constant 0 : i32
    %dma_start3A_424 = tpu.memref_slice %arg10[%dma_start3A_422, %dma_start3A_423] : memref<10000x128xf32, #tpu.memory_space<vmem>> -> memref<2000x128xf32, #tpu.memory_space<vmem>>
    tpu.enqueue_dma source(%dma_start3A_424 : memref<2000x128xf32, #tpu.memory_space<vmem>>) target(%dma_start3A_421 : memref<2000x128xf32, #tpu.memory_space<any>>) target_semaphore(%arg12 : memref<!tpu.dma_semaphore, #tpu.memory_space<semaphore_mem>>)
    %get3A_425 = arith.constant 6000 : index
    %get3A_426 = arith.constant 0 : index
    %get3A_427 = vector.load %arg10[%get3A_425, %get3A_426] : memref<10000x128xf32, #tpu.memory_space<vmem>>, vector<2000x128xf32>
    %mul3A_428 = vector.broadcast %mul3A_369 : vector<1x128xf32> to vector<2000x128xf32>
    %mul3A_429 = arith.mulf %get3A_427, %mul3A_428 : vector<2000x128xf32>
    %add3A_430 = vector.broadcast %sub3A_374 : vector<1x128xf32> to vector<2000x128xf32>
    %add3A_431 = arith.addf %mul3A_429, %add3A_430 : vector<2000x128xf32>
    %tanh3A_432 = math.tanh %add3A_431 : vector<2000x128xf32>
    %swap3A_433 = arith.constant 6000 : index
    %swap3A_434 = arith.constant 0 : index
    %swap3A_435 = vector.load %arg10[%swap3A_433, %swap3A_434] : memref<10000x128xf32, #tpu.memory_space<vmem>>, vector<2000x128xf32>
    tpu.vector_store %arg10[%swap3A_433, %swap3A_434], %tanh3A_432 {strides = array<i32>} : memref<10000x128xf32, #tpu.memory_space<vmem>>, vector<2000x128xf32>,
    %dma_start3A_436 = arith.constant 6000 : i32
    %dma_start3A_437 = arith.constant 0 : i32
    %dma_start3A_438 = tpu.memref_slice %arg6[%dma_start3A_436, %dma_start3A_437] : memref<10000x128xf32, #tpu.memory_space<any>> -> memref<2000x128xf32, #tpu.memory_space<any>>
    %dma_start3A_439 = arith.constant 6000 : i32
    %dma_start3A_440 = arith.constant 0 : i32
    %dma_start3A_441 = tpu.memref_slice %arg10[%dma_start3A_439, %dma_start3A_440] : memref<10000x128xf32, #tpu.memory_space<vmem>> -> memref<2000x128xf32, #tpu.memory_space<vmem>>
    tpu.enqueue_dma source(%dma_start3A_441 : memref<2000x128xf32, #tpu.memory_space<vmem>>) target(%dma_start3A_438 : memref<2000x128xf32, #tpu.memory_space<any>>) target_semaphore(%arg12 : memref<!tpu.dma_semaphore, #tpu.memory_space<semaphore_mem>>)
    %get3A_442 = arith.constant 8000 : index
    %get3A_443 = arith.constant 0 : index
    %get3A_444 = vector.load %arg10[%get3A_442, %get3A_443] : memref<10000x128xf32, #tpu.memory_space<vmem>>, vector<2000x128xf32>
    %mul3A_445 = vector.broadcast %mul3A_369 : vector<1x128xf32> to vector<2000x128xf32>
    %mul3A_446 = arith.mulf %get3A_444, %mul3A_445 : vector<2000x128xf32>
    %add3A_447 = vector.broadcast %sub3A_374 : vector<1x128xf32> to vector<2000x128xf32>
    %add3A_448 = arith.addf %mul3A_446, %add3A_447 : vector<2000x128xf32>
    %tanh3A_449 = math.tanh %add3A_448 : vector<2000x128xf32>
    %swap3A_450 = arith.constant 8000 : index
    %swap3A_451 = arith.constant 0 : index
    %swap3A_452 = vector.load %arg10[%swap3A_450, %swap3A_451] : memref<10000x128xf32, #tpu.memory_space<vmem>>, vector<2000x128xf32>
    tpu.vector_store %arg10[%swap3A_450, %swap3A_451], %tanh3A_449 {strides = array<i32>} : memref<10000x128xf32, #tpu.memory_space<vmem>>, vector<2000x128xf32>,
    %dma_start3A_453 = arith.constant 8000 : i32
    %dma_start3A_454 = arith.constant 0 : i32
    %dma_start3A_455 = tpu.memref_slice %arg6[%dma_start3A_453, %dma_start3A_454] : memref<10000x128xf32, #tpu.memory_space<any>> -> memref<2000x128xf32, #tpu.memory_space<any>>
    %dma_start3A_456 = arith.constant 8000 : i32
    %dma_start3A_457 = arith.constant 0 : i32
    %dma_start3A_458 = tpu.memref_slice %arg10[%dma_start3A_456, %dma_start3A_457] : memref<10000x128xf32, #tpu.memory_space<vmem>> -> memref<2000x128xf32, #tpu.memory_space<vmem>>
    tpu.enqueue_dma source(%dma_start3A_458 : memref<2000x128xf32, #tpu.memory_space<vmem>>) target(%dma_start3A_455 : memref<2000x128xf32, #tpu.memory_space<any>>) target_semaphore(%arg12 : memref<!tpu.dma_semaphore, #tpu.memory_space<semaphore_mem>>)
    %dma_wait3A_459 = arith.constant 0 : i32
    %dma_wait3A_460 = arith.constant 0 : i32
    %dma_wait3A_461 = tpu.memref_slice %arg6[%dma_wait3A_459, %dma_wait3A_460] : memref<10000x128xf32, #tpu.memory_space<any>> -> memref<2000x128xf32, #tpu.memory_space<any>>
    %dma_wait3A_462 = arith.constant 0 : i32
    %dma_wait3A_463 = arith.constant 0 : i32
    %dma_wait3A_464 = tpu.memref_slice %arg10[%dma_wait3A_462, %dma_wait3A_463] : memref<10000x128xf32, #tpu.memory_space<vmem>> -> memref<2000x128xf32, #tpu.memory_space<vmem>>
    tpu.wait_dma2 semaphore(%arg12 : memref<!tpu.dma_semaphore, #tpu.memory_space<semaphore_mem>>) src(%dma_wait3A_464 : memref<2000x128xf32, #tpu.memory_space<vmem>>) dst(%dma_wait3A_461 : memref<2000x128xf32, #tpu.memory_space<any>>)
    %dma_wait3A_465 = arith.constant 2000 : i32
    %dma_wait3A_466 = arith.constant 0 : i32
    %dma_wait3A_467 = tpu.memref_slice %arg6[%dma_wait3A_465, %dma_wait3A_466] : memref<10000x128xf32, #tpu.memory_space<any>> -> memref<2000x128xf32, #tpu.memory_space<any>>
    %dma_wait3A_468 = arith.constant 2000 : i32
    %dma_wait3A_469 = arith.constant 0 : i32
    %dma_wait3A_470 = tpu.memref_slice %arg10[%dma_wait3A_468, %dma_wait3A_469] : memref<10000x128xf32, #tpu.memory_space<vmem>> -> memref<2000x128xf32, #tpu.memory_space<vmem>>
    tpu.wait_dma2 semaphore(%arg12 : memref<!tpu.dma_semaphore, #tpu.memory_space<semaphore_mem>>) src(%dma_wait3A_470 : memref<2000x128xf32, #tpu.memory_space<vmem>>) dst(%dma_wait3A_467 : memref<2000x128xf32, #tpu.memory_space<any>>)
    %dma_wait3A_471 = arith.constant 4000 : i32
    %dma_wait3A_472 = arith.constant 0 : i32
    %dma_wait3A_473 = tpu.memref_slice %arg6[%dma_wait3A_471, %dma_wait3A_472] : memref<10000x128xf32, #tpu.memory_space<any>> -> memref<2000x128xf32, #tpu.memory_space<any>>
    %dma_wait3A_474 = arith.constant 4000 : i32
    %dma_wait3A_475 = arith.constant 0 : i32
    %dma_wait3A_476 = tpu.memref_slice %arg10[%dma_wait3A_474, %dma_wait3A_475] : memref<10000x128xf32, #tpu.memory_space<vmem>> -> memref<2000x128xf32, #tpu.memory_space<vmem>>
    tpu.wait_dma2 semaphore(%arg12 : memref<!tpu.dma_semaphore, #tpu.memory_space<semaphore_mem>>) src(%dma_wait3A_476 : memref<2000x128xf32, #tpu.memory_space<vmem>>) dst(%dma_wait3A_473 : memref<2000x128xf32, #tpu.memory_space<any>>)
    %dma_wait3A_477 = arith.constant 6000 : i32
    %dma_wait3A_478 = arith.constant 0 : i32
    %dma_wait3A_479 = tpu.memref_slice %arg6[%dma_wait3A_477, %dma_wait3A_478] : memref<10000x128xf32, #tpu.memory_space<any>> -> memref<2000x128xf32, #tpu.memory_space<any>>
    %dma_wait3A_480 = arith.constant 6000 : i32
    %dma_wait3A_481 = arith.constant 0 : i32
    %dma_wait3A_482 = tpu.memref_slice %arg10[%dma_wait3A_480, %dma_wait3A_481] : memref<10000x128xf32, #tpu.memory_space<vmem>> -> memref<2000x128xf32, #tpu.memory_space<vmem>>
    tpu.wait_dma2 semaphore(%arg12 : memref<!tpu.dma_semaphore, #tpu.memory_space<semaphore_mem>>) src(%dma_wait3A_482 : memref<2000x128xf32, #tpu.memory_space<vmem>>) dst(%dma_wait3A_479 : memref<2000x128xf32, #tpu.memory_space<any>>)
    %dma_wait3A_483 = arith.constant 8000 : i32
    %dma_wait3A_484 = arith.constant 0 : i32
    %dma_wait3A_485 = tpu.memref_slice %arg6[%dma_wait3A_483, %dma_wait3A_484] : memref<10000x128xf32, #tpu.memory_space<any>> -> memref<2000x128xf32, #tpu.memory_space<any>>
    %dma_wait3A_486 = arith.constant 8000 : i32
    %dma_wait3A_487 = arith.constant 0 : i32
    %dma_wait3A_488 = tpu.memref_slice %arg10[%dma_wait3A_486, %dma_wait3A_487] : memref<10000x128xf32, #tpu.memory_space<vmem>> -> memref<2000x128xf32, #tpu.memory_space<vmem>>
    tpu.wait_dma2 semaphore(%arg12 : memref<!tpu.dma_semaphore, #tpu.memory_space<semaphore_mem>>) src(%dma_wait3A_488 : memref<2000x128xf32, #tpu.memory_space<vmem>>) dst(%dma_wait3A_485 : memref<2000x128xf32, #tpu.memory_space<any>>)
    return
  }
}

</mosaic_0001>

<sc_bundles>
// kernel: kernel.5.cloned.1.call-start
scs
__scs_entry_jumppad:
0x0: {  	(pc) =	sbr.rel $0x88, $3  }
0x1: {  	(tag) =	ssettag $0x0;
	lr =	simm.s32 $0x1  }
0x2: {  	[smem:$0x3F99] =	sst lr;
	_ =	strace $0xD0000000  }
0x3: {  	_ = 	snop  }
0x4: {  	_ = 	snop  }
0x5: {  	_ = 	snop  }
0x6: {  	_ = 	snop  }
0x7: {  	_ = 	snop  }
__scs_overlays_trampoline_lowered:
0x8: {  	[smem:$0x3FA8] =	sst s0  }
0x9: {  	[smem:$0x3FA9] =	sst s1  }
0xa: {  	[smem:$0x3FAA] =	sst s2  }
0xb: {  	[smem:$0x3FAB] =	sst s3  }
0xc: {  	[smem:$0x3FAC] =	sst s4  }
0xd: {  	[smem:$0x3FAD] =	sst s5  }
0xe: {  	[smem:$0x3FAE] =	sst s6  }
0xf: {  	[smem:$0x3FAF] =	sst s7  }
0x10: {  	[smem:$0x3FB0] =	sst s8  }
0x11: {  	[smem:$0x3FB1] =	sst s9;
	s0 =	simm.s32 @!p0 $0x0  }
0x12: {  	s1 =	sld [smem:$0x3F97];
	s0 =	simm.s32 @p0 $0x1  }
0x13: {  	[smem:$0x3FB2] =	sst s0;
	s0 =	simm.s32 @!p1 $0x0  }
0x14: {  	s2 =	sld [smem:$0x3F96];
	s0 =	simm.s32 @p1 $0x1  }
0x15: {  	[smem:$0x3FB3] =	sst s0;
	s0 =	simm.s32 @!p2 $0x0  }
0x16: {  	s3 =	sld [smem:$0x3FDB];
	s0 =	simm.s32 @p2 $0x1  }
0x17: {  	s4 =	simm.s32 $0x1BF5;
	[smem:$0x3FB5] =	sst s0  }
0x18: {  	s0 =	sld [smem:$0x3F98];
	_ =	swait.ge [sflag:s4], $0x0  }
0x19: {  	s7 =	sld [smem:$0x3F99]  }
0x1a: {  	s8 =	sadd.s32 $0xFFFFE003, lr  }
0x1b: {  	s9 =	sadd.s32 $0xFFFFFEF7, lr;
	s5 =	simm.s32 $0xFFFFFFFF;
	p2 =	slt.u32 s8, $0xFFFFF086  }
0x1c: {  	p1 =	slt.u32 s9, $0xF7A;
	s5 =	simm.s32 @!p2 $0x0  }
0x1d: {  	s5 =	simm.s32 @p1 $0x1;
	p0 =	seq.s32 s7, s2  }
0x1e: {  	s7 =	smul.u32 @!p0 $0xF7A, s2;
	p2 =	seq.s32 @!p0 s5, $0x0  }
0x1f: {  	s9 =	smul.u32 $0xF7A, s1;
	s8 =	simm.s32 @!p0 $0x1BF5;
	p2 =	por !p2, p0  }
0x20: {  	[sflag:s8] =	ssyncset.s32 @!p0 $0xFFFFF086;
	s6 =	sadd.s32 @!p0 s3, s7;
	s7 =	simm.s32 @!p0 $0x108  }
0x21: {  	s3 =	sadd.s32 s3, s9;
	s6 =	sadd.s32 @!p0 $0x88, s6;
	s7 =	simm.s32 @p2 $0x1082  }
0x22: {  	[simem:s7], [sflag:s8] =	dma.local @!p0 [hbm:s6], $0xF7A  }
0x23: {  	s9 =	sor.u32 $0xD0000000, s2;
	s6 =	simm.s32 $0x108;
	_ =	swait.ge @!p0 [sflag:s8], $0x0  }
0x24: {  	s3 =	sadd.s32 $0x88, s3;
	s6 =	simm.s32 @!p1 $0x1082;
	[sflag:s4] =	ssyncset.s32 $0xFFFFF086  }
0x25: {  	[simem:s6], [sflag:s4] =	dma.local [hbm:s3], $0xF7A  }
0x26: {  	[smem:$0x3F99] =	sst s1;
	(tag) =	ssettag s2;
	_ =	strace s9  }
0x27: {  	s1 =	sld [smem:$0x3FA9]  }
0x28: {  	s2 =	sld [smem:$0x3FAA]  }
0x29: {  	s4 =	sld [smem:$0x3FAC]  }
0x2a: {  	p0 =	seq.s32 s5, $0x0;
	s5 =	sld [smem:$0x3FAD]  }
0x2b: {  	s6 =	sld [smem:$0x3FAE]  }
0x2c: {  	s7 =	sld [smem:$0x3FAF]  }
0x2d: {  	s3 =	simm.s32 $0x108;
	s8 =	sld [smem:$0x3FB0]  }
0x2e: {  	s3 =	simm.s32 @!p0 $0x1082;
	s9 =	sld [smem:$0x3FB1]  }
0x2f: {  	lr =	sadd.s32 s0, s3;
	s0 =	sld [smem:$0x3FA8]  }
0x30: {  	s3 =	sld [smem:$0x3FAB]  }
0x31: {  	[smem:$0x3FB4] =	sst s10  }
0x32: {  	s10 =	sld [smem:$0x3FB2];
	_ =	sdelay $0x3  }
0x33: {  	p0 =	seq.s32 s10, $0x1;
	s10 =	sld [smem:$0x3FB4];
	_ =	sdelay $0x3  }
0x34: {  	[smem:$0x3FB4] =	sst s10  }
0x35: {  	s10 =	sld [smem:$0x3FB3];
	_ =	sdelay $0x3  }
0x36: {  	p1 =	seq.s32 s10, $0x1;
	s10 =	sld [smem:$0x3FB4];
	_ =	sdelay $0x3  }
0x37: {  	[smem:$0x3FB4] =	sst s10  }
0x38: {  	s10 =	sld [smem:$0x3FB5]  }
0x39: {  	_ = 	snop;
	(pc) =	sbr.ind lr, $3  }
0x3a: {  	_ = 	snop  }
0x3b: {  	_ = 	snop  }
0x3c: {  	p2 =	seq.s32 s10, $0x1;
	s10 =	sld [smem:$0x3FB4]  }
0x3d: {  	_ =	shalt  }
0x3e: {  	_ =	shalt  }
0x3f: {  	_ =	shalt  }
0x40: {  	_ =	shalt  }
0x41: {  	_ =	shalt  }
0x42: {  	_ =	shalt  }
0x43: {  	_ =	shalt  }
0x44: {  	_ =	shalt  }
0x45: {  	_ =	shalt  }
0x46: {  	_ =	shalt  }
0x47: {  	_ =	shalt  }
0x48: {  	_ =	shalt  }
0x49: {  	_ =	shalt  }
0x4a: {  	_ =	shalt  }
0x4b: {  	_ =	shalt  }
0x4c: {  	_ =	shalt  }
0x4d: {  	_ =	shalt  }
0x4e: {  	_ =	shalt  }
0x4f: {  	_ =	shalt  }
0x50: {  	_ =	shalt  }
0x51: {  	_ =	shalt  }
0x52: {  	_ =	shalt  }
0x53: {  	_ =	shalt  }
0x54: {  	_ =	shalt  }
0x55: {  	_ =	shalt  }
0x56: {  	_ =	shalt  }
0x57: {  	_ =	shalt  }
0x58: {  	_ =	shalt  }
0x59: {  	_ =	shalt  }
0x5a: {  	_ =	shalt  }
0x5b: {  	_ =	shalt  }
0x5c: {  	_ =	shalt  }
0x5d: {  	_ =	shalt  }
0x5e: {  	_ =	shalt  }
0x5f: {  	_ =	shalt  }
0x60: {  	_ =	shalt  }
0x61: {  	_ =	shalt  }
0x62: {  	_ =	shalt  }
0x63: {  	_ =	shalt  }
0x64: {  	_ =	shalt  }
0x65: {  	_ =	shalt  }
0x66: {  	_ =	shalt  }
0x67: {  	_ =	shalt  }
0x68: {  	_ =	shalt  }
0x69: {  	_ =	shalt  }
0x6a: {  	_ =	shalt  }
0x6b: {  	_ =	shalt  }
0x6c: {  	_ =	shalt  }
0x6d: {  	_ =	shalt  }
0x6e: {  	_ =	shalt  }
0x6f: {  	_ =	shalt  }
0x70: {  	_ =	shalt  }
0x71: {  	_ =	shalt  }
0x72: {  	_ =	shalt  }
0x73: {  	_ =	shalt  }
0x74: {  	_ =	shalt  }
0x75: {  	_ =	shalt  }
0x76: {  	_ =	shalt  }
0x77: {  	_ =	shalt  }
0x78: {  	_ =	shalt  }
0x79: {  	_ =	shalt  }
0x7a: {  	_ =	shalt  }
0x7b: {  	_ =	shalt  }
0x7c: {  	_ =	shalt  }
0x7d: {  	_ =	shalt  }
0x7e: {  	_ =	shalt  }
0x7f: {  	_ =	shalt  }
0x80: {  	_ =	shalt  }
0x81: {  	_ =	shalt  }
0x82: {  	_ =	shalt  }
0x83: {  	_ =	shalt  }
0x84: {  	_ =	shalt  }
0x85: {  	_ =	shalt  }
0x86: {  	_ =	shalt  }
0x87: {  	_ =	shalt  }
.Lfunc_end0:
.L_simem_size_0:
called_computation_lowered:
.L_overlay_start_0:
0x88: {  	s2 =	sld [smem:$0x3FD9]  }
0x89: {  	s3 =	sld [smem:$0x3FFE];
	_ =	sdelay $0x1  }
0x8a: {  	s1 =	srdreg.scid  }
0x8b: {  	s0 =	sand.u32 $0x1, s1  }
0x8c: {  	s15 =	sshll.u32 s0, $0xA;
	s2 =	sadd.s32 s3, s2  }
0x8d: {  	s2 =	sadd.s32 s2, s15  }
0x8e: {  	[smem:$0x3FC0] =	sst s2  }
0x8f: {  	_ = 	snop  }
0x90: {  	s2 =	sld [smem:$0x3FD0];
	_ =	sdelay $0x2  }
0x91: {  	s4 =	simm.s32 $0xA;
	s5 =	simm.s32 $0x10;
	s16 =	sld [smem:$0x3FC8]  }
0x92: {  	[smem:s5], [sflag:s4] =	dma.local [hbm:s2], $0x1  }
0x93: {  	_ =	swait.eq [sflag:s4], $0x1  }
0x94: {  	[sflag:s4] =	ssyncset.done $0x0  }
0x95: {  	[sflag:s4] =	ssyncadd.s32 $0xFFFFFFFF  }
0x96: {  	s17 =	sld [smem:$0x11];
	(tm) =	ssettm $0x1  }
0x97: {  	s18 =	sld [smem:$0x3FFB];
	_ =	sdelay $0x3  }
0x98: {  	_ =	strace s18  }
0x99: {  	s4 =	sld [smem:$0x3FFC];
	_ =	sdelay $0x3  }
0x9a: {  	_ =	strace s4  }
0x9b: {  	s4 =	sld [smem:$0x3FFD];
	_ =	sdelay $0x3  }
0x9c: {  	_ =	strace s4  }
0x9d: {  	_ =	strace $0x8FFFFFFF  }
0x9e: {  	s19 =	sld [smem:$0x3FDB];
	_ =	sdelay $0x1  }
0x9f: {  	s20 =	simm.s32 $_scs_section_size  }
0xa0: {  	s6 =	simm.s32 $_size__tile_overlayer_lowered;
	s7 =	simm.s32 $_tile_overlayer_lowered  }
0xa1: {  	s23 =	simm.s32 $0x1BFF;
	s22 =	sshll.u32 s7, $0x1;
	s4 =	sadd.s32 s20, s19  }
0xa2: {  	s8 =	simm.s32 $0x0;
	s21 =	sshll.u32 s6, $0x1;
	s6 =	sadd.s32 s22, s4  }
0xa3: {  	[timem:s8], [sflag:s23] =	dma.local [hbm:s6], s21  }
0xa4: {  	_ =	swait.ge [sflag:s23], s21  }
0xa5: {  	s5 =	ssub.s32 $0x0, s21;
	[sflag:s23] =	ssyncset.done $0x0  }
0xa6: {  	[sflag:s23] =	ssyncadd.s32 s5;
	_ =	sdelay $0x1  }
0xa7: {  	s24 =	simm.s32 $0x1B8B  }
0xa8: {  	_ =	swait.ge [sflag:s24], $0x1  }
0xa9: {  	[sflag:s24] =	ssyncset.done $0x0  }
0xaa: {  	s25 =	simm.s32 $0x1B8E;
	[sflag:s24] =	ssyncadd.s32 $0xFFFFFFFF  }
0xab: {  	s26 =	simm.s32 $execute0_lowered;
	[smem:$0x3FD2] =	sst s25  }
0xac: {  	s5 =	sshll.u32 s26, $0x1;
	_ =	strace $0x80000046;
	[dreg:$0x1] =	wrdreg $0xFFFFFFFF  }
0xad: {  	s28 =	simm.s32 $_size_execute0_lowered;
	s4 =	sadd.s32 s4, s5;
	[dreg:$0x0] =	wrdreg $0x0  }
0xae: {  	s5 =	sshll.u32 s28, $0x1;
	[dreg:$0x2] =	wrdreg s4  }
0xaf: {  	[dreg:$0x3] =	wrdreg s5  }
0xb0: {  	[dreg:$0x4] =	wrdreg $0xC0  }
0xb1: {  	_ =	task [dreg:s8], $0x5FFFF  }
0xb2: {  	[dreg:$0x1] =	wrdreg $0xFFFFFFFF  }
0xb3: {  	[dreg:$0x0] =	wrdreg $0x60  }
0xb4: {  	[dreg:$0x2] =	wrdreg s16  }
0xb5: {  	[dreg:$0x3] =	wrdreg s17  }
0xb6: {  	[dreg:$0x4] =	wrdreg $0xF3800  }
0xb7: {  	[dreg:$0x5] =	wrdreg $0xF6000  }
0xb8: {  	[dreg:$0x6] =	wrdreg $0xF8800  }
0xb9: {  	[dreg:$0x7] =	wrdreg $0x9  }
0xba: {  	_ =	task.clear_ibuf [dreg:s8], $0x8FFFF;
	_ =	strace $0x90000046  }
0xbb: {  	s29 =	simm.s32 $0x9;
	_ =	strace $0x80000048  }
0xbc: {  	_ =	swait.ge [sflag:s29], $0x1  }
0xbd: {  	[sflag:s29] =	ssyncadd.s32 $0xFFFFFFFF  }
0xbe: {  	_ =	strace $0x90000048  }
0xbf: {  	_ =	sfence  }
0xc0: {  	s30 =	sld [smem:$0x0];
	_ =	sdelay $0x2  }
0xc1: {  	s31 =	sshll.u32 s1, $0xD;
	s1 =	sshrl.u32 s1, $0x2  }
0xc2: {  	s3 =	sand.u32 $0x4000, s31;
	s1 =	sadd.s32 s1, s30  }
0xc3: {  	s0 =	sor.u32 s3, s0;
	s1 =	sshll.u32 s1, $0x11  }
0xc4: {  	s0 =	sor.u32 s1, s0  }
0xc5: {  	s0 =	sadd.s32 $0x8F2B, s0  }
0xc6: {  	[sflag:s0] =	ssyncadd.remote.s32 $0x1  }
0xc7: {  	_ =	sfence.sel $0xFFFF  }
0xc8: {  	[dreg:$0x0] =	wrdreg $0xFFFFFFFF;
	(pc) =	sbr.abs _section_cstart, $3  }
0xc9: {  	[dreg:$0x1] =	wrdreg $0xFFFFFFFF  }
0xca: {  	_ =	task.clear_ibuf [dreg:s8], $0x2FFFF;
	_ =	strace $0x9FFFFFFF  }
0xcb: {  	(tm) =	ssettm $0x7FFFFFFF  }
tec
execute0_lowered:
.L_overlay_start_1:
0x0: {  	(tag) =	ssettag $0x1  }
0x1: {  	s7 =	rddreg [dreg:$0x0]  }
0x2: {  	s0 =	srdreg.scid;
	s11 =	rddreg [dreg:$0x1]  }
0x3: {  	s24 =	stileid.u32;
	s2 =	rddreg [dreg:$0x2]  }
0x4: {  	s3 =	rddreg [dreg:$0x3];
	s5 =	smul.u32 $0x2710, s24  }
0x5: {  	s4 =	rddreg [dreg:$0x4];
	s19 =	simm.s32 $0x10;
	s13 =	smul.u32 $0x280, s24  }
0x6: {  	s20 =	simm.s32 $0x7700;
	s21 =	simm.s32 $0xC600;
	s28 =	smul.u32 $0x500, s24  }
0x7: {  	s22 =	simm.s32 $0xF100;
	s9 =	sand.u32 $0x1, s0;
	s18 =	smul.u32 $0x4E20, s24  }
0x8: {  	s23 =	simm.s32 $0xC680;
	s24 =	simm.s32 $0x100;
	s1 =	smul.u32 $0x27100, s9  }
0x9: {  	s25 =	ssub.s32 $0x2, s9;
	s16 =	smul.u32 $0x4E200, s9;
	s17 =	sshll.u32 s9, $0x7  }
0xa: {  	s8 =	sand.u32 $0x70, s5;
	s10 =	sshrl.u32 s25, $0x1;
	s9 =	sadd.s32 s13, s3  }
0xb: {  	s29 =	sor.u32 s17, s28;
	s17 =	simm.s32 $0x80;
	s6 =	sadd.s32 s5, s1  }
0xc: {  	s5 =	simm.s32 $0x0;
	s15 =	ssub.s32 s25, s10;
	s10 =	sadd.s32 s13, s4  }
0xd: {  	s30 =	sadd.s32 s18, s16;
	s16 =	simm.s32 $0x1;
	s18 =	simm.s32 $0x2  }
0xe: {  	s25 =	simm.s32 $0x0;
	s12 =	ssub.s32 s6, s8;
	[smem:$0x7FF] =	sst s5  }
0xf: {  	s8 =	sadd.s32 s13, s2;
	s13 =	sshrl.u32 s29, $0x3;
	p0 =	slt.s32 s12, $0x4BA00  }
0x10: {  	_ =	strace $0x80000047;
	s11 =	sadd.s32 s11, s13;
	s12 =	simm.s32 @!p0 $0x4BA00  }
0x11: {  	s14 =	sshrl.u32 s12, $0x2;
	s6 =	ssub.s32 s6, s12;
	s31 =	sshll.u32 s12, $0x1  }
0x12: {  	s12 =	smax.u32 s15, $0x1;
	s15 =	simm.s32 $0x3;
	s26 =	sand.u32 $0xFFFFFE0, s14  }
0x13: {  	v0 =	vimm.f32 $0.0e+00;
	v1 =	vimm.f32 $1.000000000e+00;
	v2 =	vimm.f32 $1.953125000e-03;
	s13 =	ssub.s32 s30, s31;
	s14 =	simm.s32 $0xEE80;
	s7 =	sadd.s32 s7, s26  }
.LBB2_1:
0x14: {  	[tilespmem:s5], [sflag:$0x1] =	stream.linear.gather [hbm4b:s7+s5], $0x5000, $0x38;
	[tilespmem:$0xFB00] =	vst v63  }
0x15: {  	[tilespmem:$0xEE80] =	vst v0  }
0x16: {  	[tilespmem:$0xEE90] =	vst v0  }
0x17: {  	[tilespmem:$0xEEA0] =	vst v0  }
0x18: {  	[tilespmem:$0xEEB0] =	vst v0  }
0x19: {  	[tilespmem:$0xEEC0] =	vst v0  }
0x1a: {  	[tilespmem:$0xEED0] =	vst v0  }
0x1b: {  	[tilespmem:$0xEEE0] =	vst v0  }
0x1c: {  	[tilespmem:$0xEEF0] =	vst v0  }
0x1d: {  	[tilespmem:$0xEF00] =	vst v0  }
0x1e: {  	[tilespmem:$0xEF10] =	vst v0  }
0x1f: {  	[tilespmem:$0xEF20] =	vst v0  }
0x20: {  	[tilespmem:$0xEF30] =	vst v0  }
0x21: {  	[tilespmem:$0xEF40] =	vst v0  }
0x22: {  	[tilespmem:$0xEF50] =	vst v0  }
0x23: {  	[tilespmem:$0xEF60] =	vst v0  }
0x24: {  	[tilespmem:$0xEF70] =	vst v0  }
0x25: {  	[tilespmem:$0xEF80] =	vst v0  }
0x26: {  	[tilespmem:$0xEF90] =	vst v0  }
0x27: {  	[tilespmem:$0xEFA0] =	vst v0  }
0x28: {  	[tilespmem:$0xEFB0] =	vst v0  }
0x29: {  	[tilespmem:$0xEFC0] =	vst v0  }
0x2a: {  	[tilespmem:$0xEFD0] =	vst v0  }
0x2b: {  	[tilespmem:$0xEFE0] =	vst v0  }
0x2c: {  	[tilespmem:$0xEFF0] =	vst v0  }
0x2d: {  	[tilespmem:$0xF000] =	vst v0  }
0x2e: {  	[tilespmem:$0xF010] =	vst v0  }
0x2f: {  	[tilespmem:$0xF020] =	vst v0  }
0x30: {  	[tilespmem:$0xF030] =	vst v0  }
0x31: {  	[tilespmem:$0xF040] =	vst v0  }
0x32: {  	[tilespmem:$0xF050] =	vst v0  }
0x33: {  	[tilespmem:$0xF060] =	vst v0  }
0x34: {  	[tilespmem:$0xF070] =	vst v0  }
0x35: {  	[tilespmem:$0xF080] =	vst v0  }
0x36: {  	[tilespmem:$0xF090] =	vst v0  }
0x37: {  	[tilespmem:$0xF0A0] =	vst v0  }
0x38: {  	[tilespmem:$0xF0B0] =	vst v0  }
0x39: {  	[tilespmem:$0xF0C0] =	vst v0  }
0x3a: {  	[tilespmem:$0xF0D0] =	vst v0  }
0x3b: {  	[tilespmem:$0xF0E0] =	vst v0  }
0x3c: {  	[tilespmem:$0xF0F0] =	vst v0  }
0x3d: {  	[spmem:s8] =	stream.linear.scatter [tilespmem:s14], [sflag:$0x3], $0x280, $0x38;
	[tilespmem:$0xFB00] =	vst v63  }
0x3e: {  	_ =	swait.ge [sflag:s15], $0x280  }
0x3f: {  	[sflag:s15] =	ssyncset.done $0x0  }
0x40: {  	[sflag:s15] =	ssyncadd.s32 $0xFFFFFD80  }
0x41: {  	[spmem:s9] =	stream.linear.scatter [tilespmem:s14], [sflag:$0x3], $0x280, $0x38;
	[tilespmem:$0xFB00] =	vst v63  }
0x42: {  	_ =	swait.ge [sflag:s15], $0x280  }
0x43: {  	[sflag:s15] =	ssyncset.done $0x0  }
0x44: {  	s26 =	simm.s32 $0x0;
	s28 =	simm.s32 $0x200;
	[sflag:s15] =	ssyncadd.s32 $0xFFFFFD80  }
.LBB2_2:
0x45: {  	p0 =	sne.s32 s28, $0x9A00;
	[tilespmem:s26+$0x9F70] =	vst v1  }
0x46: {  	[tilespmem:s26+$0x9F00] =	vst v1  }
0x47: {  	[tilespmem:s26+$0x9F10] =	vst v1  }
.Ltmp0:
0x48: {  	[tilespmem:s26+$0x9F20] =	vst v1;
	(pc) =	sbr.rel @p0 .LBB2_2-.Ltmp0, $4  }
0x49: {  	[tilespmem:s26+$0x9F30] =	vst v1  }
0x4a: {  	[tilespmem:s26+$0x9F40] =	vst v1  }
0x4b: {  	[tilespmem:s26+$0x9F50] =	vst v1  }
0x4c: {  	[tilespmem:s26+$0x9F60] =	vst v1;
	s26 =	sshra.s32 s28, $0x2;
	s28 =	sadd.s32 $0x200, s28  }
0x4d: {  	[tilespmem:s26+$0x9F70] =	vst v1  }
0x4e: {  	[tilespmem:s26+$0x9F00] =	vst v1  }
0x4f: {  	[tilespmem:s26+$0x9F10] =	vst v1  }
0x50: {  	[tilespmem:s26+$0x9F20] =	vst v1  }
0x51: {  	[tilespmem:s26+$0x9F30] =	vst v1  }
0x52: {  	[tilespmem:s26+$0x9F40] =	vst v1  }
0x53: {  	[tilespmem:s26+$0x9F50] =	vst v1  }
0x54: {  	[tilespmem:s26+$0x9F60] =	vst v1  }
0x55: {  	[tilespmem:$0xC600] =	vst v1  }
0x56: {  	s29 =	sadd.s32 $0x0, s13;
	_ =	swait.ge [sflag:s16], $0x5000  }
0x57: {  	s1 =	sand.u32 $0x7F, s6;
	s28 =	sand.u32 $0xFFFFFF00, s29;
	[sflag:s16] =	ssyncset.done $0x0  }
0x58: {  	s26 =	sor.u32 s1, s28;
	[sflag:s16] =	ssyncadd.s32 $0xFFFFB000  }
0x59: {  	v3 =	vld [tilespmem:s26+$0x0];
	_ =	sdelay $0x3  }
0x5a: {  	s28 =	simm.s32 $0x5020  }
0x5b: {  	[tilespmem:s28+$0xFFFFFFE0] =	vst v3  }
0x5c: {  	v3 =	vld [tilespmem:s26+$0x80];
	_ =	sdelay $0x2  }
0x5d: {  	s30 =	sadd.s32 $0x10, s6;
	s31 =	sadd.s32 $0x20, s29  }
0x5e: {  	s30 =	sand.u32 $0x7F, s30;
	s31 =	sand.u32 $0xFFFFFF00, s31;
	s26 =	simm.s32 $0x77A0  }
0x5f: {  	s30 =	sor.u32 s30, s31;
	[tilespmem:s26+$0xFFFFFFE0] =	vst v3  }
0x60: {  	v3 =	vld [tilespmem:s30+$0x0];
	_ =	sdelay $0x4  }
0x61: {  	[tilespmem:s28+$0xFFFFFFF0] =	vst v3  }
0x62: {  	v3 =	vld [tilespmem:s30+$0x80];
	_ =	sdelay $0x2  }
0x63: {  	s31 =	sadd.s32 $0x40, s29;
	s30 =	sadd.s32 $0x20, s6  }
0x64: {  	s31 =	sand.u32 $0xFFFFFF00, s31;
	s30 =	sand.u32 $0x7F, s30  }
0x65: {  	s30 =	sor.u32 s30, s31;
	[tilespmem:s26+$0xFFFFFFF0] =	vst v3  }
0x66: {  	v3 =	vld [tilespmem:s30+$0x0];
	_ =	sdelay $0x4  }
0x67: {  	[tilespmem:s28+$0x0] =	vst v3  }
0x68: {  	v3 =	vld [tilespmem:s30+$0x80];
	_ =	sdelay $0x2  }
0x69: {  	s31 =	sadd.s32 $0x60, s29;
	s30 =	sadd.s32 $0x30, s6  }
0x6a: {  	s31 =	sand.u32 $0xFFFFFF00, s31;
	s30 =	sand.u32 $0x7F, s30  }
0x6b: {  	s30 =	sor.u32 s30, s31;
	[tilespmem:s26+$0x0] =	vst v3  }
0x6c: {  	v3 =	vld [tilespmem:s30+$0x0];
	_ =	sdelay $0x4  }
0x6d: {  	[tilespmem:s28+$0x10] =	vst v3  }
0x6e: {  	v3 =	vld [tilespmem:s30+$0x80];
	_ =	sdelay $0x2  }
0x6f: {  	s29 =	sadd.s32 $0x80, s29;
	s30 =	sadd.s32 $0x40, s6  }
0x70: {  	s29 =	sand.u32 $0xFFFFFF00, s29;
	s30 =	sand.u32 $0x7F, s30  }
0x71: {  	s29 =	sor.u32 s30, s29;
	[tilespmem:s26+$0x10] =	vst v3  }
0x72: {  	v3 =	vld [tilespmem:s29+$0x0];
	_ =	sdelay $0x4  }
0x73: {  	[tilespmem:s28+$0x20] =	vst v3  }
0x74: {  	v3 =	vld [tilespmem:s29+$0x80];
	_ =	sdelay $0x2  }
0x75: {  	s31 =	simm.s32 $0x140;
	s30 =	sadd.s32 $0xA0, s13;
	s29 =	sadd.s32 $0x50, s6  }
.LBB2_4:
0x76: {  	p0 =	sne.s32 s31, $0x4D80;
	s1 =	sand.u32 $0x7F, s29;
	s0 =	sand.u32 $0xFFFFFF00, s30  }
0x77: {  	s0 =	sor.u32 s1, s0;
	[tilespmem:s26+$0x20] =	vst v3  }
0x78: {  	v3 =	vld [tilespmem:s0+$0x0];
	_ =	sdelay $0x3  }
0x79: {  	s28 =	sadd.s32 $0x50, s28  }
0x7a: {  	[tilespmem:s28+$0xFFFFFFE0] =	vst v3  }
0x7b: {  	v3 =	vld [tilespmem:s0+$0x80];
	_ =	sdelay $0x2  }
0x7c: {  	s1 =	sadd.s32 $0x20, s30;
	s0 =	sadd.s32 $0x10, s29  }
0x7d: {  	s26 =	sadd.s32 $0x50, s26;
	s1 =	sand.u32 $0xFFFFFF00, s1;
	s0 =	sand.u32 $0x7F, s0  }
0x7e: {  	s0 =	sor.u32 s0, s1;
	[tilespmem:s26+$0xFFFFFFE0] =	vst v3  }
0x7f: {  	v3 =	vld [tilespmem:s0+$0x0];
	_ =	sdelay $0x4  }
0x80: {  	[tilespmem:s28+$0xFFFFFFF0] =	vst v3  }
0x81: {  	v3 =	vld [tilespmem:s0+$0x80];
	_ =	sdelay $0x2  }
0x82: {  	s1 =	sadd.s32 $0x40, s30;
	s0 =	sadd.s32 $0x20, s29  }
0x83: {  	s1 =	sand.u32 $0xFFFFFF00, s1;
	s0 =	sand.u32 $0x7F, s0  }
0x84: {  	s0 =	sor.u32 s0, s1;
	[tilespmem:s26+$0xFFFFFFF0] =	vst v3  }
0x85: {  	v3 =	vld [tilespmem:s0+$0x0];
	_ =	sdelay $0x4  }
0x86: {  	[tilespmem:s28+$0x0] =	vst v3  }
0x87: {  	v3 =	vld [tilespmem:s0+$0x80];
	_ =	sdelay $0x2  }
0x88: {  	s1 =	sadd.s32 $0x60, s30;
	s0 =	sadd.s32 $0x30, s29  }
0x89: {  	s1 =	sand.u32 $0xFFFFFF00, s1;
	s0 =	sand.u32 $0x7F, s0  }
0x8a: {  	s0 =	sor.u32 s0, s1;
	[tilespmem:s26+$0x0] =	vst v3  }
0x8b: {  	v3 =	vld [tilespmem:s0+$0x0];
	_ =	sdelay $0x4  }
0x8c: {  	[tilespmem:s28+$0x10] =	vst v3  }
0x8d: {  	v3 =	vld [tilespmem:s0+$0x80];
	_ =	sdelay $0x2  }
0x8e: {  	s1 =	sadd.s32 $0x80, s30;
	s0 =	sadd.s32 $0x40, s29  }
0x8f: {  	s1 =	sand.u32 $0xFFFFFF00, s1;
	s0 =	sand.u32 $0x7F, s0  }
0x90: {  	s0 =	sor.u32 s0, s1;
	[tilespmem:s26+$0x10] =	vst v3  }
0x91: {  	v3 =	vld [tilespmem:s0+$0x0];
	_ =	sdelay $0x4  }
.Ltmp1:
0x92: {  	[tilespmem:s28+$0x20] =	vst v3;
	(pc) =	sbr.rel @p0 .LBB2_4-.Ltmp1, $2  }
0x93: {  	v3 =	vld [tilespmem:s0+$0x80];
	_ =	sdelay $0x2  }
0x94: {  	s30 =	sadd.s32 s31, s13;
	s31 =	sadd.s32 $0xA0, s31;
	s29 =	sadd.s32 $0x50, s29  }
0x95: {  	s0 =	sand.u32 $0x7F, s29;
	s1 =	sand.u32 $0xFFFFFF00, s30  }
0x96: {  	s0 =	sor.u32 s0, s1;
	[tilespmem:s26+$0x20] =	vst v3  }
0x97: {  	v3 =	vld [tilespmem:s0+$0x0];
	_ =	sdelay $0x3  }
0x98: {  	s1 =	sadd.s32 $0x50, s28  }
0x99: {  	[tilespmem:s1+$0xFFFFFFE0] =	vst v3  }
0x9a: {  	v3 =	vld [tilespmem:s0+$0x80];
	_ =	sdelay $0x2  }
0x9b: {  	s31 =	sadd.s32 $0x20, s30;
	s0 =	sadd.s32 $0x10, s29  }
0x9c: {  	s28 =	sand.u32 $0xFFFFFF00, s31;
	s26 =	sadd.s32 $0x50, s26;
	s0 =	sand.u32 $0x7F, s0  }
0x9d: {  	s0 =	sor.u32 s0, s28;
	[tilespmem:s26+$0xFFFFFFE0] =	vst v3  }
0x9e: {  	v3 =	vld [tilespmem:s0+$0x0];
	_ =	sdelay $0x4  }
0x9f: {  	[tilespmem:s1+$0xFFFFFFF0] =	vst v3  }
0xa0: {  	v3 =	vld [tilespmem:s0+$0x80];
	_ =	sdelay $0x2  }
0xa1: {  	s31 =	sadd.s32 $0x40, s30;
	s0 =	sadd.s32 $0x20, s29  }
0xa2: {  	s28 =	sand.u32 $0xFFFFFF00, s31;
	s0 =	sand.u32 $0x7F, s0  }
0xa3: {  	s0 =	sor.u32 s0, s28;
	[tilespmem:s26+$0xFFFFFFF0] =	vst v3  }
0xa4: {  	v3 =	vld [tilespmem:s0+$0x0];
	_ =	sdelay $0x4  }
0xa5: {  	[tilespmem:s1+$0x0] =	vst v3  }
0xa6: {  	v3 =	vld [tilespmem:s0+$0x80];
	_ =	sdelay $0x2  }
0xa7: {  	s31 =	sadd.s32 $0x60, s30;
	s0 =	sadd.s32 $0x30, s29  }
0xa8: {  	s28 =	sand.u32 $0xFFFFFF00, s31;
	s0 =	sand.u32 $0x7F, s0  }
0xa9: {  	s0 =	sor.u32 s0, s28;
	[tilespmem:s26+$0x0] =	vst v3  }
0xaa: {  	v3 =	vld [tilespmem:s0+$0x0];
	_ =	sdelay $0x4  }
0xab: {  	[tilespmem:s1+$0x10] =	vst v3  }
0xac: {  	v3 =	vld [tilespmem:s0+$0x80];
	_ =	sdelay $0x2  }
0xad: {  	s31 =	sadd.s32 $0x80, s30;
	s29 =	sadd.s32 $0x40, s29  }
0xae: {  	s28 =	sand.u32 $0xFFFFFF00, s31;
	s0 =	sand.u32 $0x7F, s29  }
0xaf: {  	s0 =	sor.u32 s0, s28;
	[tilespmem:s26+$0x10] =	vst v3  }
0xb0: {  	v3 =	vld [tilespmem:s0+$0x0];
	_ =	sdelay $0x4  }
0xb1: {  	[tilespmem:s1+$0x20] =	vst v3  }
0xb2: {  	v3 =	vld [tilespmem:s0+$0x80];
	_ =	sdelay $0x4  }
0xb3: {  	[tilespmem:s26+$0x20] =	vst v3  }
0xb4: {  	s26 =	simm.s32 $0x0;
	[bflag:$0x0] =	sbarrier.arrive $0xFFFF  }
.LBB2_6:
0xb5: {  	p0 =	sne.s32 s26, $0x4C00  }
.Ltmp2:
0xb6: {  	_ = 	snop;
	(pc) =	sbr.rel @p0 .LBB2_6-.Ltmp2, $4  }
0xb7: {  	_ = 	snop  }
0xb8: {  	s0 =	sshra.s32 s26, $0x2  }
0xb9: {  	s26 =	sadd.s32 $0x200, s26;
	s1 =	sadd.s32 $0x9F00, s0;
	s0 =	sadd.s32 $0x5000, s0  }
0xba: {  	[spmem:s2] =	stream.indirect.scatter.add.f32 [tilespmem:s1], [sflag:$0x2], $0x1, s0, s17, $0xb8;
	[tilespmem:$0xFB00] =	vst v63  }
0xbb: {  	s26 =	simm.s32 $0x27  }
.LBB2_8:
0xbc: {  	p0 =	sne.s32 s26, $0x1  }
.Ltmp3:
0xbd: {  	_ = 	snop;
	(pc) =	sbr.rel @p0 .LBB2_8-.Ltmp3, $4  }
0xbe: {  	_ = 	snop  }
0xbf: {  	_ =	swait.ge [sflag:s18], $0x80  }
0xc0: {  	[sflag:s18] =	ssyncset.done $0x0  }
0xc1: {  	s26 =	sadd.s32 $0xFFFFFFFF, s26;
	[sflag:s18] =	ssyncadd.s32 $0xFFFFFF80  }
0xc2: {  	s26 =	simm.s32 $0x0  }
.LBB2_10:
0xc3: {  	p0 =	sne.s32 s26, $0x4C00  }
.Ltmp4:
0xc4: {  	_ = 	snop;
	(pc) =	sbr.rel @p0 .LBB2_10-.Ltmp4, $4  }
0xc5: {  	_ = 	snop  }
0xc6: {  	s0 =	sshra.s32 s26, $0x2  }
0xc7: {  	s26 =	sadd.s32 $0x200, s26;
	s1 =	sadd.s32 $0xB280, s0;
	s0 =	sadd.s32 $0x6380, s0  }
0xc8: {  	[spmem:s2] =	stream.indirect.scatter.add.f32 [tilespmem:s1], [sflag:$0x2], $0x1, s0, s17, $0xb8;
	[tilespmem:$0xFB00] =	vst v63  }
0xc9: {  	_ =	swait.ge [sflag:s18], $0x80  }
0xca: {  	s26 =	simm.s32 $0x26;
	[sflag:s18] =	ssyncset.done $0x0  }
.LBB2_12:
0xcb: {  	p0 =	sne.s32 s26, $0x1;
	s26 =	sadd.s32 $0xFFFFFFFF, s26;
	[sflag:s18] =	ssyncadd.s32 $0xFFFFFF80  }
.Ltmp5:
0xcc: {  	(pc) =	sbr.rel @p0 .LBB2_12-.Ltmp5, $3  }
0xcd: {  	_ =	sdelay $0x1  }
0xce: {  	_ =	swait.ge [sflag:s18], $0x80  }
0xcf: {  	[sflag:s18] =	ssyncset.done $0x0  }
0xd0: {  	[sflag:s18] =	ssyncadd.s32 $0xFFFFFF80  }
0xd1: {  	[spmem:s2] =	stream.indirect.scatter.add.f32 [tilespmem:s21], [sflag:$0x3], $0x1, s20, s19, $0xb8;
	[tilespmem:$0xFB00] =	vst v63  }
0xd2: {  	_ =	swait.ge [sflag:s15], $0x10  }
0xd3: {  	[sflag:s15] =	ssyncset.done $0x0  }
0xd4: {  	[sflag:s15] =	ssyncadd.s32 $0xFFFFFFF0  }
0xd5: {  	[bflag:$0x0] =	sbarrier.arrive $0xFFFF  }
0xd6: {  	[tilespmem:s14], [sflag:$0x3] =	stream.linear.gather [spmem:s8], $0x280, $0x38;
	[tilespmem:$0xFB00] =	vst v63  }
0xd7: {  	_ =	swait.ge [sflag:s15], $0x280  }
0xd8: {  	[sflag:s15] =	ssyncset.done $0x0  }
0xd9: {  	s26 =	simm.s32 $0x0;
	[sflag:s15] =	ssyncadd.s32 $0xFFFFFD80  }
0xda: {  	v5 =	vld [tilespmem:s26+$0xEE80];
	_ =	sdelay $0x4  }
0xdb: {  	vm0 =	vlt.f32 v5, $4.096000000e+03  }
0xdc: {  	v19 =	vmul.f32 $5.000000000e-01, v5;
	vm1 =	vlt.f32 v5, $6.400000000e+01;
	v3 =	vsel vm0, $0x3C800000, v2  }
0xdd: {  	v3 =	vsel vm1, $0x3E000000, v3  }
0xde: {  	v4 =	vmul.f32 v3, v19;
	_ =	sdelay $0x1  }
0xdf: {  	v4 =	vmul.f32 v4, v3;
	_ =	sdelay $0x1  }
0xe0: {  	v4 =	vsub.f32 $1.500000000e+00, v4;
	_ =	sdelay $0x1  }
0xe1: {  	v3 =	vmul.f32 v4, v3;
	_ =	sdelay $0x1  }
0xe2: {  	v4 =	vmul.f32 v3, v19;
	_ =	sdelay $0x1  }
0xe3: {  	v6 =	vld [tilespmem:s26+$0xEE90];
	v4 =	vmul.f32 v4, v3;
	_ =	sdelay $0x1  }
0xe4: {  	v4 =	vsub.f32 $1.500000000e+00, v4;
	_ =	sdelay $0x1  }
0xe5: {  	v3 =	vmul.f32 v4, v3  }
0xe6: {  	vm14 =	vlt.f32 v6, $4.096000000e+03;
	vm15 =	vlt.f32 v6, $6.400000000e+01  }
0xe7: {  	v18 =	vmul.f32 $5.000000000e-01, v6;
	v4 =	vsel vm14, $0x3C800000, v2;
	v7 =	vmul.f32 v3, v19  }
0xe8: {  	s28 =	simm.s32 $0x20;
	v8 =	vsel vm15, $0x3E000000, v4  }
0xe9: {  	v4 =	vld [tilespmem:s28+$0xEE80];
	v9 =	vmul.f32 v8, v18;
	v7 =	vmul.f32 v7, v3;
	_ =	sdelay $0x1  }
0xea: {  	v9 =	vmul.f32 v9, v8;
	v7 =	vsub.f32 $1.500000000e+00, v7;
	_ =	sdelay $0x1  }
0xeb: {  	v9 =	vsub.f32 $1.500000000e+00, v9;
	v7 =	vmul.f32 v7, v3  }
0xec: {  	vm4 =	vlt.f32 v4, $4.096000000e+03;
	v10 =	vmul.f32 $5.000000000e-01, v4;
	vm5 =	vlt.f32 v4, $6.400000000e+01  }
0xed: {  	v11 =	vsel vm4, $0x3C800000, v2;
	v8 =	vmul.f32 v9, v8;
	v3 =	vld [tilespmem:s28+$0xEE90];
	v9 =	vmul.f32 v7, v19  }
0xee: {  	v11 =	vsel vm5, $0x3E000000, v11  }
0xef: {  	v13 =	vmul.f32 v11, v10;
	v9 =	vmul.f32 v9, v7  }
0xf0: {  	v12 =	vmul.f32 v8, v18  }
0xf1: {  	v13 =	vmul.f32 v13, v11;
	v9 =	vsub.f32 $1.500000000e+00, v9  }
0xf2: {  	v12 =	vmul.f32 v12, v8;
	vm6 =	vlt.f32 v3, $4.096000000e+03  }
0xf3: {  	v13 =	vsub.f32 $1.500000000e+00, v13;
	vm7 =	vlt.f32 v3, $6.400000000e+01;
	v7 =	vmul.f32 v9, v7  }
0xf4: {  	v12 =	vsub.f32 $1.500000000e+00, v12;
	v14 =	vsel vm6, $0x3C800000, v2;
	v9 =	vmul.f32 $5.000000000e-01, v3  }
0xf5: {  	v14 =	vsel vm7, $0x3E000000, v14;
	v11 =	vmul.f32 v13, v11;
	v13 =	vmul.f32 v7, v19  }
0xf6: {  	v8 =	vmul.f32 v12, v8;
	v12 =	vmul.f32 v14, v9  }
0xf7: {  	v15 =	vmul.f32 v11, v10;
	v13 =	vmul.f32 v13, v7  }
0xf8: {  	v16 =	vmul.f32 v8, v18;
	v12 =	vmul.f32 v12, v14  }
0xf9: {  	v15 =	vmul.f32 v15, v11;
	v13 =	vsub.f32 $1.500000000e+00, v13  }
0xfa: {  	v16 =	vmul.f32 v16, v8;
	v12 =	vsub.f32 $1.500000000e+00, v12  }
0xfb: {  	v15 =	vsub.f32 $1.500000000e+00, v15;
	v13 =	vmul.f32 v13, v7  }
0xfc: {  	v7 =	vsub.f32 $1.500000000e+00, v16;
	v12 =	vmul.f32 v12, v14  }
0xfd: {  	s29 =	simm.s32 $0x40;
	v14 =	vmul.f32 v15, v11;
	v11 =	vmul.f32 v13, v19  }
0xfe: {  	v15 =	vmul.f32 v7, v8;
	v8 =	vmul.f32 v12, v9;
	v7 =	vld [tilespmem:s29+$0xEE80]  }
0xff: {  	v16 =	vmul.f32 v14, v10;
	v11 =	vmul.f32 v11, v13  }
0x100: {  	v17 =	vmul.f32 v15, v18;
	v20 =	vmul.f32 v8, v12  }
0x101: {  	v16 =	vmul.f32 v16, v14;
	v8 =	vld [tilespmem:s29+$0xEE90]  }
0x102: {  	v11 =	vsub.f32 $1.500000000e+00, v11;
	v17 =	vmul.f32 v17, v15;
	v20 =	vsub.f32 $1.500000000e+00, v20  }
0x103: {  	v16 =	vsub.f32 $1.500000000e+00, v16;
	vm8 =	vlt.f32 v7, $4.096000000e+03;
	vm9 =	vlt.f32 v7, $6.400000000e+01  }
0x104: {  	v13 =	vmul.f32 v11, v13;
	v11 =	vmul.f32 $5.000000000e-01, v7;
	v21 =	vsel vm8, $0x3C800000, v2  }
0x105: {  	v20 =	vmul.f32 v20, v12;
	v14 =	vmul.f32 v16, v14;
	v16 =	vsel vm9, $0x3E000000, v21  }
0x106: {  	vm10 =	vlt.f32 v8, $4.096000000e+03;
	vm11 =	vlt.f32 v8, $6.400000000e+01;
	v22 =	vmul.f32 v16, v11  }
0x107: {  	v12 =	vmul.f32 $5.000000000e-01, v8;
	v21 =	vmul.f32 v13, v19;
	v23 =	vsel vm10, $0x3C800000, v2  }
0x108: {  	v24 =	vmul.f32 v14, v10;
	v23 =	vsel vm11, $0x3E000000, v23;
	v22 =	vmul.f32 v22, v16  }
0x109: {  	v17 =	vsub.f32 $1.500000000e+00, v17;
	v21 =	vmul.f32 v21, v13;
	v25 =	vmul.f32 v23, v12  }
0x10a: {  	v26 =	vmul.f32 v20, v9;
	v24 =	vmul.f32 v24, v14;
	v22 =	vsub.f32 $1.500000000e+00, v22  }
0x10b: {  	v15 =	vmul.f32 v17, v15;
	v21 =	vsub.f32 $1.500000000e+00, v21;
	v17 =	vmul.f32 v25, v23  }
0x10c: {  	v25 =	vmul.f32 v26, v20;
	v24 =	vsub.f32 $1.500000000e+00, v24;
	v16 =	vmul.f32 v22, v16  }
0x10d: {  	v13 =	vmul.f32 v21, v13;
	v21 =	vmul.f32 v15, v18;
	v17 =	vsub.f32 $1.500000000e+00, v17  }
0x10e: {  	v14 =	vmul.f32 v24, v14;
	v22 =	vmul.f32 v16, v11  }
0x10f: {  	v21 =	vmul.f32 v21, v15;
	v17 =	vmul.f32 v17, v23  }
0x110: {  	v23 =	vmul.f32 v14, v10;
	v22 =	vmul.f32 v22, v16  }
0x111: {  	v24 =	vsub.f32 $1.500000000e+00, v25;
	v21 =	vsub.f32 $1.500000000e+00, v21;
	v25 =	vmul.f32 v17, v12  }
0x112: {  	v26 =	vmul.f32 v13, v19;
	v23 =	vmul.f32 v23, v14;
	v22 =	vsub.f32 $1.500000000e+00, v22  }
0x113: {  	v15 =	vmul.f32 v21, v15;
	v21 =	vmul.f32 v25, v17  }
0x114: {  	v20 =	vmul.f32 v24, v20;
	v16 =	vmul.f32 v22, v16;
	v22 =	vsub.f32 $1.500000000e+00, v23  }
0x115: {  	v23 =	vmul.f32 v26, v13;
	v24 =	vmul.f32 v15, v18;
	v21 =	vsub.f32 $1.500000000e+00, v21  }
0x116: {  	v25 =	vmul.f32 v16, v11;
	v14 =	vmul.f32 v22, v14  }
0x117: {  	v22 =	vsub.f32 $1.500000000e+00, v23;
	v23 =	vmul.f32 v24, v15;
	v17 =	vmul.f32 v21, v17  }
0x118: {  	v21 =	vmul.f32 v25, v16;
	v24 =	vmul.f32 v14, v10  }
0x119: {  	v22 =	vmul.f32 v22, v13;
	v13 =	vmul.f32 v17, v12  }
0x11a: {  	v25 =	vmul.f32 v20, v9;
	v23 =	vsub.f32 $1.500000000e+00, v23;
	v24 =	vmul.f32 v24, v14  }
0x11b: {  	v21 =	vsub.f32 $1.500000000e+00, v21;
	v26 =	vmul.f32 v22, v19;
	v13 =	vmul.f32 v13, v17  }
0x11c: {  	v25 =	vmul.f32 v25, v20;
	v23 =	vmul.f32 v23, v15;
	v24 =	vsub.f32 $1.500000000e+00, v24  }
0x11d: {  	v21 =	vmul.f32 v21, v16;
	v15 =	vmul.f32 v26, v22  }
0x11e: {  	s30 =	simm.s32 $0x60;
	v13 =	vsub.f32 $1.500000000e+00, v13;
	v25 =	vsub.f32 $1.500000000e+00, v25;
	v16 =	vmul.f32 v24, v14  }
0x11f: {  	v24 =	vmul.f32 v23, v18;
	v14 =	vld [tilespmem:s30+$0xEE80];
	v26 =	vmul.f32 v21, v11  }
0x120: {  	v17 =	vmul.f32 v13, v17;
	v20 =	vmul.f32 v25, v20  }
0x121: {  	v15 =	vsub.f32 $1.500000000e+00, v15;
	v13 =	vld [tilespmem:s30+$0xEE90];
	v27 =	vmul.f32 v16, v10;
	v24 =	vmul.f32 v24, v23  }
0x122: {  	v26 =	vmul.f32 v26, v21;
	v28 =	vmul.f32 v17, v12  }
0x123: {  	v22 =	vmul.f32 v15, v22;
	v27 =	vmul.f32 v27, v16;
	v24 =	vsub.f32 $1.500000000e+00, v24  }
0x124: {  	v26 =	vsub.f32 $1.500000000e+00, v26;
	vm12 =	vlt.f32 v14, $4.096000000e+03;
	v15 =	vmul.f32 $5.000000000e-01, v14  }
0x125: {  	vm13 =	vlt.f32 v14, $6.400000000e+01;
	v27 =	vsub.f32 $1.500000000e+00, v27;
	v29 =	vsel vm12, $0x3C800000, v2  }
0x126: {  	vm14 =	vlt.f32 v13, $4.096000000e+03;
	v23 =	vmul.f32 v24, v23;
	v24 =	vsel vm13, $0x3E000000, v29  }
0x127: {  	vm15 =	vlt.f32 v13, $6.400000000e+01;
	v29 =	vmul.f32 v24, v15;
	v27 =	vmul.f32 v27, v16  }
0x128: {  	v30 =	vsel vm14, $0x3C800000, v2;
	v16 =	vmul.f32 $5.000000000e-01, v13;
	v31 =	vmul.f32 v23, v18  }
0x129: {  	v33 =	vmul.f32 v22, v19;
	v30 =	vsel vm15, $0x3E000000, v30;
	v29 =	vmul.f32 v29, v24  }
0x12a: {  	v31 =	vmul.f32 v31, v23;
	v34 =	vmul.f32 v30, v16  }
0x12b: {  	v28 =	vmul.f32 v28, v17;
	v25 =	vmul.f32 v26, v21;
	v29 =	vsub.f32 $1.500000000e+00, v29  }
0x12c: {  	v33 =	vmul.f32 v33, v22;
	v21 =	vsub.f32 $1.500000000e+00, v31;
	v31 =	vmul.f32 v34, v30  }
0x12d: {  	v24 =	vmul.f32 v29, v24;
	v29 =	vmul.f32 v20, v9  }
0x12e: {  	v57 =	vmul.f32 v25, v11;
	v23 =	vmul.f32 v21, v23;
	v31 =	vsub.f32 $1.500000000e+00, v31  }
0x12f: {  	v21 =	vmul.f32 v24, v15;
	v29 =	vmul.f32 v29, v20  }
0x130: {  	v58 =	vmul.f32 v23, v18;
	v30 =	vmul.f32 v31, v30  }
0x131: {  	v33 =	vsub.f32 $1.500000000e+00, v33;
	v32 =	vmul.f32 v27, v10;
	v21 =	vmul.f32 v21, v24  }
0x132: {  	v29 =	vsub.f32 $1.500000000e+00, v29;
	v31 =	vmul.f32 v58, v23;
	v59 =	vmul.f32 v30, v16  }
0x133: {  	v26 =	vmul.f32 v32, v27;
	v32 =	vmul.f32 v57, v25;
	v21 =	vsub.f32 $1.500000000e+00, v21  }
0x134: {  	v35 =	vmul.f32 v29, v20;
	v20 =	vsub.f32 $1.500000000e+00, v31;
	v29 =	vmul.f32 v59, v30  }
0x135: {  	v24 =	vmul.f32 v21, v24;
	v21 =	vmul.f32 v33, v22;
	v22 =	vsub.f32 $1.500000000e+00, v32  }
0x136: {  	v31 =	vmul.f32 v35, v9;
	v23 =	vmul.f32 v20, v23  }
0x137: {  	v20 =	vsub.f32 $1.500000000e+00, v26;
	v60 =	vmul.f32 v24, v15;
	v61 =	vmul.f32 v22, v25  }
0x138: {  	v29 =	vsub.f32 $1.500000000e+00, v29;
	v25 =	vmul.f32 v31, v35;
	v31 =	vmul.f32 v23, v18  }
0x139: {  	v22 =	vmul.f32 v20, v27;
	v26 =	vmul.f32 v60, v24  }
0x13a: {  	v27 =	vmul.f32 v29, v30;
	v30 =	vmul.f32 v21, v19  }
0x13b: {  	v62 =	vmul.f32 v61, v11;
	v20 =	vsub.f32 $1.500000000e+00, v26  }
0x13c: {  	v19 =	vsub.f32 $1.500000000e+00, v28;
	v28 =	vmul.f32 v30, v21;
	v26 =	vmul.f32 v31, v23  }
0x13d: {  	v25 =	vsub.f32 $1.500000000e+00, v25;
	v29 =	vmul.f32 v62, v61;
	v20 =	vmul.f32 v20, v24  }
0x13e: {  	v31 =	vmul.f32 v22, v10;
	v24 =	vsub.f32 $1.500000000e+00, v26;
	v26 =	vmul.f32 v27, v16  }
0x13f: {  	v25 =	vmul.f32 v25, v35;
	v30 =	vmul.f32 v20, v15  }
0x140: {  	v24 =	vmul.f32 v24, v23;
	v23 =	vsub.f32 $1.500000000e+00, v29;
	v63 =	vmul.f32 v26, v27  }
0x141: {  	v28 =	vsub.f32 $1.500000000e+00, v28;
	v29 =	vmul.f32 v31, v22;
	v26 =	vmul.f32 v30, v20  }
0x142: {  	s31 =	simm.s32 $0x200;
	v31 =	vsub.f32 $1.500000000e+00, v63;
	v23 =	vmul.f32 v23, v61;
	v30 =	vmul.f32 v24, v18  }
.LBB2_14:
0x143: {  	s0 =	sshra.s32 s31, $0x2;
	p0 =	sne.s32 s31, $0x980;
	s31 =	sadd.s32 $0x80, s31;
	v29 =	vsub.f32 $1.500000000e+00, v29;
	v32 =	vmul.f32 v25, v9;
	v21 =	vmul.f32 v28, v21;
	v18 =	vmovc v16  }
0x144: {  	vm0 =	vgt.f32 v5, $5.000000000e-01;
	v5 =	vmovc v4;
	v4 =	vmovc v7;
	v16 =	vld [tilespmem:s0+$0xEE80];
	v27 =	vmul.f32 v31, v27;
	v28 =	vmul.f32 v30, v24  }
0x145: {  	v7 =	vmovc v14;
	v31 =	vmul.f32 v23, v11;
	v30 =	vld [tilespmem:s0+$0xEE90];
	v32 =	vmul.f32 v32, v25;
	v21 =	vnsel vm0, $0x0, v21  }
0x146: {  	v22 =	vmul.f32 v29, v22;
	v33 =	vmul.f32 v27, v18;
	[tilespmem:s26+$0xF100] =	vst v21;
	v21 =	vsub.f32 $1.500000000e+00, v28  }
0x147: {  	v28 =	vmul.f32 v31, v23;
	v29 =	vsub.f32 $1.500000000e+00, v32  }
0x148: {  	vm0 =	vgt.f32 v6, $5.000000000e-01;
	v6 =	vmovc v3;
	v3 =	vmovc v8;
	v31 =	vmul.f32 v33, v27;
	v21 =	vmul.f32 v21, v24  }
0x149: {  	v8 =	vmovc v13;
	v28 =	vsub.f32 $1.500000000e+00, v28;
	vm1 =	vlt.f32 v16, $4.096000000e+03;
	v24 =	vmul.f32 $5.000000000e-01, v16;
	v14 =	vmovc v16  }
0x14a: {  	v25 =	vmul.f32 v29, v25;
	vm2 =	vlt.f32 v14, $6.400000000e+01;
	v16 =	vsel vm1, $0x3C800000, v2;
	v13 =	vmovc v30  }
0x14b: {  	v29 =	vsel vm2, $0x3E000000, v16;
	vm1 =	vlt.f32 v13, $4.096000000e+03;
	v16 =	vnsel vm0, $0x0, v21  }
0x14c: {  	v23 =	vmul.f32 v28, v23;
	v21 =	vmul.f32 v29, v24;
	v30 =	vsel vm1, $0x3C800000, v2;
	[tilespmem:s26+$0xF110] =	vst v16;
	s26 =	smov.u32 s28;
	s28 =	smov.u32 s29;
	s29 =	smov.u32 s30  }
0x14d: {  	vm0 =	vlt.f32 v13, $6.400000000e+01;
	v28 =	vmul.f32 v25, v9;
	v16 =	vmul.f32 $5.000000000e-01, v13;
	s30 =	smov.u32 s0  }
0x14e: {  	v32 =	vmul.f32 v23, v11;
	v30 =	vsel vm0, $0x3E000000, v30;
	v21 =	vmul.f32 v21, v29  }
0x14f: {  	v26 =	vsub.f32 $1.500000000e+00, v26;
	v33 =	vmul.f32 v22, v10;
	v28 =	vmul.f32 v28, v25  }
0x150: {  	v19 =	vmul.f32 v19, v17;
	v17 =	vmovc v27;
	v34 =	vmul.f32 v30, v16;
	v21 =	vsub.f32 $1.500000000e+00, v21  }
0x151: {  	v20 =	vmul.f32 v26, v20;
	v26 =	vmul.f32 v32, v23;
	v27 =	vsub.f32 $1.500000000e+00, v28  }
0x152: {  	v28 =	vmul.f32 v19, v12;
	v21 =	vmul.f32 v21, v29  }
0x153: {  	v26 =	vsub.f32 $1.500000000e+00, v26;
	v25 =	vmul.f32 v27, v25;
	v29 =	vmul.f32 v34, v30  }
0x154: {  	v28 =	vmul.f32 v28, v19;
	v27 =	vmul.f32 v21, v24  }
0x155: {  	v32 =	vmul.f32 v20, v15;
	v34 =	vmul.f32 v25, v9;
	v29 =	vsub.f32 $1.500000000e+00, v29  }
0x156: {  	v33 =	vmul.f32 v33, v22;
	v27 =	vmul.f32 v27, v21  }
0x157: {  	v28 =	vsub.f32 $1.500000000e+00, v28;
	v29 =	vmul.f32 v29, v30;
	v30 =	vmul.f32 v34, v25  }
0x158: {  	v33 =	vsub.f32 $1.500000000e+00, v33;
	v32 =	vmul.f32 v32, v20;
	v27 =	vsub.f32 $1.500000000e+00, v27  }
0x159: {  	v35 =	vmul.f32 v28, v19;
	v34 =	vmul.f32 v29, v16;
	v19 =	vsub.f32 $1.500000000e+00, v30  }
0x15a: {  	v28 =	vmul.f32 v27, v21;
	v27 =	vsub.f32 $1.500000000e+00, v32;
	v21 =	vmul.f32 v33, v22  }
0x15b: {  	v30 =	vmul.f32 v35, v12;
	v22 =	vmul.f32 v34, v29  }
0x15c: {  	v25 =	vmul.f32 v19, v25;
	v32 =	vmul.f32 v28, v24  }
0x15d: {  	v33 =	vmul.f32 v27, v20;
	v20 =	vmul.f32 v30, v35  }
0x15e: {  	v30 =	vsub.f32 $1.500000000e+00, v22;
	v27 =	vmul.f32 v32, v28;
	v32 =	vmul.f32 v25, v9  }
0x15f: {  	v19 =	vsub.f32 $1.500000000e+00, v31;
	v22 =	vmul.f32 v26, v23;
	v34 =	vmul.f32 v33, v15  }
0x160: {  	v23 =	vsub.f32 $1.500000000e+00, v27;
	v27 =	vmul.f32 v30, v29;
	v26 =	vmul.f32 v32, v25  }
0x161: {  	v31 =	vmul.f32 v21, v10;
	v10 =	vmovc v11;
	v11 =	vmovc v15;
	v29 =	vmul.f32 v34, v33;
	v30 =	vsub.f32 $1.500000000e+00, v20  }
0x162: {  	v15 =	vmovc v24;
	v20 =	vmul.f32 v23, v28;
	v23 =	vmul.f32 v22, v10;
	v26 =	vsub.f32 $1.500000000e+00, v26  }
.Ltmp6:
0x163: {  	v31 =	vmul.f32 v31, v21;
	v28 =	vmul.f32 v27, v16;
	(pc) =	sbr.rel @p0 .LBB2_14-.Ltmp6, $4  }
0x164: {  	v34 =	vsub.f32 $1.500000000e+00, v29;
	v32 =	vmul.f32 v20, v15;
	v24 =	vmul.f32 v26, v25  }
0x165: {  	v36 =	vmul.f32 v28, v27;
	v29 =	vmul.f32 v23, v22;
	v28 =	vsub.f32 $1.500000000e+00, v31  }
0x166: {  	v25 =	vmul.f32 v30, v35;
	v26 =	vmul.f32 v32, v20  }
0x167: {  	v23 =	vmul.f32 v34, v33;
	v31 =	vsub.f32 $1.500000000e+00, v36;
	v30 =	vmul.f32 v24, v9;
	v9 =	vmovc v12;
	v12 =	vmovc v18  }
0x168: {  	_ = 	snop  }
0x169: {  	v18 =	vmul.f32 v31, v27;
	_ =	sdelay $0x1  }
0x16a: {  	v27 =	vmul.f32 v18, v16;
	_ =	sdelay $0x1  }
0x16b: {  	v27 =	vmul.f32 v27, v18  }
0x16c: {  	v26 =	vsub.f32 $1.500000000e+00, v26  }
0x16d: {  	v17 =	vmul.f32 v19, v17;
	v46 =	vsub.f32 $1.500000000e+00, v27  }
0x16e: {  	v20 =	vmul.f32 v26, v20  }
0x16f: {  	v47 =	vmul.f32 v17, v12;
	v18 =	vmul.f32 v46, v18  }
0x170: {  	v49 =	vmul.f32 v20, v15  }
0x171: {  	v26 =	vmul.f32 v47, v17;
	v50 =	vmul.f32 v18, v16  }
0x172: {  	v48 =	vmul.f32 v25, v9;
	v27 =	vmul.f32 v49, v20  }
0x173: {  	v29 =	vsub.f32 $1.500000000e+00, v29;
	v26 =	vsub.f32 $1.500000000e+00, v26;
	v52 =	vmul.f32 v50, v18  }
0x174: {  	v21 =	vmul.f32 v28, v21;
	v53 =	vmul.f32 v23, v11;
	v27 =	vsub.f32 $1.500000000e+00, v27  }
0x175: {  	v19 =	vmul.f32 v48, v25;
	v17 =	vmul.f32 v26, v17;
	v54 =	vsub.f32 $1.500000000e+00, v52  }
0x176: {  	v22 =	vmul.f32 v29, v22;
	v20 =	vmul.f32 v27, v20  }
0x177: {  	v56 =	vmul.f32 v17, v12;
	v18 =	vmul.f32 v54, v18  }
0x178: {  	v55 =	vmul.f32 v53, v23;
	v19 =	vsub.f32 $1.500000000e+00, v19;
	v57 =	vmul.f32 v20, v15  }
0x179: {  	v58 =	vmul.f32 v56, v17;
	v59 =	vmul.f32 v18, v16  }
0x17a: {  	v19 =	vmul.f32 v19, v25;
	v25 =	vmul.f32 v57, v20  }
0x17b: {  	v29 =	vsub.f32 $1.500000000e+00, v55;
	v26 =	vsub.f32 $1.500000000e+00, v58;
	v27 =	vmul.f32 v59, v18  }
0x17c: {  	v51 =	vmul.f32 v30, v24;
	v60 =	vmul.f32 v19, v9;
	v25 =	vsub.f32 $1.500000000e+00, v25  }
0x17d: {  	v63 =	vmul.f32 v29, v23;
	v17 =	vmul.f32 v26, v17;
	v62 =	vsub.f32 $1.500000000e+00, v27  }
0x17e: {  	v30 =	vmul.f32 v60, v19;
	v20 =	vmul.f32 v25, v20  }
0x17f: {  	v34 =	vmul.f32 v17, v12;
	v18 =	vmul.f32 v62, v18  }
0x180: {  	v29 =	vmul.f32 v63, v11;
	v33 =	vsub.f32 $1.500000000e+00, v30;
	v35 =	vmul.f32 v20, v15  }
0x181: {  	v25 =	vmul.f32 v34, v17;
	v36 =	vmul.f32 v18, v16  }
0x182: {  	v28 =	vsub.f32 $1.500000000e+00, v51;
	v19 =	vmul.f32 v33, v19;
	v26 =	vmul.f32 v35, v20  }
0x183: {  	v38 =	vmul.f32 v22, v10;
	v25 =	vsub.f32 $1.500000000e+00, v25;
	v27 =	vmul.f32 v36, v18  }
0x184: {  	v29 =	vmul.f32 v29, v63;
	v37 =	vmul.f32 v19, v9;
	v26 =	vsub.f32 $1.500000000e+00, v26  }
0x185: {  	v61 =	vmul.f32 v28, v24;
	v17 =	vmul.f32 v25, v17;
	v39 =	vsub.f32 $1.500000000e+00, v27  }
0x186: {  	v29 =	vsub.f32 $1.500000000e+00, v29;
	v28 =	vmul.f32 v37, v19;
	v20 =	vmul.f32 v26, v20  }
0x187: {  	v41 =	vmul.f32 v17, v12;
	v18 =	vmul.f32 v39, v18  }
0x188: {  	v23 =	vmul.f32 v29, v63;
	v42 =	vmul.f32 v20, v15  }
0x189: {  	v28 =	vsub.f32 $1.500000000e+00, v28;
	v26 =	vmul.f32 v41, v17;
	v43 =	vmul.f32 v18, v16  }
0x18a: {  	v47 =	vmul.f32 v23, v11;
	v25 =	vmul.f32 v42, v20  }
0x18b: {  	v19 =	vmul.f32 v28, v19;
	v26 =	vsub.f32 $1.500000000e+00, v26;
	v28 =	vmul.f32 v43, v18  }
0x18c: {  	v40 =	vmul.f32 v38, v22;
	v25 =	vsub.f32 $1.500000000e+00, v25  }
0x18d: {  	v49 =	vmul.f32 v47, v23;
	v17 =	vmul.f32 v26, v17;
	v46 =	vsub.f32 $1.500000000e+00, v28  }
0x18e: {  	v44 =	vmul.f32 v19, v9;
	v20 =	vmul.f32 v25, v20  }
0x18f: {  	v48 =	vmul.f32 v17, v12;
	v18 =	vmul.f32 v46, v18  }
0x190: {  	v45 =	vmul.f32 v44, v19;
	v27 =	vsub.f32 $1.500000000e+00, v40;
	v50 =	vmul.f32 v20, v15  }
0x191: {  	v25 =	vmul.f32 v48, v17;
	v51 =	vmul.f32 v18, v16  }
0x192: {  	v26 =	vsub.f32 $1.500000000e+00, v49;
	v22 =	vmul.f32 v27, v22;
	v28 =	vmul.f32 v50, v20  }
0x193: {  	v27 =	vsub.f32 $1.500000000e+00, v45;
	v25 =	vsub.f32 $1.500000000e+00, v25;
	v29 =	vmul.f32 v51, v18  }
0x194: {  	vm0 =	vgt.f32 v5, $5.000000000e-01;
	v23 =	vmul.f32 v26, v23;
	v53 =	vsub.f32 $1.500000000e+00, v28  }
0x195: {  	v19 =	vmul.f32 v27, v19;
	v17 =	vmul.f32 v25, v17;
	v54 =	vsub.f32 $1.500000000e+00, v29  }
0x196: {  	vm9 =	vgt.f32 v6, $5.000000000e-01;
	v55 =	vmul.f32 v23, v11;
	v20 =	vmul.f32 v53, v20  }
0x197: {  	vm10 =	vgt.f32 v4, $5.000000000e-01;
	v5 =	vmul.f32 v17, v12;
	v18 =	vmul.f32 v54, v18  }
0x198: {  	vm11 =	vgt.f32 v3, $5.000000000e-01;
	v56 =	vmul.f32 v55, v23;
	v26 =	vmul.f32 v20, v15  }
0x199: {  	vm12 =	vgt.f32 v7, $5.000000000e-01;
	v5 =	vmul.f32 v5, v17;
	v6 =	vmul.f32 v18, v16  }
0x19a: {  	v52 =	vmul.f32 v22, v10;
	v25 =	vsub.f32 $1.500000000e+00, v56;
	v26 =	vmul.f32 v26, v20  }
0x19b: {  	v57 =	vmul.f32 v19, v9;
	v5 =	vsub.f32 $1.500000000e+00, v5;
	v6 =	vmul.f32 v6, v18  }
0x19c: {  	v10 =	vmul.f32 v52, v22;
	v58 =	vmul.f32 v25, v23;
	v59 =	vsub.f32 $1.500000000e+00, v26  }
0x19d: {  	v9 =	vmul.f32 v57, v19;
	v5 =	vmul.f32 v5, v17;
	v6 =	vsub.f32 $1.500000000e+00, v6  }
0x19e: {  	v60 =	vnsel vm9, $0x0, v61;
	v61 =	vmul.f32 v58, v11;
	v20 =	vmul.f32 v59, v20  }
0x19f: {  	v21 =	vnsel vm0, $0x0, v21;
	v4 =	vmul.f32 v5, v12;
	v6 =	vmul.f32 v6, v18  }
0x1a0: {  	v10 =	vsub.f32 $1.500000000e+00, v10;
	v11 =	vmul.f32 v61, v58;
	v62 =	vmul.f32 v20, v15  }
0x1a1: {  	v9 =	vsub.f32 $1.500000000e+00, v9;
	v4 =	vmul.f32 v4, v5;
	v63 =	vmul.f32 v6, v16  }
0x1a2: {  	v10 =	vmul.f32 v10, v22;
	v11 =	vsub.f32 $1.500000000e+00, v11;
	v12 =	vmul.f32 v62, v20  }
0x1a3: {  	[tilespmem:s26+$0xF100] =	vst v21;
	v9 =	vmul.f32 v9, v19;
	v3 =	vsub.f32 $1.500000000e+00, v4;
	v4 =	vmul.f32 v63, v6  }
0x1a4: {  	[tilespmem:s26+$0xF110] =	vst v60;
	v10 =	vnsel vm10, $0x0, v10;
	v11 =	vmul.f32 v11, v58;
	v12 =	vsub.f32 $1.500000000e+00, v12  }
0x1a5: {  	[tilespmem:s28+$0xF100] =	vst v10;
	v9 =	vnsel vm11, $0x0, v9;
	v3 =	vmul.f32 v3, v5;
	v4 =	vsub.f32 $1.500000000e+00, v4  }
0x1a6: {  	vm13 =	vgt.f32 v8, $5.000000000e-01;
	[tilespmem:s28+$0xF110] =	vst v9;
	v5 =	vnsel vm12, $0x0, v11;
	v7 =	vmul.f32 v12, v20  }
0x1a7: {  	vm14 =	vgt.f32 v14, $5.000000000e-01;
	[tilespmem:s29+$0xF100] =	vst v5;
	v3 =	vnsel vm13, $0x0, v3;
	v4 =	vmul.f32 v4, v6  }
0x1a8: {  	vm15 =	vgt.f32 v13, $5.000000000e-01;
	[tilespmem:s29+$0xF110] =	vst v3;
	v3 =	vnsel vm14, $0x0, v7  }
0x1a9: {  	[tilespmem:s30+$0xF100] =	vst v3;
	v3 =	vnsel vm15, $0x0, v4  }
0x1aa: {  	[tilespmem:s30+$0xF110] =	vst v3  }
0x1ab: {  	[spmem:s10] =	stream.linear.scatter [tilespmem:s22], [sflag:$0x3], $0x280, $0x38;
	[tilespmem:$0xFB00] =	vst v63  }
0x1ac: {  	_ =	swait.ge [sflag:s15], $0x280  }
0x1ad: {  	[sflag:s15] =	ssyncset.done $0x0  }
0x1ae: {  	[sflag:s15] =	ssyncadd.s32 $0xFFFFFD80  }
0x1af: {  	[bflag:$0x0] =	sbarrier.arrive $0xFFFF  }
0x1b0: {  	[tilespmem:s23], [sflag:$0x3] =	stream.linear.gather [spmem:s4], $0x2800, $0x38;
	[tilespmem:$0xFB00] =	vst v63  }
0x1b1: {  	_ =	swait.ge [sflag:s15], $0x2800  }
0x1b2: {  	[sflag:s15] =	ssyncset.done $0x0  }
0x1b3: {  	s28 =	simm.s32 $0x0;
	[sflag:s15] =	ssyncadd.s32 $0xFFFFD800  }
0x1b4: {  	v3 =	vld [tilespmem:s28+$0x7780];
	_ =	sdelay $0x6  }
0x1b5: {  	v4 =	vld [tilespmem:s28+$0x7790]  }
0x1b6: {  	v3 =	vld.idx.msk [tilespmem:v3+s23+$0x0], $0xffff;
	_ =	sdelay $0x4  }
0x1b7: {  	[tilespmem:s28+$0x9F00] =	vst v3;
	v3 =	vld [tilespmem:s28+$0x77A0];
	_ =	sdelay $0x1  }
0x1b8: {  	v4 =	vld.idx.msk [tilespmem:v4+s23+$0x0], $0xffff;
	_ =	sdelay $0x4  }
0x1b9: {  	[tilespmem:s28+$0x9F10] =	vst v4;
	v4 =	vld [tilespmem:s28+$0x77B0]  }
0x1ba: {  	v3 =	vld.idx.msk [tilespmem:v3+s23+$0x0], $0xffff;
	_ =	sdelay $0x4  }
0x1bb: {  	[tilespmem:s28+$0x9F20] =	vst v3;
	v3 =	vld [tilespmem:s28+$0x77C0];
	_ =	sdelay $0x1  }
0x1bc: {  	v4 =	vld.idx.msk [tilespmem:v4+s23+$0x0], $0xffff;
	_ =	sdelay $0x3  }
0x1bd: {  	s26 =	simm.s32 $0x0;
	s29 =	simm.s32 $0x280;
	s30 =	simm.s32 $0x50  }
.LBB2_16:
0x1be: {  	p0 =	sne.s32 s29, $0x9B00;
	v5 =	vld [tilespmem:s30+$0x7780];
	[tilespmem:s28+$0x9F30] =	vst v4  }
0x1bf: {  	v3 =	vld.idx.msk [tilespmem:v3+s23+$0x0], $0xffff;
	_ =	sdelay $0x5  }
0x1c0: {  	v4 =	vld [tilespmem:s30+$0x7790];
	[tilespmem:s28+$0x9F40] =	vst v3;
	s28 =	smov.u32 s30  }
0x1c1: {  	v3 =	vld.idx.msk [tilespmem:v5+s23+$0x0], $0xffff;
	_ =	sdelay $0x5  }
0x1c2: {  	[tilespmem:s28+$0x9F00] =	vst v3;
	v3 =	vld [tilespmem:s28+$0x77A0]  }
0x1c3: {  	v4 =	vld.idx.msk [tilespmem:v4+s23+$0x0], $0xffff;
	_ =	sdelay $0x5  }
0x1c4: {  	[tilespmem:s28+$0x9F10] =	vst v4;
	v4 =	vld [tilespmem:s28+$0x77B0]  }
0x1c5: {  	v3 =	vld.idx.msk [tilespmem:v3+s23+$0x0], $0xffff;
	_ =	sdelay $0x5  }
0x1c6: {  	[tilespmem:s28+$0x9F20] =	vst v3;
	v3 =	vld [tilespmem:s28+$0x77C0]  }
0x1c7: {  	v4 =	vld.idx.msk [tilespmem:v4+s23+$0x0], $0xffff  }
.Ltmp7:
0x1c8: {  	(pc) =	sbr.rel @p0 .LBB2_16-.Ltmp7, $2  }
0x1c9: {  	_ =	sdelay $0x2  }
0x1ca: {  	s30 =	sshra.s32 s29, $0x2;
	s29 =	sadd.s32 $0x140, s29  }
0x1cb: {  	_ =	sdelay $0x1  }
0x1cc: {  	v5 =	vld [tilespmem:s30+$0x7780]  }
0x1cd: {  	[tilespmem:s28+$0x9F30] =	vst v4  }
0x1ce: {  	v3 =	vld.idx.msk [tilespmem:v3+s23+$0x0], $0xffff;
	_ =	sdelay $0x4  }
0x1cf: {  	v4 =	vld [tilespmem:s30+$0x7790];
	[tilespmem:s28+$0x9F40] =	vst v3  }
0x1d0: {  	v3 =	vld.idx.msk [tilespmem:v5+s23+$0x0], $0xffff;
	_ =	sdelay $0x4  }
0x1d1: {  	[tilespmem:s30+$0x9F00] =	vst v3;
	v3 =	vld [tilespmem:s30+$0x77A0];
	_ =	sdelay $0x1  }
0x1d2: {  	v4 =	vld.idx.msk [tilespmem:v4+s23+$0x0], $0xffff;
	_ =	sdelay $0x4  }
0x1d3: {  	v63 =	vld [tilespmem:s30+$0x77B0];
	[tilespmem:s30+$0x9F10] =	vst v4  }
0x1d4: {  	v3 =	vld.idx.msk [tilespmem:v3+s23+$0x0], $0xffff;
	_ =	sdelay $0x4  }
0x1d5: {  	[tilespmem:s30+$0x9F20] =	vst v3;
	v3 =	vld [tilespmem:s30+$0x77C0];
	_ =	sdelay $0x1  }
0x1d6: {  	v4 =	vld.idx.msk [tilespmem:v63+s23+$0x0], $0xffff;
	_ =	sdelay $0x4  }
0x1d7: {  	[tilespmem:s30+$0x9F30] =	vst v4  }
0x1d8: {  	v3 =	vld.idx.msk [tilespmem:v3+s23+$0x0], $0xffff;
	_ =	sdelay $0x4  }
0x1d9: {  	[tilespmem:s30+$0x9F40] =	vst v3  }
.LBB2_18:
0x1da: {  	p0 =	sne.s32 s26, $0x4C00  }
.Ltmp8:
0x1db: {  	_ = 	snop;
	(pc) =	sbr.rel @p0 .LBB2_18-.Ltmp8, $4  }
0x1dc: {  	_ = 	snop  }
0x1dd: {  	s0 =	sshra.s32 s26, $0x2  }
0x1de: {  	s26 =	sadd.s32 $0x200, s26;
	s1 =	sadd.s32 $0x9F00, s0;
	s0 =	sadd.s32 $0x5000, s0  }
0x1df: {  	[spmem:s3] =	stream.indirect.scatter.add.f32 [tilespmem:s1], [sflag:$0x2], $0x1, s0, s17, $0xb8;
	[tilespmem:$0xFB00] =	vst v63  }
0x1e0: {  	s26 =	simm.s32 $0x27  }
.LBB2_20:
0x1e1: {  	p0 =	sne.s32 s26, $0x1  }
.Ltmp9:
0x1e2: {  	_ = 	snop;
	(pc) =	sbr.rel @p0 .LBB2_20-.Ltmp9, $4  }
0x1e3: {  	_ = 	snop  }
0x1e4: {  	_ =	swait.ge [sflag:s18], $0x80  }
0x1e5: {  	[sflag:s18] =	ssyncset.done $0x0  }
0x1e6: {  	s26 =	sadd.s32 $0xFFFFFFFF, s26;
	[sflag:s18] =	ssyncadd.s32 $0xFFFFFF80  }
0x1e7: {  	s26 =	simm.s32 $0x0  }
.LBB2_22:
0x1e8: {  	p0 =	sne.s32 s26, $0x4C00  }
.Ltmp10:
0x1e9: {  	_ = 	snop;
	(pc) =	sbr.rel @p0 .LBB2_22-.Ltmp10, $4  }
0x1ea: {  	_ = 	snop  }
0x1eb: {  	s0 =	sshra.s32 s26, $0x2  }
0x1ec: {  	s26 =	sadd.s32 $0x200, s26;
	s1 =	sadd.s32 $0xB280, s0;
	s0 =	sadd.s32 $0x6380, s0  }
0x1ed: {  	[spmem:s3] =	stream.indirect.scatter.add.f32 [tilespmem:s1], [sflag:$0x2], $0x1, s0, s17, $0xb8;
	[tilespmem:$0xFB00] =	vst v63  }
0x1ee: {  	_ =	swait.ge [sflag:s18], $0x80  }
0x1ef: {  	s26 =	simm.s32 $0x26;
	[sflag:s18] =	ssyncset.done $0x0  }
.LBB2_24:
0x1f0: {  	p0 =	sne.s32 s26, $0x1;
	s26 =	sadd.s32 $0xFFFFFFFF, s26;
	[sflag:s18] =	ssyncadd.s32 $0xFFFFFF80  }
.Ltmp11:
0x1f1: {  	(pc) =	sbr.rel @p0 .LBB2_24-.Ltmp11, $3  }
0x1f2: {  	_ =	sdelay $0x1  }
0x1f3: {  	_ =	swait.ge [sflag:s18], $0x80  }
0x1f4: {  	[sflag:s18] =	ssyncset.done $0x0  }
0x1f5: {  	[sflag:s18] =	ssyncadd.s32 $0xFFFFFF80  }
0x1f6: {  	[spmem:s3] =	stream.indirect.scatter.add.f32 [tilespmem:s21], [sflag:$0x3], $0x1, s20, s19, $0xb8;
	[tilespmem:$0xFB00] =	vst v63  }
0x1f7: {  	_ =	swait.ge [sflag:s15], $0x10  }
0x1f8: {  	[sflag:s15] =	ssyncset.done $0x0  }
0x1f9: {  	[sflag:s15] =	ssyncadd.s32 $0xFFFFFFF0  }
0x1fa: {  	[bflag:$0x0] =	sbarrier.arrive $0xFFFF  }
0x1fb: {  	[tilespmem:s14], [sflag:$0x3] =	stream.linear.gather [spmem:s9], $0x280, $0x38;
	[tilespmem:$0xFB00] =	vst v63  }
0x1fc: {  	_ =	swait.ge [sflag:s15], $0x280  }
0x1fd: {  	[sflag:s15] =	ssyncset.done $0x0  }
0x1fe: {  	[sflag:s15] =	ssyncadd.s32 $0xFFFFFD80  }
0x1ff: {  	v3 =	vld [tilespmem:$0xEE80]  }
0x200: {  	v4 =	vld [tilespmem:$0xF100]  }
0x201: {  	v5 =	vld [tilespmem:$0xEE90]  }
0x202: {  	v6 =	vld [tilespmem:$0xF110]  }
0x203: {  	v7 =	vld [tilespmem:$0xEEA0]  }
0x204: {  	v8 =	vld [tilespmem:$0xF120]  }
0x205: {  	v9 =	vld [tilespmem:$0xEEB0]  }
0x206: {  	v10 =	vld [tilespmem:$0xF130]  }
0x207: {  	v11 =	vld [tilespmem:$0xEEC0]  }
0x208: {  	v12 =	vld [tilespmem:$0xF140]  }
0x209: {  	v13 =	vld [tilespmem:$0xEED0]  }
0x20a: {  	v14 =	vld [tilespmem:$0xF150]  }
0x20b: {  	v15 =	vld [tilespmem:$0xEEE0]  }
0x20c: {  	v16 =	vld [tilespmem:$0xF160]  }
0x20d: {  	v17 =	vld [tilespmem:$0xEEF0]  }
0x20e: {  	v18 =	vld [tilespmem:$0xF170]  }
0x20f: {  	v19 =	vld [tilespmem:$0xEF00]  }
0x210: {  	v20 =	vld [tilespmem:$0xF180]  }
0x211: {  	v21 =	vld [tilespmem:$0xEF10]  }
0x212: {  	v22 =	vld [tilespmem:$0xF190]  }
0x213: {  	v23 =	vld [tilespmem:$0xEF20]  }
0x214: {  	v24 =	vld [tilespmem:$0xF1A0]  }
0x215: {  	v25 =	vld [tilespmem:$0xEF30]  }
0x216: {  	v26 =	vld [tilespmem:$0xF1B0]  }
0x217: {  	v27 =	vld [tilespmem:$0xEF40]  }
0x218: {  	v28 =	vld [tilespmem:$0xF1C0]  }
0x219: {  	v29 =	vld [tilespmem:$0xEF50]  }
0x21a: {  	v30 =	vld [tilespmem:$0xF1D0]  }
0x21b: {  	v31 =	vld [tilespmem:$0xEF60]  }
0x21c: {  	v32 =	vld [tilespmem:$0xF1E0]  }
0x21d: {  	v33 =	vld [tilespmem:$0xEF70]  }
0x21e: {  	v34 =	vld [tilespmem:$0xF1F0]  }
0x21f: {  	v35 =	vld [tilespmem:$0xEF80]  }
0x220: {  	v36 =	vld [tilespmem:$0xF200]  }
0x221: {  	v37 =	vld [tilespmem:$0xEF90]  }
0x222: {  	v38 =	vld [tilespmem:$0xF210]  }
0x223: {  	v39 =	vld [tilespmem:$0xEFA0]  }
0x224: {  	v40 =	vld [tilespmem:$0xF220]  }
0x225: {  	v41 =	vld [tilespmem:$0xEFB0]  }
0x226: {  	v42 =	vld [tilespmem:$0xF230]  }
0x227: {  	v43 =	vld [tilespmem:$0xEFC0]  }
0x228: {  	v44 =	vld [tilespmem:$0xF240]  }
0x229: {  	v45 =	vld [tilespmem:$0xEFD0]  }
0x22a: {  	v46 =	vld [tilespmem:$0xF250]  }
0x22b: {  	v47 =	vld [tilespmem:$0xEFE0]  }
0x22c: {  	v48 =	vld [tilespmem:$0xEFF0];
	v3 =	vmul.f32 v4, v3  }
0x22d: {  	v49 =	vld [tilespmem:$0xF270];
	v5 =	vmul.f32 v6, v5  }
0x22e: {  	v51 =	vld [tilespmem:$0xF000];
	v50 =	vmul.f32 v10, v9;
	[tilespmem:$0xEE80] =	vst v3  }
0x22f: {  	v52 =	vld [tilespmem:$0xF280];
	v3 =	vmul.f32 v8, v7;
	[tilespmem:$0xEE90] =	vst v5  }
0x230: {  	v54 =	vld [tilespmem:$0xF010];
	v53 =	vmul.f32 v14, v13;
	[tilespmem:$0xEEB0] =	vst v50  }
0x231: {  	v55 =	vld [tilespmem:$0xF290];
	[tilespmem:$0xEEA0] =	vst v3;
	v3 =	vmul.f32 v12, v11  }
0x232: {  	v57 =	vld [tilespmem:$0xF020];
	v56 =	vmul.f32 v18, v17;
	[tilespmem:$0xEED0] =	vst v53  }
0x233: {  	v58 =	vld [tilespmem:$0xF2A0];
	[tilespmem:$0xEEC0] =	vst v3;
	v3 =	vmul.f32 v16, v15  }
0x234: {  	v60 =	vld [tilespmem:$0xF030];
	v59 =	vmul.f32 v22, v21;
	[tilespmem:$0xEEF0] =	vst v56  }
0x235: {  	v61 =	vld [tilespmem:$0xF2B0];
	[tilespmem:$0xEEE0] =	vst v3;
	v3 =	vmul.f32 v20, v19  }
0x236: {  	v63 =	vld [tilespmem:$0xF040];
	v62 =	vmul.f32 v26, v25;
	[tilespmem:$0xEF10] =	vst v59  }
0x237: {  	v4 =	vld [tilespmem:$0xF260];
	[tilespmem:$0xEF00] =	vst v3;
	v3 =	vmul.f32 v24, v23  }
0x238: {  	v29 =	vmul.f32 v30, v29;
	v30 =	vld [tilespmem:$0xF050];
	[tilespmem:$0xEF30] =	vst v62  }
0x239: {  	v59 =	vld [tilespmem:$0xF0F0];
	[tilespmem:$0xEF20] =	vst v3;
	v3 =	vmul.f32 v28, v27  }
0x23a: {  	[tilespmem:$0xEF50] =	vst v29;
	v50 =	vmul.f32 v61, v60;
	v60 =	vld [tilespmem:$0xF370]  }
0x23b: {  	v28 =	vld [tilespmem:$0xF2C0];
	[tilespmem:$0xEF40] =	vst v3;
	v3 =	vmul.f32 v32, v31  }
0x23c: {  	[tilespmem:$0xF030] =	vst v50;
	v31 =	vld [tilespmem:$0xF2D0];
	v32 =	vmul.f32 v34, v33  }
0x23d: {  	v33 =	vld [tilespmem:$0xF060];
	[tilespmem:$0xEF60] =	vst v3;
	v3 =	vmul.f32 v36, v35  }
0x23e: {  	v34 =	vld [tilespmem:$0xF2E0];
	[tilespmem:$0xEF70] =	vst v32;
	v35 =	vmul.f32 v38, v37  }
0x23f: {  	v36 =	vld [tilespmem:$0xF070];
	[tilespmem:$0xEF80] =	vst v3;
	v3 =	vmul.f32 v40, v39  }
0x240: {  	v37 =	vld [tilespmem:$0xF2F0];
	v38 =	vmul.f32 v42, v41;
	[tilespmem:$0xEF90] =	vst v35  }
0x241: {  	v42 =	vld [tilespmem:$0xF090];
	[tilespmem:$0xEFA0] =	vst v3;
	v3 =	vmul.f32 v44, v43  }
0x242: {  	v41 =	vmul.f32 v46, v45;
	v45 =	vld [tilespmem:$0xF0A0];
	[tilespmem:$0xEFB0] =	vst v38  }
0x243: {  	v46 =	vld [tilespmem:$0xF320];
	[tilespmem:$0xEFC0] =	vst v3;
	v3 =	vmul.f32 v4, v47  }
0x244: {  	v39 =	vld [tilespmem:$0xF080];
	[tilespmem:$0xEFD0] =	vst v41;
	v53 =	vmul.f32 v31, v30  }
0x245: {  	v40 =	vld [tilespmem:$0xF300];
	[tilespmem:$0xEFE0] =	vst v3;
	v3 =	vmul.f32 v52, v51  }
0x246: {  	v43 =	vld [tilespmem:$0xF310];
	v44 =	vmul.f32 v49, v48;
	[tilespmem:$0xF050] =	vst v53  }
0x247: {  	v48 =	vld [tilespmem:$0xF0B0];
	[tilespmem:$0xF000] =	vst v3;
	v3 =	vmul.f32 v58, v57  }
0x248: {  	v49 =	vld [tilespmem:$0xF330];
	v56 =	vmul.f32 v37, v36;
	[tilespmem:$0xEFF0] =	vst v44  }
0x249: {  	v47 =	vmul.f32 v55, v54;
	v54 =	vld [tilespmem:$0xF0D0];
	[tilespmem:$0xF020] =	vst v3;
	v3 =	vmul.f32 v28, v63  }
0x24a: {  	v55 =	vld [tilespmem:$0xF350];
	[tilespmem:$0xF070] =	vst v56  }
0x24b: {  	v51 =	vld [tilespmem:$0xF0C0];
	[tilespmem:$0xF040] =	vst v3;
	v3 =	vmul.f32 v34, v33  }
0x24c: {  	[tilespmem:$0xF010] =	vst v47;
	v52 =	vld [tilespmem:$0xF340];
	v4 =	vmul.f32 v43, v42  }
0x24d: {  	v57 =	vld [tilespmem:$0xF0E0];
	[tilespmem:$0xF060] =	vst v3;
	v3 =	vmul.f32 v40, v39  }
0x24e: {  	v61 =	vmul.f32 v49, v48;
	v58 =	vld [tilespmem:$0xF360];
	[tilespmem:$0xF090] =	vst v4  }
0x24f: {  	[tilespmem:$0xF080] =	vst v3;
	v3 =	vmul.f32 v46, v45  }
0x250: {  	[tilespmem:$0xF0B0] =	vst v61;
	v62 =	vmul.f32 v55, v54  }
0x251: {  	[tilespmem:$0xF0A0] =	vst v3;
	v3 =	vmul.f32 v52, v51  }
0x252: {  	v63 =	vmul.f32 v60, v59;
	[tilespmem:$0xF0D0] =	vst v62  }
0x253: {  	s25 =	sadd.s32 $0x1, s25;
	[tilespmem:$0xF0C0] =	vst v3;
	v3 =	vmul.f32 v58, v57  }
0x254: {  	p0 =	sne.s32 s25, s12;
	[tilespmem:$0xF0F0] =	vst v63  }
.Ltmp12:
0x255: {  	[tilespmem:$0xF0E0] =	vst v3;
	(pc) =	sbr.rel @p0 .LBB2_1-.Ltmp12, $4  }
0x256: {  	[hbm4b:s11+s17] =	stream.strided.scatter [tilespmem:s14], [sflag:$0x3], $0x280, s24, s17, $0x38;
	[tilespmem:$0xFB00] =	vst v63  }
0x257: {  	_ =	swait.ge [sflag:s15], $0x280  }
0x258: {  	[sflag:s15] =	ssyncset.done $0x0  }
0x259: {  	[sflag:s15] =	ssyncadd.s32 $0xFFFFFD80  }
0x25a: {  	_ =	sfence.sel $0x180000  }
0x25b: {  	[bflag:$0x0] =	sbarrier.arrive $0xFFFF  }
0x25c: {  	_ =	strace $0x90000047  }
0x25d: {  	s0 =	stileid.u32;
	[bflag:$0x2] =	sbarrier.arrive $0xFFFF  }
0x25e: {  	p0 =	sne.s32 s0, $0x0;
	s0 =	rddreg [dreg:$0x5]  }
0x25f: {  	s0 =	sadd.s32 @!p0 $0x100000, s0  }
0x260: {  	[sflag:s0] =	ssyncadd.tile.s32 @!p0 $0x1;
	_ =	shalt  }
.Lfunc_end2:
_tile_overlayer_lowered:
.L_overlay_start_2:
0x261: {  	(tag) =	ssettag $0x2  }
0x262: {  	s0 =	rddreg [dreg:$0x0];
	s2 =	stileid.u32  }
0x263: {  	s1 =	rddreg [dreg:$0x1];
	p0 =	sne.s32 s2, $0x0  }
0x264: {  	s3 =	rddreg [dreg:$0x2];
	[bflag:$0x3] =	sbarrier.arrive $0xFFFF;
	s2 =	simm.s32 @!p0 $0x1C03  }
0x265: {  	[timem:s3], [sflag:s2] =	dma.local @!p0 [hbm:s0], s1  }
0x266: {  	s0 =	simm.s32 @!p0 $0x3  }
0x267: {  	_ =	swait.ge @!p0 [sflag:s0], s1  }
0x268: {  	s1 =	ssub.s32 @!p0 $0x0, s1;
	[sflag:s0] =	ssyncset.done @!p0 $0x0  }
0x269: {  	[sflag:s0] =	ssyncadd.s32 @!p0 s1  }
0x26a: {  	[bflag:$0x3] =	sbarrier.arrive $0xFFFF  }
0x26b: {  	_ =	shalt  }

</sc_bundles>
